<compile_context>
chip_gen: v7x
topology: tpu7x:2x2x1
jax: 0.10.2.dev20260603
libtpu: 0.0.44.dev20260713+nightly
codegen_flags: <defaults>
</compile_context>

<pallas_src>
import functools

import jax
import jax.numpy as jnp
from jax import lax
from jax.experimental import pallas as pl
from jax.experimental.pallas import tpu as pltpu
from jax.experimental.pallas import tpu_sc as plsc

D = 64
S = 65
V = 38
B = 16384
NC, NS, L = 2, 16, 16
DS = 8
NDG = D // DS
NBG = (NC * NS) // NDG
CB = B // NBG
VPAD = 48
FW = S * DS * VPAD


def _body(in_hbm, token_hbm, pos_hbm, out_hbm,
          token_v, pos_v, token_t, fused, idx0, idx1, slab0, slab1,
          osem0, osem1, isem0, isem1):
    cid = lax.axis_index("c")
    sid = lax.axis_index("s")
    wid = sid * NC + cid
    d0 = (wid % NDG) * DS
    b0 = (wid // NDG) * CB

    pltpu.sync_copy(token_hbm, token_v)
    pltpu.sync_copy(pos_hbm, pos_v)

    for dd in range(DS):
        for c2 in range(VPAD // L):
            vv = jnp.minimum(
                lax.broadcasted_iota(jnp.int32, (L,), 0) + (c2 * L), V - 1)
            token_t[pl.ds(dd * VPAD + c2 * L, L)] = plsc.load_gather(
                token_v, [vv * D + (d0 + dd)])

    def build_s(s, carry):
        for dd in range(DS):
            pv = plsc.load_gather(
                pos_v, [jnp.full((L,), 0, jnp.int32) + (s * D + d0 + dd)])
            for c2 in range(VPAD // L):
                fused[pl.ds(s * (DS * VPAD) + dd * VPAD + c2 * L, L)] = (
                    token_t[pl.ds(dd * VPAD + c2 * L, L)] + pv)
        return carry

    lax.fori_loop(0, S, build_s, 0)

    def prefetch(s, ibuf, isem):
        pltpu.async_copy(in_hbm.at[pl.ds(s * B + b0, CB)], ibuf, isem)

    def emit_slab(s, slab, osem, ibuf, isem, first):
        pltpu.make_async_copy(
            in_hbm.at[pl.ds(0, CB)], ibuf, isem).wait()
        sbase = s * (DS * VPAD)
        if not first:
            pltpu.make_async_copy(
                slab, out_hbm.at[pl.ds(0, 1), pl.ds(0, DS), pl.ds(0, CB)],
                osem).wait()

        @plsc.parallel_loop(0, CB // L, unroll=2)
        def cbody(c):
            raw = ibuf[pl.ds(c * L, L)]
            rawb = raw + sbase
            for dd in range(DS):
                val = plsc.load_gather(fused, [rawb + dd * VPAD])
                slab[0, dd, pl.ds(c * L, L)] = val

        @pl.when(s >= 2)
        def _():
            prefetch(s - 2, ibuf, isem)
        pltpu.async_copy(
            slab, out_hbm.at[pl.ds(s, 1), pl.ds(d0, DS), pl.ds(b0, CB)],
            osem)

    prefetch(S - 1, idx0, isem0)
    prefetch(S - 2, idx1, isem1)
    emit_slab(S - 1, slab0, osem0, idx0, isem0, True)
    emit_slab(S - 2, slab1, osem1, idx1, isem1, True)

    def pair_body(k, carry):
        emit_slab(S - 3 - 2 * k, slab0, osem0, idx0, isem0, False)
        emit_slab(S - 4 - 2 * k, slab1, osem1, idx1, isem1, False)
        return carry

    lax.fori_loop(0, (S - 3) // 2, pair_body, 0)
    emit_slab(0, slab0, osem0, idx0, isem0, False)

    for slab, osem in ((slab0, osem0), (slab1, osem1)):
        pltpu.make_async_copy(
            slab, out_hbm.at[pl.ds(0, 1), pl.ds(0, DS), pl.ds(0, CB)],
            osem).wait()


@jax.jit
def kernel(inputs, token_table, pos_table):
    mesh = plsc.VectorSubcoreMesh(
        core_axis_name="c", subcore_axis_name="s",
        num_cores=NC, num_subcores=NS)
    run = functools.partial(
        pl.kernel,
        out_type=jax.ShapeDtypeStruct((S, D, B), jnp.float32),
        mesh=mesh,
        scratch_types=[
            pltpu.VMEM((V * D,), jnp.float32),
            pltpu.VMEM((S * D,), jnp.float32),
            pltpu.VMEM((DS * VPAD,), jnp.float32),
            pltpu.VMEM((FW,), jnp.float32),
            pltpu.VMEM((CB,), jnp.int32),
            pltpu.VMEM((CB,), jnp.int32),
            pltpu.VMEM((1, DS, CB), jnp.float32),
            pltpu.VMEM((1, DS, CB), jnp.float32),
            pltpu.SemaphoreType.DMA,
            pltpu.SemaphoreType.DMA,
            pltpu.SemaphoreType.DMA,
            pltpu.SemaphoreType.DMA,
        ],
        compiler_params=pltpu.CompilerParams(
            use_tc_tiling_on_sc=False, needs_layout_passes=False),
    )(_body)
    out_t = run(inputs.T.reshape(S * B), token_table.reshape(V * D),
                pos_table.reshape(S * D))
    return out_t.transpose(2, 0, 1)

# --- scband reference (transcript-rebuilt; emitter-appended) ---
"""Pipeline reference for scband-board-embedding-82068235092406 (READ-ONLY COPY).

The authoritative reference and input builder live on the scoring server;
editing this copy changes nothing except your own understanding.
"""

import jax, jax.numpy as jnp
import numpy as np

EMBED_DIM = 64
BOARD_SEQ_LEN = 65
BOARD_MODALITY_CLASSES = 38
BATCH = 16384


def get_pos_encoding_matrix(max_len, d_emb):
    pos_enc = np.array([
        [pos / np.power(10000, 2 * (j // 2) / d_emb) for j in range(d_emb)]
        if pos != 0 else np.zeros(d_emb)
        for pos in range(max_len)
    ])
    pos_enc[1:, 0::2] = np.sin(pos_enc[1:, 0::2])
    pos_enc[1:, 1::2] = np.cos(pos_enc[1:, 1::2])
    return pos_enc


def setup_inputs(seed: int = 0) -> dict:
    key = jax.random.key(seed)
    k1, k2 = jax.random.split(key)
    inputs = jax.random.randint(k1, (BATCH, BOARD_SEQ_LEN), 0, BOARD_MODALITY_CLASSES)
    token_table = jax.random.normal(k2, (BOARD_MODALITY_CLASSES, EMBED_DIM), dtype=jnp.float32) * 0.05
    pos_table = jnp.asarray(get_pos_encoding_matrix(BOARD_SEQ_LEN, EMBED_DIM), dtype=jnp.float32)
    return {"inputs": inputs, "token_table": token_table, "pos_table": pos_table}


def reference(inputs, token_table, pos_table):
    # token embedding lookup: gather rows of token_table
    board_embedding = jnp.take(token_table, inputs, axis=0)  # [B, S, D]
    # positional embedding lookup over range(board_seq_length)
    pos_ids = jnp.arange(0, BOARD_SEQ_LEN, 1)
    board_position_embeddings = jnp.take(pos_table, pos_ids, axis=0)  # [S, D]
    board_embedding = board_embedding + board_position_embeddings[None, :, :]
    return board_embedding

if __name__ == "__main__":
    import jax
    _d = setup_inputs()
    print(jax.jit(kernel)(*tuple(_d.values())))

</pallas_src>

<mosaic_0001>
#map = affine_map<(d0, d1) -> (0)>
#map1 = affine_map<(d0, d1) -> (0, 0, 0)>
module attributes {stable_mosaic.version = 14 : i64} {
  func.func @_body(%arg0: i32, %arg1: i32, %arg2: memref<1064960xi32, #tpu.memory_space<hbm>>, %arg3: memref<2432xf32, #tpu.memory_space<hbm>>, %arg4: memref<4160xf32, #tpu.memory_space<hbm>>, %arg5: memref<65x64x16384xf32, #tpu.memory_space<hbm>>, %arg6: memref<2432xf32, #tpu.memory_space<vmem>>, %arg7: memref<4160xf32, #tpu.memory_space<vmem>>, %arg8: memref<384xf32, #tpu.memory_space<vmem>>, %arg9: memref<24960xf32, #tpu.memory_space<vmem>>, %arg10: memref<4096xi32, #tpu.memory_space<vmem>>, %arg11: memref<4096xi32, #tpu.memory_space<vmem>>, %arg12: memref<1x8x4096xf32, #tpu.memory_space<vmem>>, %arg13: memref<1x8x4096xf32, #tpu.memory_space<vmem>>, %arg14: memref<!tpu.dma_semaphore, #tpu.memory_space<semaphore_mem>>, %arg15: memref<!tpu.dma_semaphore, #tpu.memory_space<semaphore_mem>>, %arg16: memref<!tpu.dma_semaphore, #tpu.memory_space<semaphore_mem>>, %arg17: memref<!tpu.dma_semaphore, #tpu.memory_space<semaphore_mem>>) attributes {dimension_semantics = [#tpu.dimension_semantics<core_parallel>, #tpu.dimension_semantics<subcore_parallel>], iteration_bounds = array<i64: 2, 16>, scalar_prefetch = 0 : i64, scratch_operands = 12 : i64, tpu.core_type = #tpu.core_type<sc_vector_subcore>, window_params = [{transform_indices = #map}, {transform_indices = #map}, {transform_indices = #map}, {transform_indices = #map1}]} {
    %mul3A = arith.constant 2 : i32
    %mul3A_0 = arith.muli %arg1, %mul3A : i32
    %add3A = arith.addi %mul3A_0, %arg0 : i32
    %jit3A = arith.constant 8 : i32
    %eq3A = arith.constant 0 : i32
    %eq3A_1 = arith.cmpi eq, %jit3A, %eq3A : i32
    %jit3A_2 = arith.constant 1 : i32
    %select_n3A = arith.select %eq3A_1, %jit3A_2, %jit3A : i32
    %rem3A = arith.remsi %add3A, %select_n3A : i32
    %ne3A = arith.constant 0 : i32
    %ne3A_3 = arith.cmpi ne, %rem3A, %ne3A : i32
    %lt3A = arith.constant 0 : i32
    %lt3A_4 = arith.cmpi slt, %rem3A, %lt3A : i32
    %lt3A_5 = arith.constant 0 : i32
    %lt3A_6 = arith.cmpi slt, %select_n3A, %lt3A_5 : i32
    %ne3A_7 = arith.xori %lt3A_4, %lt3A_6 : i1
    %and3A = arith.andi %ne3A_7, %ne3A_3 : i1
    %add3A_8 = arith.addi %rem3A, %select_n3A : i32
    %select_n3A_9 = arith.select %and3A, %add3A_8, %rem3A : i32
    %mul3A_10 = arith.constant 8 : i32
    %mul3A_11 = arith.muli %select_n3A_9, %mul3A_10 : i32
    %jit3A_12 = arith.constant 8 : i32
    %div3A = arith.divsi %add3A, %jit3A_12 : i32
    %sign3A = arith.constant 0 : i32
    %sign3A_13 = arith.cmpi sgt, %add3A, %sign3A : i32
    %sign3A_14 = arith.extui %sign3A_13 : i1 to i32
    %sign3A_15 = arith.constant 0 : i32
    %sign3A_16 = arith.cmpi slt, %add3A, %sign3A_15 : i32
    %sign3A_17 = arith.extui %sign3A_16 : i1 to i32
    %sign3A_18 = arith.subi %sign3A_14, %sign3A_17 : i32
    %sign3A_19 = arith.constant 0 : i32
    %sign3A_20 = arith.cmpi sgt, %jit3A_12, %sign3A_19 : i32
    %sign3A_21 = arith.extui %sign3A_20 : i1 to i32
    %sign3A_22 = arith.constant 0 : i32
    %sign3A_23 = arith.cmpi slt, %jit3A_12, %sign3A_22 : i32
    %sign3A_24 = arith.extui %sign3A_23 : i1 to i32
    %sign3A_25 = arith.subi %sign3A_21, %sign3A_24 : i32
    %ne3A_26 = arith.cmpi ne, %sign3A_18, %sign3A_25 : i32
    %rem3A_27 = arith.remsi %add3A, %jit3A_12 : i32
    %ne3A_28 = arith.constant 0 : i32
    %ne3A_29 = arith.cmpi ne, %rem3A_27, %ne3A_28 : i32
    %and3A_30 = arith.andi %ne3A_26, %ne3A_29 : i1
    %sub3A = arith.constant 1 : i32
    %sub3A_31 = arith.subi %div3A, %sub3A : i32
    %select_n3A_32 = arith.select %and3A_30, %sub3A_31, %div3A : i32
    %mul3A_33 = arith.constant 4096 : i32
    %mul3A_34 = arith.muli %select_n3A_32, %mul3A_33 : i32
    "tpu.region"() ({
      %run_scoped3A = tpu.sem_alloc : memref<!tpu.dma_semaphore, #tpu.memory_space<semaphore_mem>>
      tpu.enqueue_dma source(%arg3 : memref<2432xf32, #tpu.memory_space<hbm>>) target(%arg6 : memref<2432xf32, #tpu.memory_space<vmem>>) target_semaphore(%run_scoped3A : memref<!tpu.dma_semaphore, #tpu.memory_space<semaphore_mem>>)
      tpu.wait_dma2 semaphore(%run_scoped3A : memref<!tpu.dma_semaphore, #tpu.memory_space<semaphore_mem>>) src(%arg3 : memref<2432xf32, #tpu.memory_space<hbm>>) dst(%arg6 : memref<2432xf32, #tpu.memory_space<vmem>>)
      tpu.yield
    }) : () -> ()
    "tpu.region"() ({
      %run_scoped3A = tpu.sem_alloc : memref<!tpu.dma_semaphore, #tpu.memory_space<semaphore_mem>>
      tpu.enqueue_dma source(%arg4 : memref<4160xf32, #tpu.memory_space<hbm>>) target(%arg7 : memref<4160xf32, #tpu.memory_space<vmem>>) target_semaphore(%run_scoped3A : memref<!tpu.dma_semaphore, #tpu.memory_space<semaphore_mem>>)
      tpu.wait_dma2 semaphore(%run_scoped3A : memref<!tpu.dma_semaphore, #tpu.memory_space<semaphore_mem>>) src(%arg4 : memref<4160xf32, #tpu.memory_space<hbm>>) dst(%arg7 : memref<4160xf32, #tpu.memory_space<vmem>>)
      tpu.yield
    }) : () -> ()
    %iota3A = tpu.iota {dimensions = array<i32: 0>} : vector<16xi32>
    %add3A_35 = arith.constant 0 : i32
    %add3A_36 = vector.broadcast %add3A_35 : i32 to vector<16xi32>
    %add3A_37 = arith.addi %iota3A, %add3A_36 : vector<16xi32>
    %min3A = arith.constant 37 : i32
    %min3A_38 = vector.broadcast %min3A : i32 to vector<16xi32>
    %min3A_39 = arith.minsi %add3A_37, %min3A_38 : vector<16xi32>
    %mul3A_40 = arith.constant 64 : i32
    %mul3A_41 = vector.broadcast %mul3A_40 : i32 to vector<16xi32>
    %mul3A_42 = arith.muli %min3A_39, %mul3A_41 : vector<16xi32>
    %add3A_43 = arith.constant 0 : i32
    %add3A_44 = arith.addi %mul3A_11, %add3A_43 : i32
    %add3A_45 = vector.broadcast %add3A_44 : i32 to vector<16xi32>
    %add3A_46 = arith.addi %mul3A_42, %add3A_45 : vector<16xi32>
    %gather3A = tpu.vector_load_idx %arg6[%add3A_46] : memref<2432xf32, #tpu.memory_space<vmem>>[vector<16xi32>], vector<16xf32>,
    %swap3A = arith.constant 0 : index
    %swap3A_47 = tpu.vector_load %arg8[%swap3A] {strides = array<i32>} : memref<384xf32, #tpu.memory_space<vmem>>, vector<16xf32>,
    tpu.vector_store %arg8[%swap3A], %gather3A {strides = array<i32>} : memref<384xf32, #tpu.memory_space<vmem>>, vector<16xf32>,
    %iota3A_48 = tpu.iota {dimensions = array<i32: 0>} : vector<16xi32>
    %add3A_49 = arith.constant 16 : i32
    %add3A_50 = vector.broadcast %add3A_49 : i32 to vector<16xi32>
    %add3A_51 = arith.addi %iota3A_48, %add3A_50 : vector<16xi32>
    %min3A_52 = arith.constant 37 : i32
    %min3A_53 = vector.broadcast %min3A_52 : i32 to vector<16xi32>
    %min3A_54 = arith.minsi %add3A_51, %min3A_53 : vector<16xi32>
    %mul3A_55 = arith.constant 64 : i32
    %mul3A_56 = vector.broadcast %mul3A_55 : i32 to vector<16xi32>
    %mul3A_57 = arith.muli %min3A_54, %mul3A_56 : vector<16xi32>
    %add3A_58 = arith.constant 0 : i32
    %add3A_59 = arith.addi %mul3A_11, %add3A_58 : i32
    %add3A_60 = vector.broadcast %add3A_59 : i32 to vector<16xi32>
    %add3A_61 = arith.addi %mul3A_57, %add3A_60 : vector<16xi32>
    %gather3A_62 = tpu.vector_load_idx %arg6[%add3A_61] : memref<2432xf32, #tpu.memory_space<vmem>>[vector<16xi32>], vector<16xf32>,
    %swap3A_63 = arith.constant 16 : index
    %swap3A_64 = tpu.vector_load %arg8[%swap3A_63] {strides = array<i32>} : memref<384xf32, #tpu.memory_space<vmem>>, vector<16xf32>,
    tpu.vector_store %arg8[%swap3A_63], %gather3A_62 {strides = array<i32>} : memref<384xf32, #tpu.memory_space<vmem>>, vector<16xf32>,
    %iota3A_65 = tpu.iota {dimensions = array<i32: 0>} : vector<16xi32>
    %add3A_66 = arith.constant 32 : i32
    %add3A_67 = vector.broadcast %add3A_66 : i32 to vector<16xi32>
    %add3A_68 = arith.addi %iota3A_65, %add3A_67 : vector<16xi32>
    %min3A_69 = arith.constant 37 : i32
    %min3A_70 = vector.broadcast %min3A_69 : i32 to vector<16xi32>
    %min3A_71 = arith.minsi %add3A_68, %min3A_70 : vector<16xi32>
    %mul3A_72 = arith.constant 64 : i32
    %mul3A_73 = vector.broadcast %mul3A_72 : i32 to vector<16xi32>
    %mul3A_74 = arith.muli %min3A_71, %mul3A_73 : vector<16xi32>
    %add3A_75 = arith.constant 0 : i32
    %add3A_76 = arith.addi %mul3A_11, %add3A_75 : i32
    %add3A_77 = vector.broadcast %add3A_76 : i32 to vector<16xi32>
    %add3A_78 = arith.addi %mul3A_74, %add3A_77 : vector<16xi32>
    %gather3A_79 = tpu.vector_load_idx %arg6[%add3A_78] : memref<2432xf32, #tpu.memory_space<vmem>>[vector<16xi32>], vector<16xf32>,
    %swap3A_80 = arith.constant 32 : index
    %swap3A_81 = tpu.vector_load %arg8[%swap3A_80] {strides = array<i32>} : memref<384xf32, #tpu.memory_space<vmem>>, vector<16xf32>,
    tpu.vector_store %arg8[%swap3A_80], %gather3A_79 {strides = array<i32>} : memref<384xf32, #tpu.memory_space<vmem>>, vector<16xf32>,
    %iota3A_82 = tpu.iota {dimensions = array<i32: 0>} : vector<16xi32>
    %add3A_83 = arith.constant 0 : i32
    %add3A_84 = vector.broadcast %add3A_83 : i32 to vector<16xi32>
    %add3A_85 = arith.addi %iota3A_82, %add3A_84 : vector<16xi32>
    %min3A_86 = arith.constant 37 : i32
    %min3A_87 = vector.broadcast %min3A_86 : i32 to vector<16xi32>
    %min3A_88 = arith.minsi %add3A_85, %min3A_87 : vector<16xi32>
    %mul3A_89 = arith.constant 64 : i32
    %mul3A_90 = vector.broadcast %mul3A_89 : i32 to vector<16xi32>
    %mul3A_91 = arith.muli %min3A_88, %mul3A_90 : vector<16xi32>
    %add3A_92 = arith.constant 1 : i32
    %add3A_93 = arith.addi %mul3A_11, %add3A_92 : i32
    %add3A_94 = vector.broadcast %add3A_93 : i32 to vector<16xi32>
    %add3A_95 = arith.addi %mul3A_91, %add3A_94 : vector<16xi32>
    %gather3A_96 = tpu.vector_load_idx %arg6[%add3A_95] : memref<2432xf32, #tpu.memory_space<vmem>>[vector<16xi32>], vector<16xf32>,
    %swap3A_97 = arith.constant 48 : index
    %swap3A_98 = tpu.vector_load %arg8[%swap3A_97] {strides = array<i32>} : memref<384xf32, #tpu.memory_space<vmem>>, vector<16xf32>,
    tpu.vector_store %arg8[%swap3A_97], %gather3A_96 {strides = array<i32>} : memref<384xf32, #tpu.memory_space<vmem>>, vector<16xf32>,
    %iota3A_99 = tpu.iota {dimensions = array<i32: 0>} : vector<16xi32>
    %add3A_100 = arith.constant 16 : i32
    %add3A_101 = vector.broadcast %add3A_100 : i32 to vector<16xi32>
    %add3A_102 = arith.addi %iota3A_99, %add3A_101 : vector<16xi32>
    %min3A_103 = arith.constant 37 : i32
    %min3A_104 = vector.broadcast %min3A_103 : i32 to vector<16xi32>
    %min3A_105 = arith.minsi %add3A_102, %min3A_104 : vector<16xi32>
    %mul3A_106 = arith.constant 64 : i32
    %mul3A_107 = vector.broadcast %mul3A_106 : i32 to vector<16xi32>
    %mul3A_108 = arith.muli %min3A_105, %mul3A_107 : vector<16xi32>
    %add3A_109 = arith.constant 1 : i32
    %add3A_110 = arith.addi %mul3A_11, %add3A_109 : i32
    %add3A_111 = vector.broadcast %add3A_110 : i32 to vector<16xi32>
    %add3A_112 = arith.addi %mul3A_108, %add3A_111 : vector<16xi32>
    %gather3A_113 = tpu.vector_load_idx %arg6[%add3A_112] : memref<2432xf32, #tpu.memory_space<vmem>>[vector<16xi32>], vector<16xf32>,
    %swap3A_114 = arith.constant 64 : index
    %swap3A_115 = tpu.vector_load %arg8[%swap3A_114] {strides = array<i32>} : memref<384xf32, #tpu.memory_space<vmem>>, vector<16xf32>,
    tpu.vector_store %arg8[%swap3A_114], %gather3A_113 {strides = array<i32>} : memref<384xf32, #tpu.memory_space<vmem>>, vector<16xf32>,
    %iota3A_116 = tpu.iota {dimensions = array<i32: 0>} : vector<16xi32>
    %add3A_117 = arith.constant 32 : i32
    %add3A_118 = vector.broadcast %add3A_117 : i32 to vector<16xi32>
    %add3A_119 = arith.addi %iota3A_116, %add3A_118 : vector<16xi32>
    %min3A_120 = arith.constant 37 : i32
    %min3A_121 = vector.broadcast %min3A_120 : i32 to vector<16xi32>
    %min3A_122 = arith.minsi %add3A_119, %min3A_121 : vector<16xi32>
    %mul3A_123 = arith.constant 64 : i32
    %mul3A_124 = vector.broadcast %mul3A_123 : i32 to vector<16xi32>
    %mul3A_125 = arith.muli %min3A_122, %mul3A_124 : vector<16xi32>
    %add3A_126 = arith.constant 1 : i32
    %add3A_127 = arith.addi %mul3A_11, %add3A_126 : i32
    %add3A_128 = vector.broadcast %add3A_127 : i32 to vector<16xi32>
    %add3A_129 = arith.addi %mul3A_125, %add3A_128 : vector<16xi32>
    %gather3A_130 = tpu.vector_load_idx %arg6[%add3A_129] : memref<2432xf32, #tpu.memory_space<vmem>>[vector<16xi32>], vector<16xf32>,
    %swap3A_131 = arith.constant 80 : index
    %swap3A_132 = tpu.vector_load %arg8[%swap3A_131] {strides = array<i32>} : memref<384xf32, #tpu.memory_space<vmem>>, vector<16xf32>,
    tpu.vector_store %arg8[%swap3A_131], %gather3A_130 {strides = array<i32>} : memref<384xf32, #tpu.memory_space<vmem>>, vector<16xf32>,
    %iota3A_133 = tpu.iota {dimensions = array<i32: 0>} : vector<16xi32>
    %add3A_134 = arith.constant 0 : i32
    %add3A_135 = vector.broadcast %add3A_134 : i32 to vector<16xi32>
    %add3A_136 = arith.addi %iota3A_133, %add3A_135 : vector<16xi32>
    %min3A_137 = arith.constant 37 : i32
    %min3A_138 = vector.broadcast %min3A_137 : i32 to vector<16xi32>
    %min3A_139 = arith.minsi %add3A_136, %min3A_138 : vector<16xi32>
    %mul3A_140 = arith.constant 64 : i32
    %mul3A_141 = vector.broadcast %mul3A_140 : i32 to vector<16xi32>
    %mul3A_142 = arith.muli %min3A_139, %mul3A_141 : vector<16xi32>
    %add3A_143 = arith.constant 2 : i32
    %add3A_144 = arith.addi %mul3A_11, %add3A_143 : i32
    %add3A_145 = vector.broadcast %add3A_144 : i32 to vector<16xi32>
    %add3A_146 = arith.addi %mul3A_142, %add3A_145 : vector<16xi32>
    %gather3A_147 = tpu.vector_load_idx %arg6[%add3A_146] : memref<2432xf32, #tpu.memory_space<vmem>>[vector<16xi32>], vector<16xf32>,
    %swap3A_148 = arith.constant 96 : index
    %swap3A_149 = tpu.vector_load %arg8[%swap3A_148] {strides = array<i32>} : memref<384xf32, #tpu.memory_space<vmem>>, vector<16xf32>,
    tpu.vector_store %arg8[%swap3A_148], %gather3A_147 {strides = array<i32>} : memref<384xf32, #tpu.memory_space<vmem>>, vector<16xf32>,
    %iota3A_150 = tpu.iota {dimensions = array<i32: 0>} : vector<16xi32>
    %add3A_151 = arith.constant 16 : i32
    %add3A_152 = vector.broadcast %add3A_151 : i32 to vector<16xi32>
    %add3A_153 = arith.addi %iota3A_150, %add3A_152 : vector<16xi32>
    %min3A_154 = arith.constant 37 : i32
    %min3A_155 = vector.broadcast %min3A_154 : i32 to vector<16xi32>
    %min3A_156 = arith.minsi %add3A_153, %min3A_155 : vector<16xi32>
    %mul3A_157 = arith.constant 64 : i32
    %mul3A_158 = vector.broadcast %mul3A_157 : i32 to vector<16xi32>
    %mul3A_159 = arith.muli %min3A_156, %mul3A_158 : vector<16xi32>
    %add3A_160 = arith.constant 2 : i32
    %add3A_161 = arith.addi %mul3A_11, %add3A_160 : i32
    %add3A_162 = vector.broadcast %add3A_161 : i32 to vector<16xi32>
    %add3A_163 = arith.addi %mul3A_159, %add3A_162 : vector<16xi32>
    %gather3A_164 = tpu.vector_load_idx %arg6[%add3A_163] : memref<2432xf32, #tpu.memory_space<vmem>>[vector<16xi32>], vector<16xf32>,
    %swap3A_165 = arith.constant 112 : index
    %swap3A_166 = tpu.vector_load %arg8[%swap3A_165] {strides = array<i32>} : memref<384xf32, #tpu.memory_space<vmem>>, vector<16xf32>,
    tpu.vector_store %arg8[%swap3A_165], %gather3A_164 {strides = array<i32>} : memref<384xf32, #tpu.memory_space<vmem>>, vector<16xf32>,
    %iota3A_167 = tpu.iota {dimensions = array<i32: 0>} : vector<16xi32>
    %add3A_168 = arith.constant 32 : i32
    %add3A_169 = vector.broadcast %add3A_168 : i32 to vector<16xi32>
    %add3A_170 = arith.addi %iota3A_167, %add3A_169 : vector<16xi32>
    %min3A_171 = arith.constant 37 : i32
    %min3A_172 = vector.broadcast %min3A_171 : i32 to vector<16xi32>
    %min3A_173 = arith.minsi %add3A_170, %min3A_172 : vector<16xi32>
    %mul3A_174 = arith.constant 64 : i32
    %mul3A_175 = vector.broadcast %mul3A_174 : i32 to vector<16xi32>
    %mul3A_176 = arith.muli %min3A_173, %mul3A_175 : vector<16xi32>
    %add3A_177 = arith.constant 2 : i32
    %add3A_178 = arith.addi %mul3A_11, %add3A_177 : i32
    %add3A_179 = vector.broadcast %add3A_178 : i32 to vector<16xi32>
    %add3A_180 = arith.addi %mul3A_176, %add3A_179 : vector<16xi32>
    %gather3A_181 = tpu.vector_load_idx %arg6[%add3A_180] : memref<2432xf32, #tpu.memory_space<vmem>>[vector<16xi32>], vector<16xf32>,
    %swap3A_182 = arith.constant 128 : index
    %swap3A_183 = tpu.vector_load %arg8[%swap3A_182] {strides = array<i32>} : memref<384xf32, #tpu.memory_space<vmem>>, vector<16xf32>,
    tpu.vector_store %arg8[%swap3A_182], %gather3A_181 {strides = array<i32>} : memref<384xf32, #tpu.memory_space<vmem>>, vector<16xf32>,
    %iota3A_184 = tpu.iota {dimensions = array<i32: 0>} : vector<16xi32>
    %add3A_185 = arith.constant 0 : i32
    %add3A_186 = vector.broadcast %add3A_185 : i32 to vector<16xi32>
    %add3A_187 = arith.addi %iota3A_184, %add3A_186 : vector<16xi32>
    %min3A_188 = arith.constant 37 : i32
    %min3A_189 = vector.broadcast %min3A_188 : i32 to vector<16xi32>
    %min3A_190 = arith.minsi %add3A_187, %min3A_189 : vector<16xi32>
    %mul3A_191 = arith.constant 64 : i32
    %mul3A_192 = vector.broadcast %mul3A_191 : i32 to vector<16xi32>
    %mul3A_193 = arith.muli %min3A_190, %mul3A_192 : vector<16xi32>
    %add3A_194 = arith.constant 3 : i32
    %add3A_195 = arith.addi %mul3A_11, %add3A_194 : i32
    %add3A_196 = vector.broadcast %add3A_195 : i32 to vector<16xi32>
    %add3A_197 = arith.addi %mul3A_193, %add3A_196 : vector<16xi32>
    %gather3A_198 = tpu.vector_load_idx %arg6[%add3A_197] : memref<2432xf32, #tpu.memory_space<vmem>>[vector<16xi32>], vector<16xf32>,
    %swap3A_199 = arith.constant 144 : index
    %swap3A_200 = tpu.vector_load %arg8[%swap3A_199] {strides = array<i32>} : memref<384xf32, #tpu.memory_space<vmem>>, vector<16xf32>,
    tpu.vector_store %arg8[%swap3A_199], %gather3A_198 {strides = array<i32>} : memref<384xf32, #tpu.memory_space<vmem>>, vector<16xf32>,
    %iota3A_201 = tpu.iota {dimensions = array<i32: 0>} : vector<16xi32>
    %add3A_202 = arith.constant 16 : i32
    %add3A_203 = vector.broadcast %add3A_202 : i32 to vector<16xi32>
    %add3A_204 = arith.addi %iota3A_201, %add3A_203 : vector<16xi32>
    %min3A_205 = arith.constant 37 : i32
    %min3A_206 = vector.broadcast %min3A_205 : i32 to vector<16xi32>
    %min3A_207 = arith.minsi %add3A_204, %min3A_206 : vector<16xi32>
    %mul3A_208 = arith.constant 64 : i32
    %mul3A_209 = vector.broadcast %mul3A_208 : i32 to vector<16xi32>
    %mul3A_210 = arith.muli %min3A_207, %mul3A_209 : vector<16xi32>
    %add3A_211 = arith.constant 3 : i32
    %add3A_212 = arith.addi %mul3A_11, %add3A_211 : i32
    %add3A_213 = vector.broadcast %add3A_212 : i32 to vector<16xi32>
    %add3A_214 = arith.addi %mul3A_210, %add3A_213 : vector<16xi32>
    %gather3A_215 = tpu.vector_load_idx %arg6[%add3A_214] : memref<2432xf32, #tpu.memory_space<vmem>>[vector<16xi32>], vector<16xf32>,
    %swap3A_216 = arith.constant 160 : index
    %swap3A_217 = tpu.vector_load %arg8[%swap3A_216] {strides = array<i32>} : memref<384xf32, #tpu.memory_space<vmem>>, vector<16xf32>,
    tpu.vector_store %arg8[%swap3A_216], %gather3A_215 {strides = array<i32>} : memref<384xf32, #tpu.memory_space<vmem>>, vector<16xf32>,
    %iota3A_218 = tpu.iota {dimensions = array<i32: 0>} : vector<16xi32>
    %add3A_219 = arith.constant 32 : i32
    %add3A_220 = vector.broadcast %add3A_219 : i32 to vector<16xi32>
    %add3A_221 = arith.addi %iota3A_218, %add3A_220 : vector<16xi32>
    %min3A_222 = arith.constant 37 : i32
    %min3A_223 = vector.broadcast %min3A_222 : i32 to vector<16xi32>
    %min3A_224 = arith.minsi %add3A_221, %min3A_223 : vector<16xi32>
    %mul3A_225 = arith.constant 64 : i32
    %mul3A_226 = vector.broadcast %mul3A_225 : i32 to vector<16xi32>
    %mul3A_227 = arith.muli %min3A_224, %mul3A_226 : vector<16xi32>
    %add3A_228 = arith.constant 3 : i32
    %add3A_229 = arith.addi %mul3A_11, %add3A_228 : i32
    %add3A_230 = vector.broadcast %add3A_229 : i32 to vector<16xi32>
    %add3A_231 = arith.addi %mul3A_227, %add3A_230 : vector<16xi32>
    %gather3A_232 = tpu.vector_load_idx %arg6[%add3A_231] : memref<2432xf32, #tpu.memory_space<vmem>>[vector<16xi32>], vector<16xf32>,
    %swap3A_233 = arith.constant 176 : index
    %swap3A_234 = tpu.vector_load %arg8[%swap3A_233] {strides = array<i32>} : memref<384xf32, #tpu.memory_space<vmem>>, vector<16xf32>,
    tpu.vector_store %arg8[%swap3A_233], %gather3A_232 {strides = array<i32>} : memref<384xf32, #tpu.memory_space<vmem>>, vector<16xf32>,
    %iota3A_235 = tpu.iota {dimensions = array<i32: 0>} : vector<16xi32>
    %add3A_236 = arith.constant 0 : i32
    %add3A_237 = vector.broadcast %add3A_236 : i32 to vector<16xi32>
    %add3A_238 = arith.addi %iota3A_235, %add3A_237 : vector<16xi32>
    %min3A_239 = arith.constant 37 : i32
    %min3A_240 = vector.broadcast %min3A_239 : i32 to vector<16xi32>
    %min3A_241 = arith.minsi %add3A_238, %min3A_240 : vector<16xi32>
    %mul3A_242 = arith.constant 64 : i32
    %mul3A_243 = vector.broadcast %mul3A_242 : i32 to vector<16xi32>
    %mul3A_244 = arith.muli %min3A_241, %mul3A_243 : vector<16xi32>
    %add3A_245 = arith.constant 4 : i32
    %add3A_246 = arith.addi %mul3A_11, %add3A_245 : i32
    %add3A_247 = vector.broadcast %add3A_246 : i32 to vector<16xi32>
    %add3A_248 = arith.addi %mul3A_244, %add3A_247 : vector<16xi32>
    %gather3A_249 = tpu.vector_load_idx %arg6[%add3A_248] : memref<2432xf32, #tpu.memory_space<vmem>>[vector<16xi32>], vector<16xf32>,
    %swap3A_250 = arith.constant 192 : index
    %swap3A_251 = tpu.vector_load %arg8[%swap3A_250] {strides = array<i32>} : memref<384xf32, #tpu.memory_space<vmem>>, vector<16xf32>,
    tpu.vector_store %arg8[%swap3A_250], %gather3A_249 {strides = array<i32>} : memref<384xf32, #tpu.memory_space<vmem>>, vector<16xf32>,
    %iota3A_252 = tpu.iota {dimensions = array<i32: 0>} : vector<16xi32>
    %add3A_253 = arith.constant 16 : i32
    %add3A_254 = vector.broadcast %add3A_253 : i32 to vector<16xi32>
    %add3A_255 = arith.addi %iota3A_252, %add3A_254 : vector<16xi32>
    %min3A_256 = arith.constant 37 : i32
    %min3A_257 = vector.broadcast %min3A_256 : i32 to vector<16xi32>
    %min3A_258 = arith.minsi %add3A_255, %min3A_257 : vector<16xi32>
    %mul3A_259 = arith.constant 64 : i32
    %mul3A_260 = vector.broadcast %mul3A_259 : i32 to vector<16xi32>
    %mul3A_261 = arith.muli %min3A_258, %mul3A_260 : vector<16xi32>
    %add3A_262 = arith.constant 4 : i32
    %add3A_263 = arith.addi %mul3A_11, %add3A_262 : i32
    %add3A_264 = vector.broadcast %add3A_263 : i32 to vector<16xi32>
    %add3A_265 = arith.addi %mul3A_261, %add3A_264 : vector<16xi32>
    %gather3A_266 = tpu.vector_load_idx %arg6[%add3A_265] : memref<2432xf32, #tpu.memory_space<vmem>>[vector<16xi32>], vector<16xf32>,
    %swap3A_267 = arith.constant 208 : index
    %swap3A_268 = tpu.vector_load %arg8[%swap3A_267] {strides = array<i32>} : memref<384xf32, #tpu.memory_space<vmem>>, vector<16xf32>,
    tpu.vector_store %arg8[%swap3A_267], %gather3A_266 {strides = array<i32>} : memref<384xf32, #tpu.memory_space<vmem>>, vector<16xf32>,
    %iota3A_269 = tpu.iota {dimensions = array<i32: 0>} : vector<16xi32>
    %add3A_270 = arith.constant 32 : i32
    %add3A_271 = vector.broadcast %add3A_270 : i32 to vector<16xi32>
    %add3A_272 = arith.addi %iota3A_269, %add3A_271 : vector<16xi32>
    %min3A_273 = arith.constant 37 : i32
    %min3A_274 = vector.broadcast %min3A_273 : i32 to vector<16xi32>
    %min3A_275 = arith.minsi %add3A_272, %min3A_274 : vector<16xi32>
    %mul3A_276 = arith.constant 64 : i32
    %mul3A_277 = vector.broadcast %mul3A_276 : i32 to vector<16xi32>
    %mul3A_278 = arith.muli %min3A_275, %mul3A_277 : vector<16xi32>
    %add3A_279 = arith.constant 4 : i32
    %add3A_280 = arith.addi %mul3A_11, %add3A_279 : i32
    %add3A_281 = vector.broadcast %add3A_280 : i32 to vector<16xi32>
    %add3A_282 = arith.addi %mul3A_278, %add3A_281 : vector<16xi32>
    %gather3A_283 = tpu.vector_load_idx %arg6[%add3A_282] : memref<2432xf32, #tpu.memory_space<vmem>>[vector<16xi32>], vector<16xf32>,
    %swap3A_284 = arith.constant 224 : index
    %swap3A_285 = tpu.vector_load %arg8[%swap3A_284] {strides = array<i32>} : memref<384xf32, #tpu.memory_space<vmem>>, vector<16xf32>,
    tpu.vector_store %arg8[%swap3A_284], %gather3A_283 {strides = array<i32>} : memref<384xf32, #tpu.memory_space<vmem>>, vector<16xf32>,
    %iota3A_286 = tpu.iota {dimensions = array<i32: 0>} : vector<16xi32>
    %add3A_287 = arith.constant 0 : i32
    %add3A_288 = vector.broadcast %add3A_287 : i32 to vector<16xi32>
    %add3A_289 = arith.addi %iota3A_286, %add3A_288 : vector<16xi32>
    %min3A_290 = arith.constant 37 : i32
    %min3A_291 = vector.broadcast %min3A_290 : i32 to vector<16xi32>
    %min3A_292 = arith.minsi %add3A_289, %min3A_291 : vector<16xi32>
    %mul3A_293 = arith.constant 64 : i32
    %mul3A_294 = vector.broadcast %mul3A_293 : i32 to vector<16xi32>
    %mul3A_295 = arith.muli %min3A_292, %mul3A_294 : vector<16xi32>
    %add3A_296 = arith.constant 5 : i32
    %add3A_297 = arith.addi %mul3A_11, %add3A_296 : i32
    %add3A_298 = vector.broadcast %add3A_297 : i32 to vector<16xi32>
    %add3A_299 = arith.addi %mul3A_295, %add3A_298 : vector<16xi32>
    %gather3A_300 = tpu.vector_load_idx %arg6[%add3A_299] : memref<2432xf32, #tpu.memory_space<vmem>>[vector<16xi32>], vector<16xf32>,
    %swap3A_301 = arith.constant 240 : index
    %swap3A_302 = tpu.vector_load %arg8[%swap3A_301] {strides = array<i32>} : memref<384xf32, #tpu.memory_space<vmem>>, vector<16xf32>,
    tpu.vector_store %arg8[%swap3A_301], %gather3A_300 {strides = array<i32>} : memref<384xf32, #tpu.memory_space<vmem>>, vector<16xf32>,
    %iota3A_303 = tpu.iota {dimensions = array<i32: 0>} : vector<16xi32>
    %add3A_304 = arith.constant 16 : i32
    %add3A_305 = vector.broadcast %add3A_304 : i32 to vector<16xi32>
    %add3A_306 = arith.addi %iota3A_303, %add3A_305 : vector<16xi32>
    %min3A_307 = arith.constant 37 : i32
    %min3A_308 = vector.broadcast %min3A_307 : i32 to vector<16xi32>
    %min3A_309 = arith.minsi %add3A_306, %min3A_308 : vector<16xi32>
    %mul3A_310 = arith.constant 64 : i32
    %mul3A_311 = vector.broadcast %mul3A_310 : i32 to vector<16xi32>
    %mul3A_312 = arith.muli %min3A_309, %mul3A_311 : vector<16xi32>
    %add3A_313 = arith.constant 5 : i32
    %add3A_314 = arith.addi %mul3A_11, %add3A_313 : i32
    %add3A_315 = vector.broadcast %add3A_314 : i32 to vector<16xi32>
    %add3A_316 = arith.addi %mul3A_312, %add3A_315 : vector<16xi32>
    %gather3A_317 = tpu.vector_load_idx %arg6[%add3A_316] : memref<2432xf32, #tpu.memory_space<vmem>>[vector<16xi32>], vector<16xf32>,
    %swap3A_318 = arith.constant 256 : index
    %swap3A_319 = tpu.vector_load %arg8[%swap3A_318] {strides = array<i32>} : memref<384xf32, #tpu.memory_space<vmem>>, vector<16xf32>,
    tpu.vector_store %arg8[%swap3A_318], %gather3A_317 {strides = array<i32>} : memref<384xf32, #tpu.memory_space<vmem>>, vector<16xf32>,
    %iota3A_320 = tpu.iota {dimensions = array<i32: 0>} : vector<16xi32>
    %add3A_321 = arith.constant 32 : i32
    %add3A_322 = vector.broadcast %add3A_321 : i32 to vector<16xi32>
    %add3A_323 = arith.addi %iota3A_320, %add3A_322 : vector<16xi32>
    %min3A_324 = arith.constant 37 : i32
    %min3A_325 = vector.broadcast %min3A_324 : i32 to vector<16xi32>
    %min3A_326 = arith.minsi %add3A_323, %min3A_325 : vector<16xi32>
    %mul3A_327 = arith.constant 64 : i32
    %mul3A_328 = vector.broadcast %mul3A_327 : i32 to vector<16xi32>
    %mul3A_329 = arith.muli %min3A_326, %mul3A_328 : vector<16xi32>
    %add3A_330 = arith.constant 5 : i32
    %add3A_331 = arith.addi %mul3A_11, %add3A_330 : i32
    %add3A_332 = vector.broadcast %add3A_331 : i32 to vector<16xi32>
    %add3A_333 = arith.addi %mul3A_329, %add3A_332 : vector<16xi32>
    %gather3A_334 = tpu.vector_load_idx %arg6[%add3A_333] : memref<2432xf32, #tpu.memory_space<vmem>>[vector<16xi32>], vector<16xf32>,
    %swap3A_335 = arith.constant 272 : index
    %swap3A_336 = tpu.vector_load %arg8[%swap3A_335] {strides = array<i32>} : memref<384xf32, #tpu.memory_space<vmem>>, vector<16xf32>,
    tpu.vector_store %arg8[%swap3A_335], %gather3A_334 {strides = array<i32>} : memref<384xf32, #tpu.memory_space<vmem>>, vector<16xf32>,
    %iota3A_337 = tpu.iota {dimensions = array<i32: 0>} : vector<16xi32>
    %add3A_338 = arith.constant 0 : i32
    %add3A_339 = vector.broadcast %add3A_338 : i32 to vector<16xi32>
    %add3A_340 = arith.addi %iota3A_337, %add3A_339 : vector<16xi32>
    %min3A_341 = arith.constant 37 : i32
    %min3A_342 = vector.broadcast %min3A_341 : i32 to vector<16xi32>
    %min3A_343 = arith.minsi %add3A_340, %min3A_342 : vector<16xi32>
    %mul3A_344 = arith.constant 64 : i32
    %mul3A_345 = vector.broadcast %mul3A_344 : i32 to vector<16xi32>
    %mul3A_346 = arith.muli %min3A_343, %mul3A_345 : vector<16xi32>
    %add3A_347 = arith.constant 6 : i32
    %add3A_348 = arith.addi %mul3A_11, %add3A_347 : i32
    %add3A_349 = vector.broadcast %add3A_348 : i32 to vector<16xi32>
    %add3A_350 = arith.addi %mul3A_346, %add3A_349 : vector<16xi32>
    %gather3A_351 = tpu.vector_load_idx %arg6[%add3A_350] : memref<2432xf32, #tpu.memory_space<vmem>>[vector<16xi32>], vector<16xf32>,
    %swap3A_352 = arith.constant 288 : index
    %swap3A_353 = tpu.vector_load %arg8[%swap3A_352] {strides = array<i32>} : memref<384xf32, #tpu.memory_space<vmem>>, vector<16xf32>,
    tpu.vector_store %arg8[%swap3A_352], %gather3A_351 {strides = array<i32>} : memref<384xf32, #tpu.memory_space<vmem>>, vector<16xf32>,
    %iota3A_354 = tpu.iota {dimensions = array<i32: 0>} : vector<16xi32>
    %add3A_355 = arith.constant 16 : i32
    %add3A_356 = vector.broadcast %add3A_355 : i32 to vector<16xi32>
    %add3A_357 = arith.addi %iota3A_354, %add3A_356 : vector<16xi32>
    %min3A_358 = arith.constant 37 : i32
    %min3A_359 = vector.broadcast %min3A_358 : i32 to vector<16xi32>
    %min3A_360 = arith.minsi %add3A_357, %min3A_359 : vector<16xi32>
    %mul3A_361 = arith.constant 64 : i32
    %mul3A_362 = vector.broadcast %mul3A_361 : i32 to vector<16xi32>
    %mul3A_363 = arith.muli %min3A_360, %mul3A_362 : vector<16xi32>
    %add3A_364 = arith.constant 6 : i32
    %add3A_365 = arith.addi %mul3A_11, %add3A_364 : i32
    %add3A_366 = vector.broadcast %add3A_365 : i32 to vector<16xi32>
    %add3A_367 = arith.addi %mul3A_363, %add3A_366 : vector<16xi32>
    %gather3A_368 = tpu.vector_load_idx %arg6[%add3A_367] : memref<2432xf32, #tpu.memory_space<vmem>>[vector<16xi32>], vector<16xf32>,
    %swap3A_369 = arith.constant 304 : index
    %swap3A_370 = tpu.vector_load %arg8[%swap3A_369] {strides = array<i32>} : memref<384xf32, #tpu.memory_space<vmem>>, vector<16xf32>,
    tpu.vector_store %arg8[%swap3A_369], %gather3A_368 {strides = array<i32>} : memref<384xf32, #tpu.memory_space<vmem>>, vector<16xf32>,
    %iota3A_371 = tpu.iota {dimensions = array<i32: 0>} : vector<16xi32>
    %add3A_372 = arith.constant 32 : i32
    %add3A_373 = vector.broadcast %add3A_372 : i32 to vector<16xi32>
    %add3A_374 = arith.addi %iota3A_371, %add3A_373 : vector<16xi32>
    %min3A_375 = arith.constant 37 : i32
    %min3A_376 = vector.broadcast %min3A_375 : i32 to vector<16xi32>
    %min3A_377 = arith.minsi %add3A_374, %min3A_376 : vector<16xi32>
    %mul3A_378 = arith.constant 64 : i32
    %mul3A_379 = vector.broadcast %mul3A_378 : i32 to vector<16xi32>
    %mul3A_380 = arith.muli %min3A_377, %mul3A_379 : vector<16xi32>
    %add3A_381 = arith.constant 6 : i32
    %add3A_382 = arith.addi %mul3A_11, %add3A_381 : i32
    %add3A_383 = vector.broadcast %add3A_382 : i32 to vector<16xi32>
    %add3A_384 = arith.addi %mul3A_380, %add3A_383 : vector<16xi32>
    %gather3A_385 = tpu.vector_load_idx %arg6[%add3A_384] : memref<2432xf32, #tpu.memory_space<vmem>>[vector<16xi32>], vector<16xf32>,
    %swap3A_386 = arith.constant 320 : index
    %swap3A_387 = tpu.vector_load %arg8[%swap3A_386] {strides = array<i32>} : memref<384xf32, #tpu.memory_space<vmem>>, vector<16xf32>,
    tpu.vector_store %arg8[%swap3A_386], %gather3A_385 {strides = array<i32>} : memref<384xf32, #tpu.memory_space<vmem>>, vector<16xf32>,
    %iota3A_388 = tpu.iota {dimensions = array<i32: 0>} : vector<16xi32>
    %add3A_389 = arith.constant 0 : i32
    %add3A_390 = vector.broadcast %add3A_389 : i32 to vector<16xi32>
    %add3A_391 = arith.addi %iota3A_388, %add3A_390 : vector<16xi32>
    %min3A_392 = arith.constant 37 : i32
    %min3A_393 = vector.broadcast %min3A_392 : i32 to vector<16xi32>
    %min3A_394 = arith.minsi %add3A_391, %min3A_393 : vector<16xi32>
    %mul3A_395 = arith.constant 64 : i32
    %mul3A_396 = vector.broadcast %mul3A_395 : i32 to vector<16xi32>
    %mul3A_397 = arith.muli %min3A_394, %mul3A_396 : vector<16xi32>
    %add3A_398 = arith.constant 7 : i32
    %add3A_399 = arith.addi %mul3A_11, %add3A_398 : i32
    %add3A_400 = vector.broadcast %add3A_399 : i32 to vector<16xi32>
    %add3A_401 = arith.addi %mul3A_397, %add3A_400 : vector<16xi32>
    %gather3A_402 = tpu.vector_load_idx %arg6[%add3A_401] : memref<2432xf32, #tpu.memory_space<vmem>>[vector<16xi32>], vector<16xf32>,
    %swap3A_403 = arith.constant 336 : index
    %swap3A_404 = tpu.vector_load %arg8[%swap3A_403] {strides = array<i32>} : memref<384xf32, #tpu.memory_space<vmem>>, vector<16xf32>,
    tpu.vector_store %arg8[%swap3A_403], %gather3A_402 {strides = array<i32>} : memref<384xf32, #tpu.memory_space<vmem>>, vector<16xf32>,
    %iota3A_405 = tpu.iota {dimensions = array<i32: 0>} : vector<16xi32>
    %add3A_406 = arith.constant 16 : i32
    %add3A_407 = vector.broadcast %add3A_406 : i32 to vector<16xi32>
    %add3A_408 = arith.addi %iota3A_405, %add3A_407 : vector<16xi32>
    %min3A_409 = arith.constant 37 : i32
    %min3A_410 = vector.broadcast %min3A_409 : i32 to vector<16xi32>
    %min3A_411 = arith.minsi %add3A_408, %min3A_410 : vector<16xi32>
    %mul3A_412 = arith.constant 64 : i32
    %mul3A_413 = vector.broadcast %mul3A_412 : i32 to vector<16xi32>
    %mul3A_414 = arith.muli %min3A_411, %mul3A_413 : vector<16xi32>
    %add3A_415 = arith.constant 7 : i32
    %add3A_416 = arith.addi %mul3A_11, %add3A_415 : i32
    %add3A_417 = vector.broadcast %add3A_416 : i32 to vector<16xi32>
    %add3A_418 = arith.addi %mul3A_414, %add3A_417 : vector<16xi32>
    %gather3A_419 = tpu.vector_load_idx %arg6[%add3A_418] : memref<2432xf32, #tpu.memory_space<vmem>>[vector<16xi32>], vector<16xf32>,
    %swap3A_420 = arith.constant 352 : index
    %swap3A_421 = tpu.vector_load %arg8[%swap3A_420] {strides = array<i32>} : memref<384xf32, #tpu.memory_space<vmem>>, vector<16xf32>,
    tpu.vector_store %arg8[%swap3A_420], %gather3A_419 {strides = array<i32>} : memref<384xf32, #tpu.memory_space<vmem>>, vector<16xf32>,
    %iota3A_422 = tpu.iota {dimensions = array<i32: 0>} : vector<16xi32>
    %add3A_423 = arith.constant 32 : i32
    %add3A_424 = vector.broadcast %add3A_423 : i32 to vector<16xi32>
    %add3A_425 = arith.addi %iota3A_422, %add3A_424 : vector<16xi32>
    %min3A_426 = arith.constant 37 : i32
    %min3A_427 = vector.broadcast %min3A_426 : i32 to vector<16xi32>
    %min3A_428 = arith.minsi %add3A_425, %min3A_427 : vector<16xi32>
    %mul3A_429 = arith.constant 64 : i32
    %mul3A_430 = vector.broadcast %mul3A_429 : i32 to vector<16xi32>
    %mul3A_431 = arith.muli %min3A_428, %mul3A_430 : vector<16xi32>
    %add3A_432 = arith.constant 7 : i32
    %add3A_433 = arith.addi %mul3A_11, %add3A_432 : i32
    %add3A_434 = vector.broadcast %add3A_433 : i32 to vector<16xi32>
    %add3A_435 = arith.addi %mul3A_431, %add3A_434 : vector<16xi32>
    %gather3A_436 = tpu.vector_load_idx %arg6[%add3A_435] : memref<2432xf32, #tpu.memory_space<vmem>>[vector<16xi32>], vector<16xf32>,
    %swap3A_437 = arith.constant 368 : index
    %swap3A_438 = tpu.vector_load %arg8[%swap3A_437] {strides = array<i32>} : memref<384xf32, #tpu.memory_space<vmem>>, vector<16xf32>,
    tpu.vector_store %arg8[%swap3A_437], %gather3A_436 {strides = array<i32>} : memref<384xf32, #tpu.memory_space<vmem>>, vector<16xf32>,
    %scan3A = arith.constant 0 : i32
    %scan3A_439 = arith.constant 0 : i32
    %scan3A_440 = arith.constant 65 : i32
    %scan3A_441 = arith.addi %scan3A_439, %scan3A_440 : i32
    %scan3A_442 = arith.constant 1 : i32
    scf.for %scan3A_520 = %scan3A_439 to %scan3A_441 step %scan3A_442  : i32 {
      %broadcast_in_dim3A = arith.constant 0 : i32
      %broadcast_in_dim3A_521 = vector.broadcast %broadcast_in_dim3A : i32 to vector<16xi32>
      %mul3A_522 = arith.constant 64 : i32
      %mul3A_523 = arith.muli %scan3A_520, %mul3A_522 : i32
      %add3A_524 = arith.addi %mul3A_523, %mul3A_11 : i32
      %add3A_525 = arith.constant 0 : i32
      %add3A_526 = arith.addi %add3A_524, %add3A_525 : i32
      %add3A_527 = vector.broadcast %add3A_526 : i32 to vector<16xi32>
      %add3A_528 = arith.addi %broadcast_in_dim3A_521, %add3A_527 : vector<16xi32>
      %gather3A_529 = tpu.vector_load_idx %arg7[%add3A_528] : memref<4160xf32, #tpu.memory_space<vmem>>[vector<16xi32>], vector<16xf32>,
      %get3A = arith.constant 0 : index
      %get3A_530 = tpu.vector_load %arg8[%get3A] {strides = array<i32>} : memref<384xf32, #tpu.memory_space<vmem>>, vector<16xf32>,
      %add3A_531 = arith.addf %get3A_530, %gather3A_529 : vector<16xf32>
      %mul3A_532 = arith.constant 384 : i32
      %mul3A_533 = arith.muli %scan3A_520, %mul3A_532 : i32
      %add3A_534 = arith.constant 0 : i32
      %add3A_535 = arith.addi %mul3A_533, %add3A_534 : i32
      %add3A_536 = arith.constant 0 : i32
      %add3A_537 = arith.addi %add3A_535, %add3A_536 : i32
      %swap3A_538 = arith.index_cast %add3A_537 : i32 to index
      %swap3A_539 = tpu.vector_load %arg9[%swap3A_538] {strides = array<i32>} : memref<24960xf32, #tpu.memory_space<vmem>>, vector<16xf32>,
      tpu.vector_store %arg9[%swap3A_538], %add3A_531 {strides = array<i32>} : memref<24960xf32, #tpu.memory_space<vmem>>, vector<16xf32>,
      %get3A_540 = arith.constant 16 : index
      %get3A_541 = tpu.vector_load %arg8[%get3A_540] {strides = array<i32>} : memref<384xf32, #tpu.memory_space<vmem>>, vector<16xf32>,
      %add3A_542 = arith.addf %get3A_541, %gather3A_529 : vector<16xf32>
      %mul3A_543 = arith.constant 384 : i32
      %mul3A_544 = arith.muli %scan3A_520, %mul3A_543 : i32
      %add3A_545 = arith.constant 0 : i32
      %add3A_546 = arith.addi %mul3A_544, %add3A_545 : i32
      %add3A_547 = arith.constant 16 : i32
      %add3A_548 = arith.addi %add3A_546, %add3A_547 : i32
      %swap3A_549 = arith.index_cast %add3A_548 : i32 to index
      %swap3A_550 = tpu.vector_load %arg9[%swap3A_549] {strides = array<i32>} : memref<24960xf32, #tpu.memory_space<vmem>>, vector<16xf32>,
      tpu.vector_store %arg9[%swap3A_549], %add3A_542 {strides = array<i32>} : memref<24960xf32, #tpu.memory_space<vmem>>, vector<16xf32>,
      %get3A_551 = arith.constant 32 : index
      %get3A_552 = tpu.vector_load %arg8[%get3A_551] {strides = array<i32>} : memref<384xf32, #tpu.memory_space<vmem>>, vector<16xf32>,
      %add3A_553 = arith.addf %get3A_552, %gather3A_529 : vector<16xf32>
      %mul3A_554 = arith.constant 384 : i32
      %mul3A_555 = arith.muli %scan3A_520, %mul3A_554 : i32
      %add3A_556 = arith.constant 0 : i32
      %add3A_557 = arith.addi %mul3A_555, %add3A_556 : i32
      %add3A_558 = arith.constant 32 : i32
      %add3A_559 = arith.addi %add3A_557, %add3A_558 : i32
      %swap3A_560 = arith.index_cast %add3A_559 : i32 to index
      %swap3A_561 = tpu.vector_load %arg9[%swap3A_560] {strides = array<i32>} : memref<24960xf32, #tpu.memory_space<vmem>>, vector<16xf32>,
      tpu.vector_store %arg9[%swap3A_560], %add3A_553 {strides = array<i32>} : memref<24960xf32, #tpu.memory_space<vmem>>, vector<16xf32>,
      %broadcast_in_dim3A_562 = arith.constant 0 : i32
      %broadcast_in_dim3A_563 = vector.broadcast %broadcast_in_dim3A_562 : i32 to vector<16xi32>
      %mul3A_564 = arith.constant 64 : i32
      %mul3A_565 = arith.muli %scan3A_520, %mul3A_564 : i32
      %add3A_566 = arith.addi %mul3A_565, %mul3A_11 : i32
      %add3A_567 = arith.constant 1 : i32
      %add3A_568 = arith.addi %add3A_566, %add3A_567 : i32
      %add3A_569 = vector.broadcast %add3A_568 : i32 to vector<16xi32>
      %add3A_570 = arith.addi %broadcast_in_dim3A_563, %add3A_569 : vector<16xi32>
      %gather3A_571 = tpu.vector_load_idx %arg7[%add3A_570] : memref<4160xf32, #tpu.memory_space<vmem>>[vector<16xi32>], vector<16xf32>,
      %get3A_572 = arith.constant 48 : index
      %get3A_573 = tpu.vector_load %arg8[%get3A_572] {strides = array<i32>} : memref<384xf32, #tpu.memory_space<vmem>>, vector<16xf32>,
      %add3A_574 = arith.addf %get3A_573, %gather3A_571 : vector<16xf32>
      %mul3A_575 = arith.constant 384 : i32
      %mul3A_576 = arith.muli %scan3A_520, %mul3A_575 : i32
      %add3A_577 = arith.constant 48 : i32
      %add3A_578 = arith.addi %mul3A_576, %add3A_577 : i32
      %add3A_579 = arith.constant 0 : i32
      %add3A_580 = arith.addi %add3A_578, %add3A_579 : i32
      %swap3A_581 = arith.index_cast %add3A_580 : i32 to index
      %swap3A_582 = tpu.vector_load %arg9[%swap3A_581] {strides = array<i32>} : memref<24960xf32, #tpu.memory_space<vmem>>, vector<16xf32>,
      tpu.vector_store %arg9[%swap3A_581], %add3A_574 {strides = array<i32>} : memref<24960xf32, #tpu.memory_space<vmem>>, vector<16xf32>,
      %get3A_583 = arith.constant 64 : index
      %get3A_584 = tpu.vector_load %arg8[%get3A_583] {strides = array<i32>} : memref<384xf32, #tpu.memory_space<vmem>>, vector<16xf32>,
      %add3A_585 = arith.addf %get3A_584, %gather3A_571 : vector<16xf32>
      %mul3A_586 = arith.constant 384 : i32
      %mul3A_587 = arith.muli %scan3A_520, %mul3A_586 : i32
      %add3A_588 = arith.constant 48 : i32
      %add3A_589 = arith.addi %mul3A_587, %add3A_588 : i32
      %add3A_590 = arith.constant 16 : i32
      %add3A_591 = arith.addi %add3A_589, %add3A_590 : i32
      %swap3A_592 = arith.index_cast %add3A_591 : i32 to index
      %swap3A_593 = tpu.vector_load %arg9[%swap3A_592] {strides = array<i32>} : memref<24960xf32, #tpu.memory_space<vmem>>, vector<16xf32>,
      tpu.vector_store %arg9[%swap3A_592], %add3A_585 {strides = array<i32>} : memref<24960xf32, #tpu.memory_space<vmem>>, vector<16xf32>,
      %get3A_594 = arith.constant 80 : index
      %get3A_595 = tpu.vector_load %arg8[%get3A_594] {strides = array<i32>} : memref<384xf32, #tpu.memory_space<vmem>>, vector<16xf32>,
      %add3A_596 = arith.addf %get3A_595, %gather3A_571 : vector<16xf32>
      %mul3A_597 = arith.constant 384 : i32
      %mul3A_598 = arith.muli %scan3A_520, %mul3A_597 : i32
      %add3A_599 = arith.constant 48 : i32
      %add3A_600 = arith.addi %mul3A_598, %add3A_599 : i32
      %add3A_601 = arith.constant 32 : i32
      %add3A_602 = arith.addi %add3A_600, %add3A_601 : i32
      %swap3A_603 = arith.index_cast %add3A_602 : i32 to index
      %swap3A_604 = tpu.vector_load %arg9[%swap3A_603] {strides = array<i32>} : memref<24960xf32, #tpu.memory_space<vmem>>, vector<16xf32>,
      tpu.vector_store %arg9[%swap3A_603], %add3A_596 {strides = array<i32>} : memref<24960xf32, #tpu.memory_space<vmem>>, vector<16xf32>,
      %broadcast_in_dim3A_605 = arith.constant 0 : i32
      %broadcast_in_dim3A_606 = vector.broadcast %broadcast_in_dim3A_605 : i32 to vector<16xi32>
      %mul3A_607 = arith.constant 64 : i32
      %mul3A_608 = arith.muli %scan3A_520, %mul3A_607 : i32
      %add3A_609 = arith.addi %mul3A_608, %mul3A_11 : i32
      %add3A_610 = arith.constant 2 : i32
      %add3A_611 = arith.addi %add3A_609, %add3A_610 : i32
      %add3A_612 = vector.broadcast %add3A_611 : i32 to vector<16xi32>
      %add3A_613 = arith.addi %broadcast_in_dim3A_606, %add3A_612 : vector<16xi32>
      %gather3A_614 = tpu.vector_load_idx %arg7[%add3A_613] : memref<4160xf32, #tpu.memory_space<vmem>>[vector<16xi32>], vector<16xf32>,
      %get3A_615 = arith.constant 96 : index
      %get3A_616 = tpu.vector_load %arg8[%get3A_615] {strides = array<i32>} : memref<384xf32, #tpu.memory_space<vmem>>, vector<16xf32>,
      %add3A_617 = arith.addf %get3A_616, %gather3A_614 : vector<16xf32>
      %mul3A_618 = arith.constant 384 : i32
      %mul3A_619 = arith.muli %scan3A_520, %mul3A_618 : i32
      %add3A_620 = arith.constant 96 : i32
      %add3A_621 = arith.addi %mul3A_619, %add3A_620 : i32
      %add3A_622 = arith.constant 0 : i32
      %add3A_623 = arith.addi %add3A_621, %add3A_622 : i32
      %swap3A_624 = arith.index_cast %add3A_623 : i32 to index
      %swap3A_625 = tpu.vector_load %arg9[%swap3A_624] {strides = array<i32>} : memref<24960xf32, #tpu.memory_space<vmem>>, vector<16xf32>,
      tpu.vector_store %arg9[%swap3A_624], %add3A_617 {strides = array<i32>} : memref<24960xf32, #tpu.memory_space<vmem>>, vector<16xf32>,
      %get3A_626 = arith.constant 112 : index
      %get3A_627 = tpu.vector_load %arg8[%get3A_626] {strides = array<i32>} : memref<384xf32, #tpu.memory_space<vmem>>, vector<16xf32>,
      %add3A_628 = arith.addf %get3A_627, %gather3A_614 : vector<16xf32>
      %mul3A_629 = arith.constant 384 : i32
      %mul3A_630 = arith.muli %scan3A_520, %mul3A_629 : i32
      %add3A_631 = arith.constant 96 : i32
      %add3A_632 = arith.addi %mul3A_630, %add3A_631 : i32
      %add3A_633 = arith.constant 16 : i32
      %add3A_634 = arith.addi %add3A_632, %add3A_633 : i32
      %swap3A_635 = arith.index_cast %add3A_634 : i32 to index
      %swap3A_636 = tpu.vector_load %arg9[%swap3A_635] {strides = array<i32>} : memref<24960xf32, #tpu.memory_space<vmem>>, vector<16xf32>,
      tpu.vector_store %arg9[%swap3A_635], %add3A_628 {strides = array<i32>} : memref<24960xf32, #tpu.memory_space<vmem>>, vector<16xf32>,
      %get3A_637 = arith.constant 128 : index
      %get3A_638 = tpu.vector_load %arg8[%get3A_637] {strides = array<i32>} : memref<384xf32, #tpu.memory_space<vmem>>, vector<16xf32>,
      %add3A_639 = arith.addf %get3A_638, %gather3A_614 : vector<16xf32>
      %mul3A_640 = arith.constant 384 : i32
      %mul3A_641 = arith.muli %scan3A_520, %mul3A_640 : i32
      %add3A_642 = arith.constant 96 : i32
      %add3A_643 = arith.addi %mul3A_641, %add3A_642 : i32
      %add3A_644 = arith.constant 32 : i32
      %add3A_645 = arith.addi %add3A_643, %add3A_644 : i32
      %swap3A_646 = arith.index_cast %add3A_645 : i32 to index
      %swap3A_647 = tpu.vector_load %arg9[%swap3A_646] {strides = array<i32>} : memref<24960xf32, #tpu.memory_space<vmem>>, vector<16xf32>,
      tpu.vector_store %arg9[%swap3A_646], %add3A_639 {strides = array<i32>} : memref<24960xf32, #tpu.memory_space<vmem>>, vector<16xf32>,
      %broadcast_in_dim3A_648 = arith.constant 0 : i32
      %broadcast_in_dim3A_649 = vector.broadcast %broadcast_in_dim3A_648 : i32 to vector<16xi32>
      %mul3A_650 = arith.constant 64 : i32
      %mul3A_651 = arith.muli %scan3A_520, %mul3A_650 : i32
      %add3A_652 = arith.addi %mul3A_651, %mul3A_11 : i32
      %add3A_653 = arith.constant 3 : i32
      %add3A_654 = arith.addi %add3A_652, %add3A_653 : i32
      %add3A_655 = vector.broadcast %add3A_654 : i32 to vector<16xi32>
      %add3A_656 = arith.addi %broadcast_in_dim3A_649, %add3A_655 : vector<16xi32>
      %gather3A_657 = tpu.vector_load_idx %arg7[%add3A_656] : memref<4160xf32, #tpu.memory_space<vmem>>[vector<16xi32>], vector<16xf32>,
      %get3A_658 = arith.constant 144 : index
      %get3A_659 = tpu.vector_load %arg8[%get3A_658] {strides = array<i32>} : memref<384xf32, #tpu.memory_space<vmem>>, vector<16xf32>,
      %add3A_660 = arith.addf %get3A_659, %gather3A_657 : vector<16xf32>
      %mul3A_661 = arith.constant 384 : i32
      %mul3A_662 = arith.muli %scan3A_520, %mul3A_661 : i32
      %add3A_663 = arith.constant 144 : i32
      %add3A_664 = arith.addi %mul3A_662, %add3A_663 : i32
      %add3A_665 = arith.constant 0 : i32
      %add3A_666 = arith.addi %add3A_664, %add3A_665 : i32
      %swap3A_667 = arith.index_cast %add3A_666 : i32 to index
      %swap3A_668 = tpu.vector_load %arg9[%swap3A_667] {strides = array<i32>} : memref<24960xf32, #tpu.memory_space<vmem>>, vector<16xf32>,
      tpu.vector_store %arg9[%swap3A_667], %add3A_660 {strides = array<i32>} : memref<24960xf32, #tpu.memory_space<vmem>>, vector<16xf32>,
      %get3A_669 = arith.constant 160 : index
      %get3A_670 = tpu.vector_load %arg8[%get3A_669] {strides = array<i32>} : memref<384xf32, #tpu.memory_space<vmem>>, vector<16xf32>,
      %add3A_671 = arith.addf %get3A_670, %gather3A_657 : vector<16xf32>
      %mul3A_672 = arith.constant 384 : i32
      %mul3A_673 = arith.muli %scan3A_520, %mul3A_672 : i32
      %add3A_674 = arith.constant 144 : i32
      %add3A_675 = arith.addi %mul3A_673, %add3A_674 : i32
      %add3A_676 = arith.constant 16 : i32
      %add3A_677 = arith.addi %add3A_675, %add3A_676 : i32
      %swap3A_678 = arith.index_cast %add3A_677 : i32 to index
      %swap3A_679 = tpu.vector_load %arg9[%swap3A_678] {strides = array<i32>} : memref<24960xf32, #tpu.memory_space<vmem>>, vector<16xf32>,
      tpu.vector_store %arg9[%swap3A_678], %add3A_671 {strides = array<i32>} : memref<24960xf32, #tpu.memory_space<vmem>>, vector<16xf32>,
      %get3A_680 = arith.constant 176 : index
      %get3A_681 = tpu.vector_load %arg8[%get3A_680] {strides = array<i32>} : memref<384xf32, #tpu.memory_space<vmem>>, vector<16xf32>,
      %add3A_682 = arith.addf %get3A_681, %gather3A_657 : vector<16xf32>
      %mul3A_683 = arith.constant 384 : i32
      %mul3A_684 = arith.muli %scan3A_520, %mul3A_683 : i32
      %add3A_685 = arith.constant 144 : i32
      %add3A_686 = arith.addi %mul3A_684, %add3A_685 : i32
      %add3A_687 = arith.constant 32 : i32
      %add3A_688 = arith.addi %add3A_686, %add3A_687 : i32
      %swap3A_689 = arith.index_cast %add3A_688 : i32 to index
      %swap3A_690 = tpu.vector_load %arg9[%swap3A_689] {strides = array<i32>} : memref<24960xf32, #tpu.memory_space<vmem>>, vector<16xf32>,
      tpu.vector_store %arg9[%swap3A_689], %add3A_682 {strides = array<i32>} : memref<24960xf32, #tpu.memory_space<vmem>>, vector<16xf32>,
      %broadcast_in_dim3A_691 = arith.constant 0 : i32
      %broadcast_in_dim3A_692 = vector.broadcast %broadcast_in_dim3A_691 : i32 to vector<16xi32>
      %mul3A_693 = arith.constant 64 : i32
      %mul3A_694 = arith.muli %scan3A_520, %mul3A_693 : i32
      %add3A_695 = arith.addi %mul3A_694, %mul3A_11 : i32
      %add3A_696 = arith.constant 4 : i32
      %add3A_697 = arith.addi %add3A_695, %add3A_696 : i32
      %add3A_698 = vector.broadcast %add3A_697 : i32 to vector<16xi32>
      %add3A_699 = arith.addi %broadcast_in_dim3A_692, %add3A_698 : vector<16xi32>
      %gather3A_700 = tpu.vector_load_idx %arg7[%add3A_699] : memref<4160xf32, #tpu.memory_space<vmem>>[vector<16xi32>], vector<16xf32>,
      %get3A_701 = arith.constant 192 : index
      %get3A_702 = tpu.vector_load %arg8[%get3A_701] {strides = array<i32>} : memref<384xf32, #tpu.memory_space<vmem>>, vector<16xf32>,
      %add3A_703 = arith.addf %get3A_702, %gather3A_700 : vector<16xf32>
      %mul3A_704 = arith.constant 384 : i32
      %mul3A_705 = arith.muli %scan3A_520, %mul3A_704 : i32
      %add3A_706 = arith.constant 192 : i32
      %add3A_707 = arith.addi %mul3A_705, %add3A_706 : i32
      %add3A_708 = arith.constant 0 : i32
      %add3A_709 = arith.addi %add3A_707, %add3A_708 : i32
      %swap3A_710 = arith.index_cast %add3A_709 : i32 to index
      %swap3A_711 = tpu.vector_load %arg9[%swap3A_710] {strides = array<i32>} : memref<24960xf32, #tpu.memory_space<vmem>>, vector<16xf32>,
      tpu.vector_store %arg9[%swap3A_710], %add3A_703 {strides = array<i32>} : memref<24960xf32, #tpu.memory_space<vmem>>, vector<16xf32>,
      %get3A_712 = arith.constant 208 : index
      %get3A_713 = tpu.vector_load %arg8[%get3A_712] {strides = array<i32>} : memref<384xf32, #tpu.memory_space<vmem>>, vector<16xf32>,
      %add3A_714 = arith.addf %get3A_713, %gather3A_700 : vector<16xf32>
      %mul3A_715 = arith.constant 384 : i32
      %mul3A_716 = arith.muli %scan3A_520, %mul3A_715 : i32
      %add3A_717 = arith.constant 192 : i32
      %add3A_718 = arith.addi %mul3A_716, %add3A_717 : i32
      %add3A_719 = arith.constant 16 : i32
      %add3A_720 = arith.addi %add3A_718, %add3A_719 : i32
      %swap3A_721 = arith.index_cast %add3A_720 : i32 to index
      %swap3A_722 = tpu.vector_load %arg9[%swap3A_721] {strides = array<i32>} : memref<24960xf32, #tpu.memory_space<vmem>>, vector<16xf32>,
      tpu.vector_store %arg9[%swap3A_721], %add3A_714 {strides = array<i32>} : memref<24960xf32, #tpu.memory_space<vmem>>, vector<16xf32>,
      %get3A_723 = arith.constant 224 : index
      %get3A_724 = tpu.vector_load %arg8[%get3A_723] {strides = array<i32>} : memref<384xf32, #tpu.memory_space<vmem>>, vector<16xf32>,
      %add3A_725 = arith.addf %get3A_724, %gather3A_700 : vector<16xf32>
      %mul3A_726 = arith.constant 384 : i32
      %mul3A_727 = arith.muli %scan3A_520, %mul3A_726 : i32
      %add3A_728 = arith.constant 192 : i32
      %add3A_729 = arith.addi %mul3A_727, %add3A_728 : i32
      %add3A_730 = arith.constant 32 : i32
      %add3A_731 = arith.addi %add3A_729, %add3A_730 : i32
      %swap3A_732 = arith.index_cast %add3A_731 : i32 to index
      %swap3A_733 = tpu.vector_load %arg9[%swap3A_732] {strides = array<i32>} : memref<24960xf32, #tpu.memory_space<vmem>>, vector<16xf32>,
      tpu.vector_store %arg9[%swap3A_732], %add3A_725 {strides = array<i32>} : memref<24960xf32, #tpu.memory_space<vmem>>, vector<16xf32>,
      %broadcast_in_dim3A_734 = arith.constant 0 : i32
      %broadcast_in_dim3A_735 = vector.broadcast %broadcast_in_dim3A_734 : i32 to vector<16xi32>
      %mul3A_736 = arith.constant 64 : i32
      %mul3A_737 = arith.muli %scan3A_520, %mul3A_736 : i32
      %add3A_738 = arith.addi %mul3A_737, %mul3A_11 : i32
      %add3A_739 = arith.constant 5 : i32
      %add3A_740 = arith.addi %add3A_738, %add3A_739 : i32
      %add3A_741 = vector.broadcast %add3A_740 : i32 to vector<16xi32>
      %add3A_742 = arith.addi %broadcast_in_dim3A_735, %add3A_741 : vector<16xi32>
      %gather3A_743 = tpu.vector_load_idx %arg7[%add3A_742] : memref<4160xf32, #tpu.memory_space<vmem>>[vector<16xi32>], vector<16xf32>,
      %get3A_744 = arith.constant 240 : index
      %get3A_745 = tpu.vector_load %arg8[%get3A_744] {strides = array<i32>} : memref<384xf32, #tpu.memory_space<vmem>>, vector<16xf32>,
      %add3A_746 = arith.addf %get3A_745, %gather3A_743 : vector<16xf32>
      %mul3A_747 = arith.constant 384 : i32
      %mul3A_748 = arith.muli %scan3A_520, %mul3A_747 : i32
      %add3A_749 = arith.constant 240 : i32
      %add3A_750 = arith.addi %mul3A_748, %add3A_749 : i32
      %add3A_751 = arith.constant 0 : i32
      %add3A_752 = arith.addi %add3A_750, %add3A_751 : i32
      %swap3A_753 = arith.index_cast %add3A_752 : i32 to index
      %swap3A_754 = tpu.vector_load %arg9[%swap3A_753] {strides = array<i32>} : memref<24960xf32, #tpu.memory_space<vmem>>, vector<16xf32>,
      tpu.vector_store %arg9[%swap3A_753], %add3A_746 {strides = array<i32>} : memref<24960xf32, #tpu.memory_space<vmem>>, vector<16xf32>,
      %get3A_755 = arith.constant 256 : index
      %get3A_756 = tpu.vector_load %arg8[%get3A_755] {strides = array<i32>} : memref<384xf32, #tpu.memory_space<vmem>>, vector<16xf32>,
      %add3A_757 = arith.addf %get3A_756, %gather3A_743 : vector<16xf32>
      %mul3A_758 = arith.constant 384 : i32
      %mul3A_759 = arith.muli %scan3A_520, %mul3A_758 : i32
      %add3A_760 = arith.constant 240 : i32
      %add3A_761 = arith.addi %mul3A_759, %add3A_760 : i32
      %add3A_762 = arith.constant 16 : i32
      %add3A_763 = arith.addi %add3A_761, %add3A_762 : i32
      %swap3A_764 = arith.index_cast %add3A_763 : i32 to index
      %swap3A_765 = tpu.vector_load %arg9[%swap3A_764] {strides = array<i32>} : memref<24960xf32, #tpu.memory_space<vmem>>, vector<16xf32>,
      tpu.vector_store %arg9[%swap3A_764], %add3A_757 {strides = array<i32>} : memref<24960xf32, #tpu.memory_space<vmem>>, vector<16xf32>,
      %get3A_766 = arith.constant 272 : index
      %get3A_767 = tpu.vector_load %arg8[%get3A_766] {strides = array<i32>} : memref<384xf32, #tpu.memory_space<vmem>>, vector<16xf32>,
      %add3A_768 = arith.addf %get3A_767, %gather3A_743 : vector<16xf32>
      %mul3A_769 = arith.constant 384 : i32
      %mul3A_770 = arith.muli %scan3A_520, %mul3A_769 : i32
      %add3A_771 = arith.constant 240 : i32
      %add3A_772 = arith.addi %mul3A_770, %add3A_771 : i32
      %add3A_773 = arith.constant 32 : i32
      %add3A_774 = arith.addi %add3A_772, %add3A_773 : i32
      %swap3A_775 = arith.index_cast %add3A_774 : i32 to index
      %swap3A_776 = tpu.vector_load %arg9[%swap3A_775] {strides = array<i32>} : memref<24960xf32, #tpu.memory_space<vmem>>, vector<16xf32>,
      tpu.vector_store %arg9[%swap3A_775], %add3A_768 {strides = array<i32>} : memref<24960xf32, #tpu.memory_space<vmem>>, vector<16xf32>,
      %broadcast_in_dim3A_777 = arith.constant 0 : i32
      %broadcast_in_dim3A_778 = vector.broadcast %broadcast_in_dim3A_777 : i32 to vector<16xi32>
      %mul3A_779 = arith.constant 64 : i32
      %mul3A_780 = arith.muli %scan3A_520, %mul3A_779 : i32
      %add3A_781 = arith.addi %mul3A_780, %mul3A_11 : i32
      %add3A_782 = arith.constant 6 : i32
      %add3A_783 = arith.addi %add3A_781, %add3A_782 : i32
      %add3A_784 = vector.broadcast %add3A_783 : i32 to vector<16xi32>
      %add3A_785 = arith.addi %broadcast_in_dim3A_778, %add3A_784 : vector<16xi32>
      %gather3A_786 = tpu.vector_load_idx %arg7[%add3A_785] : memref<4160xf32, #tpu.memory_space<vmem>>[vector<16xi32>], vector<16xf32>,
      %get3A_787 = arith.constant 288 : index
      %get3A_788 = tpu.vector_load %arg8[%get3A_787] {strides = array<i32>} : memref<384xf32, #tpu.memory_space<vmem>>, vector<16xf32>,
      %add3A_789 = arith.addf %get3A_788, %gather3A_786 : vector<16xf32>
      %mul3A_790 = arith.constant 384 : i32
      %mul3A_791 = arith.muli %scan3A_520, %mul3A_790 : i32
      %add3A_792 = arith.constant 288 : i32
      %add3A_793 = arith.addi %mul3A_791, %add3A_792 : i32
      %add3A_794 = arith.constant 0 : i32
      %add3A_795 = arith.addi %add3A_793, %add3A_794 : i32
      %swap3A_796 = arith.index_cast %add3A_795 : i32 to index
      %swap3A_797 = tpu.vector_load %arg9[%swap3A_796] {strides = array<i32>} : memref<24960xf32, #tpu.memory_space<vmem>>, vector<16xf32>,
      tpu.vector_store %arg9[%swap3A_796], %add3A_789 {strides = array<i32>} : memref<24960xf32, #tpu.memory_space<vmem>>, vector<16xf32>,
      %get3A_798 = arith.constant 304 : index
      %get3A_799 = tpu.vector_load %arg8[%get3A_798] {strides = array<i32>} : memref<384xf32, #tpu.memory_space<vmem>>, vector<16xf32>,
      %add3A_800 = arith.addf %get3A_799, %gather3A_786 : vector<16xf32>
      %mul3A_801 = arith.constant 384 : i32
      %mul3A_802 = arith.muli %scan3A_520, %mul3A_801 : i32
      %add3A_803 = arith.constant 288 : i32
      %add3A_804 = arith.addi %mul3A_802, %add3A_803 : i32
      %add3A_805 = arith.constant 16 : i32
      %add3A_806 = arith.addi %add3A_804, %add3A_805 : i32
      %swap3A_807 = arith.index_cast %add3A_806 : i32 to index
      %swap3A_808 = tpu.vector_load %arg9[%swap3A_807] {strides = array<i32>} : memref<24960xf32, #tpu.memory_space<vmem>>, vector<16xf32>,
      tpu.vector_store %arg9[%swap3A_807], %add3A_800 {strides = array<i32>} : memref<24960xf32, #tpu.memory_space<vmem>>, vector<16xf32>,
      %get3A_809 = arith.constant 320 : index
      %get3A_810 = tpu.vector_load %arg8[%get3A_809] {strides = array<i32>} : memref<384xf32, #tpu.memory_space<vmem>>, vector<16xf32>,
      %add3A_811 = arith.addf %get3A_810, %gather3A_786 : vector<16xf32>
      %mul3A_812 = arith.constant 384 : i32
      %mul3A_813 = arith.muli %scan3A_520, %mul3A_812 : i32
      %add3A_814 = arith.constant 288 : i32
      %add3A_815 = arith.addi %mul3A_813, %add3A_814 : i32
      %add3A_816 = arith.constant 32 : i32
      %add3A_817 = arith.addi %add3A_815, %add3A_816 : i32
      %swap3A_818 = arith.index_cast %add3A_817 : i32 to index
      %swap3A_819 = tpu.vector_load %arg9[%swap3A_818] {strides = array<i32>} : memref<24960xf32, #tpu.memory_space<vmem>>, vector<16xf32>,
      tpu.vector_store %arg9[%swap3A_818], %add3A_811 {strides = array<i32>} : memref<24960xf32, #tpu.memory_space<vmem>>, vector<16xf32>,
      %broadcast_in_dim3A_820 = arith.constant 0 : i32
      %broadcast_in_dim3A_821 = vector.broadcast %broadcast_in_dim3A_820 : i32 to vector<16xi32>
      %mul3A_822 = arith.constant 64 : i32
      %mul3A_823 = arith.muli %scan3A_520, %mul3A_822 : i32
      %add3A_824 = arith.addi %mul3A_823, %mul3A_11 : i32
      %add3A_825 = arith.constant 7 : i32
      %add3A_826 = arith.addi %add3A_824, %add3A_825 : i32
      %add3A_827 = vector.broadcast %add3A_826 : i32 to vector<16xi32>
      %add3A_828 = arith.addi %broadcast_in_dim3A_821, %add3A_827 : vector<16xi32>
      %gather3A_829 = tpu.vector_load_idx %arg7[%add3A_828] : memref<4160xf32, #tpu.memory_space<vmem>>[vector<16xi32>], vector<16xf32>,
      %get3A_830 = arith.constant 336 : index
      %get3A_831 = tpu.vector_load %arg8[%get3A_830] {strides = array<i32>} : memref<384xf32, #tpu.memory_space<vmem>>, vector<16xf32>,
      %add3A_832 = arith.addf %get3A_831, %gather3A_829 : vector<16xf32>
      %mul3A_833 = arith.constant 384 : i32
      %mul3A_834 = arith.muli %scan3A_520, %mul3A_833 : i32
      %add3A_835 = arith.constant 336 : i32
      %add3A_836 = arith.addi %mul3A_834, %add3A_835 : i32
      %add3A_837 = arith.constant 0 : i32
      %add3A_838 = arith.addi %add3A_836, %add3A_837 : i32
      %swap3A_839 = arith.index_cast %add3A_838 : i32 to index
      %swap3A_840 = tpu.vector_load %arg9[%swap3A_839] {strides = array<i32>} : memref<24960xf32, #tpu.memory_space<vmem>>, vector<16xf32>,
      tpu.vector_store %arg9[%swap3A_839], %add3A_832 {strides = array<i32>} : memref<24960xf32, #tpu.memory_space<vmem>>, vector<16xf32>,
      %get3A_841 = arith.constant 352 : index
      %get3A_842 = tpu.vector_load %arg8[%get3A_841] {strides = array<i32>} : memref<384xf32, #tpu.memory_space<vmem>>, vector<16xf32>,
      %add3A_843 = arith.addf %get3A_842, %gather3A_829 : vector<16xf32>
      %mul3A_844 = arith.constant 384 : i32
      %mul3A_845 = arith.muli %scan3A_520, %mul3A_844 : i32
      %add3A_846 = arith.constant 336 : i32
      %add3A_847 = arith.addi %mul3A_845, %add3A_846 : i32
      %add3A_848 = arith.constant 16 : i32
      %add3A_849 = arith.addi %add3A_847, %add3A_848 : i32
      %swap3A_850 = arith.index_cast %add3A_849 : i32 to index
      %swap3A_851 = tpu.vector_load %arg9[%swap3A_850] {strides = array<i32>} : memref<24960xf32, #tpu.memory_space<vmem>>, vector<16xf32>,
      tpu.vector_store %arg9[%swap3A_850], %add3A_843 {strides = array<i32>} : memref<24960xf32, #tpu.memory_space<vmem>>, vector<16xf32>,
      %get3A_852 = arith.constant 368 : index
      %get3A_853 = tpu.vector_load %arg8[%get3A_852] {strides = array<i32>} : memref<384xf32, #tpu.memory_space<vmem>>, vector<16xf32>,
      %add3A_854 = arith.addf %get3A_853, %gather3A_829 : vector<16xf32>
      %mul3A_855 = arith.constant 384 : i32
      %mul3A_856 = arith.muli %scan3A_520, %mul3A_855 : i32
      %add3A_857 = arith.constant 336 : i32
      %add3A_858 = arith.addi %mul3A_856, %add3A_857 : i32
      %add3A_859 = arith.constant 32 : i32
      %add3A_860 = arith.addi %add3A_858, %add3A_859 : i32
      %swap3A_861 = arith.index_cast %add3A_860 : i32 to index
      %swap3A_862 = tpu.vector_load %arg9[%swap3A_861] {strides = array<i32>} : memref<24960xf32, #tpu.memory_space<vmem>>, vector<16xf32>,
      tpu.vector_store %arg9[%swap3A_861], %add3A_854 {strides = array<i32>} : memref<24960xf32, #tpu.memory_space<vmem>>, vector<16xf32>,
    }
    %scan3A_443 = arith.constant 65 : i32
    %add3A_444 = arith.constant 1048576 : i32
    %add3A_445 = arith.addi %add3A_444, %mul3A_34 : i32
    %dma_start3A = tpu.memref_slice %arg2[%add3A_445] : memref<1064960xi32, #tpu.memory_space<hbm>> -> memref<4096xi32, #tpu.memory_space<hbm>>
    %dma_start3A_446 = tpu.memref_slice %arg2[%add3A_445] : memref<1064960xi32, #tpu.memory_space<hbm>> -> memref<4096xi32, #tpu.memory_space<hbm>>
    tpu.enqueue_dma source(%dma_start3A_446 : memref<4096xi32, #tpu.memory_space<hbm>>) target(%arg10 : memref<4096xi32, #tpu.memory_space<vmem>>) target_semaphore(%arg16 : memref<!tpu.dma_semaphore, #tpu.memory_space<semaphore_mem>>)
    %add3A_447 = arith.constant 1032192 : i32
    %add3A_448 = arith.addi %add3A_447, %mul3A_34 : i32
    %dma_start3A_449 = tpu.memref_slice %arg2[%add3A_448] : memref<1064960xi32, #tpu.memory_space<hbm>> -> memref<4096xi32, #tpu.memory_space<hbm>>
    %dma_start3A_450 = tpu.memref_slice %arg2[%add3A_448] : memref<1064960xi32, #tpu.memory_space<hbm>> -> memref<4096xi32, #tpu.memory_space<hbm>>
    tpu.enqueue_dma source(%dma_start3A_450 : memref<4096xi32, #tpu.memory_space<hbm>>) target(%arg11 : memref<4096xi32, #tpu.memory_space<vmem>>) target_semaphore(%arg17 : memref<!tpu.dma_semaphore, #tpu.memory_space<semaphore_mem>>)
    %dma_wait3A = arith.constant 0 : i32
    %dma_wait3A_451 = tpu.memref_slice %arg2[%dma_wait3A] : memref<1064960xi32, #tpu.memory_space<hbm>> -> memref<4096xi32, #tpu.memory_space<hbm>>
    %dma_wait3A_452 = arith.constant 0 : i32
    %dma_wait3A_453 = tpu.memref_slice %arg2[%dma_wait3A_452] : memref<1064960xi32, #tpu.memory_space<hbm>> -> memref<4096xi32, #tpu.memory_space<hbm>>
    tpu.wait_dma2 semaphore(%arg16 : memref<!tpu.dma_semaphore, #tpu.memory_space<semaphore_mem>>) src(%dma_wait3A_453 : memref<4096xi32, #tpu.memory_space<hbm>>) dst(%arg10 : memref<4096xi32, #tpu.memory_space<vmem>>)
    %parallel_loop3A = arith.constant 0 : i32
    %parallel_loop3A_454 = arith.constant 256 : i32
    %parallel_loop3A_455 = arith.constant 1 : i32
    scf.for %parallel_loop3A_520 = %parallel_loop3A to %parallel_loop3A_454 step %parallel_loop3A_455  : i32 {
      %parallel_loop3A_521 = arith.constant 16 : i32
      %parallel_loop3A_522 = arith.muli %parallel_loop3A_520, %parallel_loop3A_521 : i32
      %parallel_loop3A_523 = arith.index_cast %parallel_loop3A_522 : i32 to index
      %parallel_loop3A_524 = tpu.vector_load %arg10[%parallel_loop3A_523] {strides = array<i32>} : memref<4096xi32, #tpu.memory_space<vmem>>, vector<16xi32>,
      %parallel_loop3A_525 = arith.constant 24576 : i32
      %parallel_loop3A_526 = vector.broadcast %parallel_loop3A_525 : i32 to vector<16xi32>
      %parallel_loop3A_527 = arith.addi %parallel_loop3A_524, %parallel_loop3A_526 : vector<16xi32>
      %parallel_loop3A_528 = arith.constant 0 : i32
      %parallel_loop3A_529 = vector.broadcast %parallel_loop3A_528 : i32 to vector<16xi32>
      %parallel_loop3A_530 = arith.addi %parallel_loop3A_527, %parallel_loop3A_529 : vector<16xi32>
      %parallel_loop3A_531 = tpu.vector_load_idx %arg9[%parallel_loop3A_530] : memref<24960xf32, #tpu.memory_space<vmem>>[vector<16xi32>], vector<16xf32>,
      %parallel_loop3A_532 = arith.constant 16 : i32
      %parallel_loop3A_533 = arith.muli %parallel_loop3A_520, %parallel_loop3A_532 : i32
      %parallel_loop3A_534 = arith.constant 0 : i32
      %parallel_loop3A_535 = arith.constant 0 : i32
      %parallel_loop3A_536 = arith.index_cast %parallel_loop3A_534 : i32 to index
      %parallel_loop3A_537 = arith.index_cast %parallel_loop3A_535 : i32 to index
      %parallel_loop3A_538 = arith.index_cast %parallel_loop3A_533 : i32 to index
      %parallel_loop3A_539 = tpu.vector_load %arg12[%parallel_loop3A_536, %parallel_loop3A_537, %parallel_loop3A_538] {strides = array<i32>} : memref<1x8x4096xf32, #tpu.memory_space<vmem>>, vector<16xf32>,
      tpu.vector_store %arg12[%parallel_loop3A_536, %parallel_loop3A_537, %parallel_loop3A_538], %parallel_loop3A_531 {strides = array<i32>} : memref<1x8x4096xf32, #tpu.memory_space<vmem>>, vector<16xf32>,
      %parallel_loop3A_540 = arith.constant 48 : i32
      %parallel_loop3A_541 = vector.broadcast %parallel_loop3A_540 : i32 to vector<16xi32>
      %parallel_loop3A_542 = arith.addi %parallel_loop3A_527, %parallel_loop3A_541 : vector<16xi32>
      %parallel_loop3A_543 = tpu.vector_load_idx %arg9[%parallel_loop3A_542] : memref<24960xf32, #tpu.memory_space<vmem>>[vector<16xi32>], vector<16xf32>,
      %parallel_loop3A_544 = arith.constant 16 : i32
      %parallel_loop3A_545 = arith.muli %parallel_loop3A_520, %parallel_loop3A_544 : i32
      %parallel_loop3A_546 = arith.constant 0 : i32
      %parallel_loop3A_547 = arith.constant 1 : i32
      %parallel_loop3A_548 = arith.index_cast %parallel_loop3A_546 : i32 to index
      %parallel_loop3A_549 = arith.index_cast %parallel_loop3A_547 : i32 to index
      %parallel_loop3A_550 = arith.index_cast %parallel_loop3A_545 : i32 to index
      %parallel_loop3A_551 = tpu.vector_load %arg12[%parallel_loop3A_548, %parallel_loop3A_549, %parallel_loop3A_550] {strides = array<i32>} : memref<1x8x4096xf32, #tpu.memory_space<vmem>>, vector<16xf32>,
      tpu.vector_store %arg12[%parallel_loop3A_548, %parallel_loop3A_549, %parallel_loop3A_550], %parallel_loop3A_543 {strides = array<i32>} : memref<1x8x4096xf32, #tpu.memory_space<vmem>>, vector<16xf32>,
      %parallel_loop3A_552 = arith.constant 96 : i32
      %parallel_loop3A_553 = vector.broadcast %parallel_loop3A_552 : i32 to vector<16xi32>
      %parallel_loop3A_554 = arith.addi %parallel_loop3A_527, %parallel_loop3A_553 : vector<16xi32>
      %parallel_loop3A_555 = tpu.vector_load_idx %arg9[%parallel_loop3A_554] : memref<24960xf32, #tpu.memory_space<vmem>>[vector<16xi32>], vector<16xf32>,
      %parallel_loop3A_556 = arith.constant 16 : i32
      %parallel_loop3A_557 = arith.muli %parallel_loop3A_520, %parallel_loop3A_556 : i32
      %parallel_loop3A_558 = arith.constant 0 : i32
      %parallel_loop3A_559 = arith.constant 2 : i32
      %parallel_loop3A_560 = arith.index_cast %parallel_loop3A_558 : i32 to index
      %parallel_loop3A_561 = arith.index_cast %parallel_loop3A_559 : i32 to index
      %parallel_loop3A_562 = arith.index_cast %parallel_loop3A_557 : i32 to index
      %parallel_loop3A_563 = tpu.vector_load %arg12[%parallel_loop3A_560, %parallel_loop3A_561, %parallel_loop3A_562] {strides = array<i32>} : memref<1x8x4096xf32, #tpu.memory_space<vmem>>, vector<16xf32>,
      tpu.vector_store %arg12[%parallel_loop3A_560, %parallel_loop3A_561, %parallel_loop3A_562], %parallel_loop3A_555 {strides = array<i32>} : memref<1x8x4096xf32, #tpu.memory_space<vmem>>, vector<16xf32>,
      %parallel_loop3A_564 = arith.constant 144 : i32
      %parallel_loop3A_565 = vector.broadcast %parallel_loop3A_564 : i32 to vector<16xi32>
      %parallel_loop3A_566 = arith.addi %parallel_loop3A_527, %parallel_loop3A_565 : vector<16xi32>
      %parallel_loop3A_567 = tpu.vector_load_idx %arg9[%parallel_loop3A_566] : memref<24960xf32, #tpu.memory_space<vmem>>[vector<16xi32>], vector<16xf32>,
      %parallel_loop3A_568 = arith.constant 16 : i32
      %parallel_loop3A_569 = arith.muli %parallel_loop3A_520, %parallel_loop3A_568 : i32
      %parallel_loop3A_570 = arith.constant 0 : i32
      %parallel_loop3A_571 = arith.constant 3 : i32
      %parallel_loop3A_572 = arith.index_cast %parallel_loop3A_570 : i32 to index
      %parallel_loop3A_573 = arith.index_cast %parallel_loop3A_571 : i32 to index
      %parallel_loop3A_574 = arith.index_cast %parallel_loop3A_569 : i32 to index
      %parallel_loop3A_575 = tpu.vector_load %arg12[%parallel_loop3A_572, %parallel_loop3A_573, %parallel_loop3A_574] {strides = array<i32>} : memref<1x8x4096xf32, #tpu.memory_space<vmem>>, vector<16xf32>,
      tpu.vector_store %arg12[%parallel_loop3A_572, %parallel_loop3A_573, %parallel_loop3A_574], %parallel_loop3A_567 {strides = array<i32>} : memref<1x8x4096xf32, #tpu.memory_space<vmem>>, vector<16xf32>,
      %parallel_loop3A_576 = arith.constant 192 : i32
      %parallel_loop3A_577 = vector.broadcast %parallel_loop3A_576 : i32 to vector<16xi32>
      %parallel_loop3A_578 = arith.addi %parallel_loop3A_527, %parallel_loop3A_577 : vector<16xi32>
      %parallel_loop3A_579 = tpu.vector_load_idx %arg9[%parallel_loop3A_578] : memref<24960xf32, #tpu.memory_space<vmem>>[vector<16xi32>], vector<16xf32>,
      %parallel_loop3A_580 = arith.constant 16 : i32
      %parallel_loop3A_581 = arith.muli %parallel_loop3A_520, %parallel_loop3A_580 : i32
      %parallel_loop3A_582 = arith.constant 0 : i32
      %parallel_loop3A_583 = arith.constant 4 : i32
      %parallel_loop3A_584 = arith.index_cast %parallel_loop3A_582 : i32 to index
      %parallel_loop3A_585 = arith.index_cast %parallel_loop3A_583 : i32 to index
      %parallel_loop3A_586 = arith.index_cast %parallel_loop3A_581 : i32 to index
      %parallel_loop3A_587 = tpu.vector_load %arg12[%parallel_loop3A_584, %parallel_loop3A_585, %parallel_loop3A_586] {strides = array<i32>} : memref<1x8x4096xf32, #tpu.memory_space<vmem>>, vector<16xf32>,
      tpu.vector_store %arg12[%parallel_loop3A_584, %parallel_loop3A_585, %parallel_loop3A_586], %parallel_loop3A_579 {strides = array<i32>} : memref<1x8x4096xf32, #tpu.memory_space<vmem>>, vector<16xf32>,
      %parallel_loop3A_588 = arith.constant 240 : i32
      %parallel_loop3A_589 = vector.broadcast %parallel_loop3A_588 : i32 to vector<16xi32>
      %parallel_loop3A_590 = arith.addi %parallel_loop3A_527, %parallel_loop3A_589 : vector<16xi32>
      %parallel_loop3A_591 = tpu.vector_load_idx %arg9[%parallel_loop3A_590] : memref<24960xf32, #tpu.memory_space<vmem>>[vector<16xi32>], vector<16xf32>,
      %parallel_loop3A_592 = arith.constant 16 : i32
      %parallel_loop3A_593 = arith.muli %parallel_loop3A_520, %parallel_loop3A_592 : i32
      %parallel_loop3A_594 = arith.constant 0 : i32
      %parallel_loop3A_595 = arith.constant 5 : i32
      %parallel_loop3A_596 = arith.index_cast %parallel_loop3A_594 : i32 to index
      %parallel_loop3A_597 = arith.index_cast %parallel_loop3A_595 : i32 to index
      %parallel_loop3A_598 = arith.index_cast %parallel_loop3A_593 : i32 to index
      %parallel_loop3A_599 = tpu.vector_load %arg12[%parallel_loop3A_596, %parallel_loop3A_597, %parallel_loop3A_598] {strides = array<i32>} : memref<1x8x4096xf32, #tpu.memory_space<vmem>>, vector<16xf32>,
      tpu.vector_store %arg12[%parallel_loop3A_596, %parallel_loop3A_597, %parallel_loop3A_598], %parallel_loop3A_591 {strides = array<i32>} : memref<1x8x4096xf32, #tpu.memory_space<vmem>>, vector<16xf32>,
      %parallel_loop3A_600 = arith.constant 288 : i32
      %parallel_loop3A_601 = vector.broadcast %parallel_loop3A_600 : i32 to vector<16xi32>
      %parallel_loop3A_602 = arith.addi %parallel_loop3A_527, %parallel_loop3A_601 : vector<16xi32>
      %parallel_loop3A_603 = tpu.vector_load_idx %arg9[%parallel_loop3A_602] : memref<24960xf32, #tpu.memory_space<vmem>>[vector<16xi32>], vector<16xf32>,
      %parallel_loop3A_604 = arith.constant 16 : i32
      %parallel_loop3A_605 = arith.muli %parallel_loop3A_520, %parallel_loop3A_604 : i32
      %parallel_loop3A_606 = arith.constant 0 : i32
      %parallel_loop3A_607 = arith.constant 6 : i32
      %parallel_loop3A_608 = arith.index_cast %parallel_loop3A_606 : i32 to index
      %parallel_loop3A_609 = arith.index_cast %parallel_loop3A_607 : i32 to index
      %parallel_loop3A_610 = arith.index_cast %parallel_loop3A_605 : i32 to index
      %parallel_loop3A_611 = tpu.vector_load %arg12[%parallel_loop3A_608, %parallel_loop3A_609, %parallel_loop3A_610] {strides = array<i32>} : memref<1x8x4096xf32, #tpu.memory_space<vmem>>, vector<16xf32>,
      tpu.vector_store %arg12[%parallel_loop3A_608, %parallel_loop3A_609, %parallel_loop3A_610], %parallel_loop3A_603 {strides = array<i32>} : memref<1x8x4096xf32, #tpu.memory_space<vmem>>, vector<16xf32>,
      %parallel_loop3A_612 = arith.constant 336 : i32
      %parallel_loop3A_613 = vector.broadcast %parallel_loop3A_612 : i32 to vector<16xi32>
      %parallel_loop3A_614 = arith.addi %parallel_loop3A_527, %parallel_loop3A_613 : vector<16xi32>
      %parallel_loop3A_615 = tpu.vector_load_idx %arg9[%parallel_loop3A_614] : memref<24960xf32, #tpu.memory_space<vmem>>[vector<16xi32>], vector<16xf32>,
      %parallel_loop3A_616 = arith.constant 16 : i32
      %parallel_loop3A_617 = arith.muli %parallel_loop3A_520, %parallel_loop3A_616 : i32
      %parallel_loop3A_618 = arith.constant 0 : i32
      %parallel_loop3A_619 = arith.constant 7 : i32
      %parallel_loop3A_620 = arith.index_cast %parallel_loop3A_618 : i32 to index
      %parallel_loop3A_621 = arith.index_cast %parallel_loop3A_619 : i32 to index
      %parallel_loop3A_622 = arith.index_cast %parallel_loop3A_617 : i32 to index
      %parallel_loop3A_623 = tpu.vector_load %arg12[%parallel_loop3A_620, %parallel_loop3A_621, %parallel_loop3A_622] {strides = array<i32>} : memref<1x8x4096xf32, #tpu.memory_space<vmem>>, vector<16xf32>,
      tpu.vector_store %arg12[%parallel_loop3A_620, %parallel_loop3A_621, %parallel_loop3A_622], %parallel_loop3A_615 {strides = array<i32>} : memref<1x8x4096xf32, #tpu.memory_space<vmem>>, vector<16xf32>,
    } {sc.loop_unroll_factor = 2 : i64, sc.parallel_access}
    %add3A_456 = arith.constant 1015808 : i32
    %add3A_457 = arith.addi %add3A_456, %mul3A_34 : i32
    %dma_start3A_458 = tpu.memref_slice %arg2[%add3A_457] : memref<1064960xi32, #tpu.memory_space<hbm>> -> memref<4096xi32, #tpu.memory_space<hbm>>
    %dma_start3A_459 = tpu.memref_slice %arg2[%add3A_457] : memref<1064960xi32, #tpu.memory_space<hbm>> -> memref<4096xi32, #tpu.memory_space<hbm>>
    tpu.enqueue_dma source(%dma_start3A_459 : memref<4096xi32, #tpu.memory_space<hbm>>) target(%arg10 : memref<4096xi32, #tpu.memory_space<vmem>>) target_semaphore(%arg16 : memref<!tpu.dma_semaphore, #tpu.memory_space<semaphore_mem>>)
    %dma_start3A_460 = arith.constant 64 : i32
    %dma_start3A_461 = tpu.memref_slice %arg5[%dma_start3A_460, %mul3A_11, %mul3A_34] : memref<65x64x16384xf32, #tpu.memory_space<hbm>> -> memref<1x8x4096xf32, #tpu.memory_space<hbm>>
    %dma_start3A_462 = arith.constant 64 : i32
    %dma_start3A_463 = tpu.memref_slice %arg5[%dma_start3A_462, %mul3A_11, %mul3A_34] : memref<65x64x16384xf32, #tpu.memory_space<hbm>> -> memref<1x8x4096xf32, #tpu.memory_space<hbm>>
    tpu.enqueue_dma source(%arg12 : memref<1x8x4096xf32, #tpu.memory_space<vmem>>) target(%dma_start3A_463 : memref<1x8x4096xf32, #tpu.memory_space<hbm>>) target_semaphore(%arg14 : memref<!tpu.dma_semaphore, #tpu.memory_space<semaphore_mem>>)
    %dma_wait3A_464 = arith.constant 0 : i32
    %dma_wait3A_465 = tpu.memref_slice %arg2[%dma_wait3A_464] : memref<1064960xi32, #tpu.memory_space<hbm>> -> memref<4096xi32, #tpu.memory_space<hbm>>
    %dma_wait3A_466 = arith.constant 0 : i32
    %dma_wait3A_467 = tpu.memref_slice %arg2[%dma_wait3A_466] : memref<1064960xi32, #tpu.memory_space<hbm>> -> memref<4096xi32, #tpu.memory_space<hbm>>
    tpu.wait_dma2 semaphore(%arg17 : memref<!tpu.dma_semaphore, #tpu.memory_space<semaphore_mem>>) src(%dma_wait3A_467 : memref<4096xi32, #tpu.memory_space<hbm>>) dst(%arg11 : memref<4096xi32, #tpu.memory_space<vmem>>)
    %parallel_loop3A_468 = arith.constant 0 : i32
    %parallel_loop3A_469 = arith.constant 256 : i32
    %parallel_loop3A_470 = arith.constant 1 : i32
    scf.for %parallel_loop3A_520 = %parallel_loop3A_468 to %parallel_loop3A_469 step %parallel_loop3A_470  : i32 {
      %parallel_loop3A_521 = arith.constant 16 : i32
      %parallel_loop3A_522 = arith.muli %parallel_loop3A_520, %parallel_loop3A_521 : i32
      %parallel_loop3A_523 = arith.index_cast %parallel_loop3A_522 : i32 to index
      %parallel_loop3A_524 = tpu.vector_load %arg11[%parallel_loop3A_523] {strides = array<i32>} : memref<4096xi32, #tpu.memory_space<vmem>>, vector<16xi32>,
      %parallel_loop3A_525 = arith.constant 24192 : i32
      %parallel_loop3A_526 = vector.broadcast %parallel_loop3A_525 : i32 to vector<16xi32>
      %parallel_loop3A_527 = arith.addi %parallel_loop3A_524, %parallel_loop3A_526 : vector<16xi32>
      %parallel_loop3A_528 = arith.constant 0 : i32
      %parallel_loop3A_529 = vector.broadcast %parallel_loop3A_528 : i32 to vector<16xi32>
      %parallel_loop3A_530 = arith.addi %parallel_loop3A_527, %parallel_loop3A_529 : vector<16xi32>
      %parallel_loop3A_531 = tpu.vector_load_idx %arg9[%parallel_loop3A_530] : memref<24960xf32, #tpu.memory_space<vmem>>[vector<16xi32>], vector<16xf32>,
      %parallel_loop3A_532 = arith.constant 16 : i32
      %parallel_loop3A_533 = arith.muli %parallel_loop3A_520, %parallel_loop3A_532 : i32
      %parallel_loop3A_534 = arith.constant 0 : i32
      %parallel_loop3A_535 = arith.constant 0 : i32
      %parallel_loop3A_536 = arith.index_cast %parallel_loop3A_534 : i32 to index
      %parallel_loop3A_537 = arith.index_cast %parallel_loop3A_535 : i32 to index
      %parallel_loop3A_538 = arith.index_cast %parallel_loop3A_533 : i32 to index
      %parallel_loop3A_539 = tpu.vector_load %arg13[%parallel_loop3A_536, %parallel_loop3A_537, %parallel_loop3A_538] {strides = array<i32>} : memref<1x8x4096xf32, #tpu.memory_space<vmem>>, vector<16xf32>,
      tpu.vector_store %arg13[%parallel_loop3A_536, %parallel_loop3A_537, %parallel_loop3A_538], %parallel_loop3A_531 {strides = array<i32>} : memref<1x8x4096xf32, #tpu.memory_space<vmem>>, vector<16xf32>,
      %parallel_loop3A_540 = arith.constant 48 : i32
      %parallel_loop3A_541 = vector.broadcast %parallel_loop3A_540 : i32 to vector<16xi32>
      %parallel_loop3A_542 = arith.addi %parallel_loop3A_527, %parallel_loop3A_541 : vector<16xi32>
      %parallel_loop3A_543 = tpu.vector_load_idx %arg9[%parallel_loop3A_542] : memref<24960xf32, #tpu.memory_space<vmem>>[vector<16xi32>], vector<16xf32>,
      %parallel_loop3A_544 = arith.constant 16 : i32
      %parallel_loop3A_545 = arith.muli %parallel_loop3A_520, %parallel_loop3A_544 : i32
      %parallel_loop3A_546 = arith.constant 0 : i32
      %parallel_loop3A_547 = arith.constant 1 : i32
      %parallel_loop3A_548 = arith.index_cast %parallel_loop3A_546 : i32 to index
      %parallel_loop3A_549 = arith.index_cast %parallel_loop3A_547 : i32 to index
      %parallel_loop3A_550 = arith.index_cast %parallel_loop3A_545 : i32 to index
      %parallel_loop3A_551 = tpu.vector_load %arg13[%parallel_loop3A_548, %parallel_loop3A_549, %parallel_loop3A_550] {strides = array<i32>} : memref<1x8x4096xf32, #tpu.memory_space<vmem>>, vector<16xf32>,
      tpu.vector_store %arg13[%parallel_loop3A_548, %parallel_loop3A_549, %parallel_loop3A_550], %parallel_loop3A_543 {strides = array<i32>} : memref<1x8x4096xf32, #tpu.memory_space<vmem>>, vector<16xf32>,
      %parallel_loop3A_552 = arith.constant 96 : i32
      %parallel_loop3A_553 = vector.broadcast %parallel_loop3A_552 : i32 to vector<16xi32>
      %parallel_loop3A_554 = arith.addi %parallel_loop3A_527, %parallel_loop3A_553 : vector<16xi32>
      %parallel_loop3A_555 = tpu.vector_load_idx %arg9[%parallel_loop3A_554] : memref<24960xf32, #tpu.memory_space<vmem>>[vector<16xi32>], vector<16xf32>,
      %parallel_loop3A_556 = arith.constant 16 : i32
      %parallel_loop3A_557 = arith.muli %parallel_loop3A_520, %parallel_loop3A_556 : i32
      %parallel_loop3A_558 = arith.constant 0 : i32
      %parallel_loop3A_559 = arith.constant 2 : i32
      %parallel_loop3A_560 = arith.index_cast %parallel_loop3A_558 : i32 to index
      %parallel_loop3A_561 = arith.index_cast %parallel_loop3A_559 : i32 to index
      %parallel_loop3A_562 = arith.index_cast %parallel_loop3A_557 : i32 to index
      %parallel_loop3A_563 = tpu.vector_load %arg13[%parallel_loop3A_560, %parallel_loop3A_561, %parallel_loop3A_562] {strides = array<i32>} : memref<1x8x4096xf32, #tpu.memory_space<vmem>>, vector<16xf32>,
      tpu.vector_store %arg13[%parallel_loop3A_560, %parallel_loop3A_561, %parallel_loop3A_562], %parallel_loop3A_555 {strides = array<i32>} : memref<1x8x4096xf32, #tpu.memory_space<vmem>>, vector<16xf32>,
      %parallel_loop3A_564 = arith.constant 144 : i32
      %parallel_loop3A_565 = vector.broadcast %parallel_loop3A_564 : i32 to vector<16xi32>
      %parallel_loop3A_566 = arith.addi %parallel_loop3A_527, %parallel_loop3A_565 : vector<16xi32>
      %parallel_loop3A_567 = tpu.vector_load_idx %arg9[%parallel_loop3A_566] : memref<24960xf32, #tpu.memory_space<vmem>>[vector<16xi32>], vector<16xf32>,
      %parallel_loop3A_568 = arith.constant 16 : i32
      %parallel_loop3A_569 = arith.muli %parallel_loop3A_520, %parallel_loop3A_568 : i32
      %parallel_loop3A_570 = arith.constant 0 : i32
      %parallel_loop3A_571 = arith.constant 3 : i32
      %parallel_loop3A_572 = arith.index_cast %parallel_loop3A_570 : i32 to index
      %parallel_loop3A_573 = arith.index_cast %parallel_loop3A_571 : i32 to index
      %parallel_loop3A_574 = arith.index_cast %parallel_loop3A_569 : i32 to index
      %parallel_loop3A_575 = tpu.vector_load %arg13[%parallel_loop3A_572, %parallel_loop3A_573, %parallel_loop3A_574] {strides = array<i32>} : memref<1x8x4096xf32, #tpu.memory_space<vmem>>, vector<16xf32>,
      tpu.vector_store %arg13[%parallel_loop3A_572, %parallel_loop3A_573, %parallel_loop3A_574], %parallel_loop3A_567 {strides = array<i32>} : memref<1x8x4096xf32, #tpu.memory_space<vmem>>, vector<16xf32>,
      %parallel_loop3A_576 = arith.constant 192 : i32
      %parallel_loop3A_577 = vector.broadcast %parallel_loop3A_576 : i32 to vector<16xi32>
      %parallel_loop3A_578 = arith.addi %parallel_loop3A_527, %parallel_loop3A_577 : vector<16xi32>
      %parallel_loop3A_579 = tpu.vector_load_idx %arg9[%parallel_loop3A_578] : memref<24960xf32, #tpu.memory_space<vmem>>[vector<16xi32>], vector<16xf32>,
      %parallel_loop3A_580 = arith.constant 16 : i32
      %parallel_loop3A_581 = arith.muli %parallel_loop3A_520, %parallel_loop3A_580 : i32
      %parallel_loop3A_582 = arith.constant 0 : i32
      %parallel_loop3A_583 = arith.constant 4 : i32
      %parallel_loop3A_584 = arith.index_cast %parallel_loop3A_582 : i32 to index
      %parallel_loop3A_585 = arith.index_cast %parallel_loop3A_583 : i32 to index
      %parallel_loop3A_586 = arith.index_cast %parallel_loop3A_581 : i32 to index
      %parallel_loop3A_587 = tpu.vector_load %arg13[%parallel_loop3A_584, %parallel_loop3A_585, %parallel_loop3A_586] {strides = array<i32>} : memref<1x8x4096xf32, #tpu.memory_space<vmem>>, vector<16xf32>,
      tpu.vector_store %arg13[%parallel_loop3A_584, %parallel_loop3A_585, %parallel_loop3A_586], %parallel_loop3A_579 {strides = array<i32>} : memref<1x8x4096xf32, #tpu.memory_space<vmem>>, vector<16xf32>,
      %parallel_loop3A_588 = arith.constant 240 : i32
      %parallel_loop3A_589 = vector.broadcast %parallel_loop3A_588 : i32 to vector<16xi32>
      %parallel_loop3A_590 = arith.addi %parallel_loop3A_527, %parallel_loop3A_589 : vector<16xi32>
      %parallel_loop3A_591 = tpu.vector_load_idx %arg9[%parallel_loop3A_590] : memref<24960xf32, #tpu.memory_space<vmem>>[vector<16xi32>], vector<16xf32>,
      %parallel_loop3A_592 = arith.constant 16 : i32
      %parallel_loop3A_593 = arith.muli %parallel_loop3A_520, %parallel_loop3A_592 : i32
      %parallel_loop3A_594 = arith.constant 0 : i32
      %parallel_loop3A_595 = arith.constant 5 : i32
      %parallel_loop3A_596 = arith.index_cast %parallel_loop3A_594 : i32 to index
      %parallel_loop3A_597 = arith.index_cast %parallel_loop3A_595 : i32 to index
      %parallel_loop3A_598 = arith.index_cast %parallel_loop3A_593 : i32 to index
      %parallel_loop3A_599 = tpu.vector_load %arg13[%parallel_loop3A_596, %parallel_loop3A_597, %parallel_loop3A_598] {strides = array<i32>} : memref<1x8x4096xf32, #tpu.memory_space<vmem>>, vector<16xf32>,
      tpu.vector_store %arg13[%parallel_loop3A_596, %parallel_loop3A_597, %parallel_loop3A_598], %parallel_loop3A_591 {strides = array<i32>} : memref<1x8x4096xf32, #tpu.memory_space<vmem>>, vector<16xf32>,
      %parallel_loop3A_600 = arith.constant 288 : i32
      %parallel_loop3A_601 = vector.broadcast %parallel_loop3A_600 : i32 to vector<16xi32>
      %parallel_loop3A_602 = arith.addi %parallel_loop3A_527, %parallel_loop3A_601 : vector<16xi32>
      %parallel_loop3A_603 = tpu.vector_load_idx %arg9[%parallel_loop3A_602] : memref<24960xf32, #tpu.memory_space<vmem>>[vector<16xi32>], vector<16xf32>,
      %parallel_loop3A_604 = arith.constant 16 : i32
      %parallel_loop3A_605 = arith.muli %parallel_loop3A_520, %parallel_loop3A_604 : i32
      %parallel_loop3A_606 = arith.constant 0 : i32
      %parallel_loop3A_607 = arith.constant 6 : i32
      %parallel_loop3A_608 = arith.index_cast %parallel_loop3A_606 : i32 to index
      %parallel_loop3A_609 = arith.index_cast %parallel_loop3A_607 : i32 to index
      %parallel_loop3A_610 = arith.index_cast %parallel_loop3A_605 : i32 to index
      %parallel_loop3A_611 = tpu.vector_load %arg13[%parallel_loop3A_608, %parallel_loop3A_609, %parallel_loop3A_610] {strides = array<i32>} : memref<1x8x4096xf32, #tpu.memory_space<vmem>>, vector<16xf32>,
      tpu.vector_store %arg13[%parallel_loop3A_608, %parallel_loop3A_609, %parallel_loop3A_610], %parallel_loop3A_603 {strides = array<i32>} : memref<1x8x4096xf32, #tpu.memory_space<vmem>>, vector<16xf32>,
      %parallel_loop3A_612 = arith.constant 336 : i32
      %parallel_loop3A_613 = vector.broadcast %parallel_loop3A_612 : i32 to vector<16xi32>
      %parallel_loop3A_614 = arith.addi %parallel_loop3A_527, %parallel_loop3A_613 : vector<16xi32>
      %parallel_loop3A_615 = tpu.vector_load_idx %arg9[%parallel_loop3A_614] : memref<24960xf32, #tpu.memory_space<vmem>>[vector<16xi32>], vector<16xf32>,
      %parallel_loop3A_616 = arith.constant 16 : i32
      %parallel_loop3A_617 = arith.muli %parallel_loop3A_520, %parallel_loop3A_616 : i32
      %parallel_loop3A_618 = arith.constant 0 : i32
      %parallel_loop3A_619 = arith.constant 7 : i32
      %parallel_loop3A_620 = arith.index_cast %parallel_loop3A_618 : i32 to index
      %parallel_loop3A_621 = arith.index_cast %parallel_loop3A_619 : i32 to index
      %parallel_loop3A_622 = arith.index_cast %parallel_loop3A_617 : i32 to index
      %parallel_loop3A_623 = tpu.vector_load %arg13[%parallel_loop3A_620, %parallel_loop3A_621, %parallel_loop3A_622] {strides = array<i32>} : memref<1x8x4096xf32, #tpu.memory_space<vmem>>, vector<16xf32>,
      tpu.vector_store %arg13[%parallel_loop3A_620, %parallel_loop3A_621, %parallel_loop3A_622], %parallel_loop3A_615 {strides = array<i32>} : memref<1x8x4096xf32, #tpu.memory_space<vmem>>, vector<16xf32>,
    } {sc.loop_unroll_factor = 2 : i64, sc.parallel_access}
    %add3A_471 = arith.constant 999424 : i32
    %add3A_472 = arith.addi %add3A_471, %mul3A_34 : i32
    %dma_start3A_473 = tpu.memref_slice %arg2[%add3A_472] : memref<1064960xi32, #tpu.memory_space<hbm>> -> memref<4096xi32, #tpu.memory_space<hbm>>
    %dma_start3A_474 = tpu.memref_slice %arg2[%add3A_472] : memref<1064960xi32, #tpu.memory_space<hbm>> -> memref<4096xi32, #tpu.memory_space<hbm>>
    tpu.enqueue_dma source(%dma_start3A_474 : memref<4096xi32, #tpu.memory_space<hbm>>) target(%arg11 : memref<4096xi32, #tpu.memory_space<vmem>>) target_semaphore(%arg17 : memref<!tpu.dma_semaphore, #tpu.memory_space<semaphore_mem>>)
    %dma_start3A_475 = arith.constant 63 : i32
    %dma_start3A_476 = tpu.memref_slice %arg5[%dma_start3A_475, %mul3A_11, %mul3A_34] : memref<65x64x16384xf32, #tpu.memory_space<hbm>> -> memref<1x8x4096xf32, #tpu.memory_space<hbm>>
    %dma_start3A_477 = arith.constant 63 : i32
    %dma_start3A_478 = tpu.memref_slice %arg5[%dma_start3A_477, %mul3A_11, %mul3A_34] : memref<65x64x16384xf32, #tpu.memory_space<hbm>> -> memref<1x8x4096xf32, #tpu.memory_space<hbm>>
    tpu.enqueue_dma source(%arg13 : memref<1x8x4096xf32, #tpu.memory_space<vmem>>) target(%dma_start3A_478 : memref<1x8x4096xf32, #tpu.memory_space<hbm>>) target_semaphore(%arg15 : memref<!tpu.dma_semaphore, #tpu.memory_space<semaphore_mem>>)
    %scan3A_479 = arith.constant 0 : i32
    %scan3A_480 = arith.constant 0 : i32
    %scan3A_481 = arith.constant 31 : i32
    %scan3A_482 = arith.addi %scan3A_480, %scan3A_481 : i32
    %scan3A_483 = arith.constant 1 : i32
    scf.for %scan3A_520 = %scan3A_480 to %scan3A_482 step %scan3A_483  : i32 {
      %mul3A_521 = arith.constant 2 : i32
      %mul3A_522 = arith.muli %mul3A_521, %scan3A_520 : i32
      %sub3A_523 = arith.constant 62 : i32
      %sub3A_524 = arith.subi %sub3A_523, %mul3A_522 : i32
      %dma_wait3A_525 = arith.constant 0 : i32
      %dma_wait3A_526 = tpu.memref_slice %arg2[%dma_wait3A_525] : memref<1064960xi32, #tpu.memory_space<hbm>> -> memref<4096xi32, #tpu.memory_space<hbm>>
      %dma_wait3A_527 = arith.constant 0 : i32
      %dma_wait3A_528 = tpu.memref_slice %arg2[%dma_wait3A_527] : memref<1064960xi32, #tpu.memory_space<hbm>> -> memref<4096xi32, #tpu.memory_space<hbm>>
      tpu.wait_dma2 semaphore(%arg16 : memref<!tpu.dma_semaphore, #tpu.memory_space<semaphore_mem>>) src(%dma_wait3A_528 : memref<4096xi32, #tpu.memory_space<hbm>>) dst(%arg10 : memref<4096xi32, #tpu.memory_space<vmem>>)
      %mul3A_529 = arith.constant 384 : i32
      %mul3A_530 = arith.muli %sub3A_524, %mul3A_529 : i32
      %dma_wait3A_531 = arith.constant 0 : i32
      %dma_wait3A_532 = arith.constant 0 : i32
      %dma_wait3A_533 = arith.constant 0 : i32
      %dma_wait3A_534 = tpu.memref_slice %arg5[%dma_wait3A_531, %dma_wait3A_532, %dma_wait3A_533] : memref<65x64x16384xf32, #tpu.memory_space<hbm>> -> memref<1x8x4096xf32, #tpu.memory_space<hbm>>
      %dma_wait3A_535 = arith.constant 0 : i32
      %dma_wait3A_536 = arith.constant 0 : i32
      %dma_wait3A_537 = arith.constant 0 : i32
      %dma_wait3A_538 = tpu.memref_slice %arg5[%dma_wait3A_535, %dma_wait3A_536, %dma_wait3A_537] : memref<65x64x16384xf32, #tpu.memory_space<hbm>> -> memref<1x8x4096xf32, #tpu.memory_space<hbm>>
      tpu.wait_dma2 semaphore(%arg14 : memref<!tpu.dma_semaphore, #tpu.memory_space<semaphore_mem>>) src(%arg12 : memref<1x8x4096xf32, #tpu.memory_space<vmem>>) dst(%dma_wait3A_538 : memref<1x8x4096xf32, #tpu.memory_space<hbm>>)
      %parallel_loop3A_539 = arith.constant 0 : i32
      %parallel_loop3A_540 = arith.constant 256 : i32
      %parallel_loop3A_541 = arith.constant 1 : i32
      scf.for %parallel_loop3A_574 = %parallel_loop3A_539 to %parallel_loop3A_540 step %parallel_loop3A_541  : i32 {
        %parallel_loop3A_575 = arith.constant 16 : i32
        %parallel_loop3A_576 = arith.muli %parallel_loop3A_574, %parallel_loop3A_575 : i32
        %parallel_loop3A_577 = arith.index_cast %parallel_loop3A_576 : i32 to index
        %parallel_loop3A_578 = tpu.vector_load %arg10[%parallel_loop3A_577] {strides = array<i32>} : memref<4096xi32, #tpu.memory_space<vmem>>, vector<16xi32>,
        %parallel_loop3A_579 = vector.broadcast %mul3A_530 : i32 to vector<16xi32>
        %parallel_loop3A_580 = arith.addi %parallel_loop3A_578, %parallel_loop3A_579 : vector<16xi32>
        %parallel_loop3A_581 = arith.constant 0 : i32
        %parallel_loop3A_582 = vector.broadcast %parallel_loop3A_581 : i32 to vector<16xi32>
        %parallel_loop3A_583 = arith.addi %parallel_loop3A_580, %parallel_loop3A_582 : vector<16xi32>
        %parallel_loop3A_584 = tpu.vector_load_idx %arg9[%parallel_loop3A_583] : memref<24960xf32, #tpu.memory_space<vmem>>[vector<16xi32>], vector<16xf32>,
        %parallel_loop3A_585 = arith.constant 16 : i32
        %parallel_loop3A_586 = arith.muli %parallel_loop3A_574, %parallel_loop3A_585 : i32
        %parallel_loop3A_587 = arith.constant 0 : i32
        %parallel_loop3A_588 = arith.constant 0 : i32
        %parallel_loop3A_589 = arith.index_cast %parallel_loop3A_587 : i32 to index
        %parallel_loop3A_590 = arith.index_cast %parallel_loop3A_588 : i32 to index
        %parallel_loop3A_591 = arith.index_cast %parallel_loop3A_586 : i32 to index
        %parallel_loop3A_592 = tpu.vector_load %arg12[%parallel_loop3A_589, %parallel_loop3A_590, %parallel_loop3A_591] {strides = array<i32>} : memref<1x8x4096xf32, #tpu.memory_space<vmem>>, vector<16xf32>,
        tpu.vector_store %arg12[%parallel_loop3A_589, %parallel_loop3A_590, %parallel_loop3A_591], %parallel_loop3A_584 {strides = array<i32>} : memref<1x8x4096xf32, #tpu.memory_space<vmem>>, vector<16xf32>,
        %parallel_loop3A_593 = arith.constant 48 : i32
        %parallel_loop3A_594 = vector.broadcast %parallel_loop3A_593 : i32 to vector<16xi32>
        %parallel_loop3A_595 = arith.addi %parallel_loop3A_580, %parallel_loop3A_594 : vector<16xi32>
        %parallel_loop3A_596 = tpu.vector_load_idx %arg9[%parallel_loop3A_595] : memref<24960xf32, #tpu.memory_space<vmem>>[vector<16xi32>], vector<16xf32>,
        %parallel_loop3A_597 = arith.constant 16 : i32
        %parallel_loop3A_598 = arith.muli %parallel_loop3A_574, %parallel_loop3A_597 : i32
        %parallel_loop3A_599 = arith.constant 0 : i32
        %parallel_loop3A_600 = arith.constant 1 : i32
        %parallel_loop3A_601 = arith.index_cast %parallel_loop3A_599 : i32 to index
        %parallel_loop3A_602 = arith.index_cast %parallel_loop3A_600 : i32 to index
        %parallel_loop3A_603 = arith.index_cast %parallel_loop3A_598 : i32 to index
        %parallel_loop3A_604 = tpu.vector_load %arg12[%parallel_loop3A_601, %parallel_loop3A_602, %parallel_loop3A_603] {strides = array<i32>} : memref<1x8x4096xf32, #tpu.memory_space<vmem>>, vector<16xf32>,
        tpu.vector_store %arg12[%parallel_loop3A_601, %parallel_loop3A_602, %parallel_loop3A_603], %parallel_loop3A_596 {strides = array<i32>} : memref<1x8x4096xf32, #tpu.memory_space<vmem>>, vector<16xf32>,
        %parallel_loop3A_605 = arith.constant 96 : i32
        %parallel_loop3A_606 = vector.broadcast %parallel_loop3A_605 : i32 to vector<16xi32>
        %parallel_loop3A_607 = arith.addi %parallel_loop3A_580, %parallel_loop3A_606 : vector<16xi32>
        %parallel_loop3A_608 = tpu.vector_load_idx %arg9[%parallel_loop3A_607] : memref<24960xf32, #tpu.memory_space<vmem>>[vector<16xi32>], vector<16xf32>,
        %parallel_loop3A_609 = arith.constant 16 : i32
        %parallel_loop3A_610 = arith.muli %parallel_loop3A_574, %parallel_loop3A_609 : i32
        %parallel_loop3A_611 = arith.constant 0 : i32
        %parallel_loop3A_612 = arith.constant 2 : i32
        %parallel_loop3A_613 = arith.index_cast %parallel_loop3A_611 : i32 to index
        %parallel_loop3A_614 = arith.index_cast %parallel_loop3A_612 : i32 to index
        %parallel_loop3A_615 = arith.index_cast %parallel_loop3A_610 : i32 to index
        %parallel_loop3A_616 = tpu.vector_load %arg12[%parallel_loop3A_613, %parallel_loop3A_614, %parallel_loop3A_615] {strides = array<i32>} : memref<1x8x4096xf32, #tpu.memory_space<vmem>>, vector<16xf32>,
        tpu.vector_store %arg12[%parallel_loop3A_613, %parallel_loop3A_614, %parallel_loop3A_615], %parallel_loop3A_608 {strides = array<i32>} : memref<1x8x4096xf32, #tpu.memory_space<vmem>>, vector<16xf32>,
        %parallel_loop3A_617 = arith.constant 144 : i32
        %parallel_loop3A_618 = vector.broadcast %parallel_loop3A_617 : i32 to vector<16xi32>
        %parallel_loop3A_619 = arith.addi %parallel_loop3A_580, %parallel_loop3A_618 : vector<16xi32>
        %parallel_loop3A_620 = tpu.vector_load_idx %arg9[%parallel_loop3A_619] : memref<24960xf32, #tpu.memory_space<vmem>>[vector<16xi32>], vector<16xf32>,
        %parallel_loop3A_621 = arith.constant 16 : i32
        %parallel_loop3A_622 = arith.muli %parallel_loop3A_574, %parallel_loop3A_621 : i32
        %parallel_loop3A_623 = arith.constant 0 : i32
        %parallel_loop3A_624 = arith.constant 3 : i32
        %parallel_loop3A_625 = arith.index_cast %parallel_loop3A_623 : i32 to index
        %parallel_loop3A_626 = arith.index_cast %parallel_loop3A_624 : i32 to index
        %parallel_loop3A_627 = arith.index_cast %parallel_loop3A_622 : i32 to index
        %parallel_loop3A_628 = tpu.vector_load %arg12[%parallel_loop3A_625, %parallel_loop3A_626, %parallel_loop3A_627] {strides = array<i32>} : memref<1x8x4096xf32, #tpu.memory_space<vmem>>, vector<16xf32>,
        tpu.vector_store %arg12[%parallel_loop3A_625, %parallel_loop3A_626, %parallel_loop3A_627], %parallel_loop3A_620 {strides = array<i32>} : memref<1x8x4096xf32, #tpu.memory_space<vmem>>, vector<16xf32>,
        %parallel_loop3A_629 = arith.constant 192 : i32
        %parallel_loop3A_630 = vector.broadcast %parallel_loop3A_629 : i32 to vector<16xi32>
        %parallel_loop3A_631 = arith.addi %parallel_loop3A_580, %parallel_loop3A_630 : vector<16xi32>
        %parallel_loop3A_632 = tpu.vector_load_idx %arg9[%parallel_loop3A_631] : memref<24960xf32, #tpu.memory_space<vmem>>[vector<16xi32>], vector<16xf32>,
        %parallel_loop3A_633 = arith.constant 16 : i32
        %parallel_loop3A_634 = arith.muli %parallel_loop3A_574, %parallel_loop3A_633 : i32
        %parallel_loop3A_635 = arith.constant 0 : i32
        %parallel_loop3A_636 = arith.constant 4 : i32
        %parallel_loop3A_637 = arith.index_cast %parallel_loop3A_635 : i32 to index
        %parallel_loop3A_638 = arith.index_cast %parallel_loop3A_636 : i32 to index
        %parallel_loop3A_639 = arith.index_cast %parallel_loop3A_634 : i32 to index
        %parallel_loop3A_640 = tpu.vector_load %arg12[%parallel_loop3A_637, %parallel_loop3A_638, %parallel_loop3A_639] {strides = array<i32>} : memref<1x8x4096xf32, #tpu.memory_space<vmem>>, vector<16xf32>,
        tpu.vector_store %arg12[%parallel_loop3A_637, %parallel_loop3A_638, %parallel_loop3A_639], %parallel_loop3A_632 {strides = array<i32>} : memref<1x8x4096xf32, #tpu.memory_space<vmem>>, vector<16xf32>,
        %parallel_loop3A_641 = arith.constant 240 : i32
        %parallel_loop3A_642 = vector.broadcast %parallel_loop3A_641 : i32 to vector<16xi32>
        %parallel_loop3A_643 = arith.addi %parallel_loop3A_580, %parallel_loop3A_642 : vector<16xi32>
        %parallel_loop3A_644 = tpu.vector_load_idx %arg9[%parallel_loop3A_643] : memref<24960xf32, #tpu.memory_space<vmem>>[vector<16xi32>], vector<16xf32>,
        %parallel_loop3A_645 = arith.constant 16 : i32
        %parallel_loop3A_646 = arith.muli %parallel_loop3A_574, %parallel_loop3A_645 : i32
        %parallel_loop3A_647 = arith.constant 0 : i32
        %parallel_loop3A_648 = arith.constant 5 : i32
        %parallel_loop3A_649 = arith.index_cast %parallel_loop3A_647 : i32 to index
        %parallel_loop3A_650 = arith.index_cast %parallel_loop3A_648 : i32 to index
        %parallel_loop3A_651 = arith.index_cast %parallel_loop3A_646 : i32 to index
        %parallel_loop3A_652 = tpu.vector_load %arg12[%parallel_loop3A_649, %parallel_loop3A_650, %parallel_loop3A_651] {strides = array<i32>} : memref<1x8x4096xf32, #tpu.memory_space<vmem>>, vector<16xf32>,
        tpu.vector_store %arg12[%parallel_loop3A_649, %parallel_loop3A_650, %parallel_loop3A_651], %parallel_loop3A_644 {strides = array<i32>} : memref<1x8x4096xf32, #tpu.memory_space<vmem>>, vector<16xf32>,
        %parallel_loop3A_653 = arith.constant 288 : i32
        %parallel_loop3A_654 = vector.broadcast %parallel_loop3A_653 : i32 to vector<16xi32>
        %parallel_loop3A_655 = arith.addi %parallel_loop3A_580, %parallel_loop3A_654 : vector<16xi32>
        %parallel_loop3A_656 = tpu.vector_load_idx %arg9[%parallel_loop3A_655] : memref<24960xf32, #tpu.memory_space<vmem>>[vector<16xi32>], vector<16xf32>,
        %parallel_loop3A_657 = arith.constant 16 : i32
        %parallel_loop3A_658 = arith.muli %parallel_loop3A_574, %parallel_loop3A_657 : i32
        %parallel_loop3A_659 = arith.constant 0 : i32
        %parallel_loop3A_660 = arith.constant 6 : i32
        %parallel_loop3A_661 = arith.index_cast %parallel_loop3A_659 : i32 to index
        %parallel_loop3A_662 = arith.index_cast %parallel_loop3A_660 : i32 to index
        %parallel_loop3A_663 = arith.index_cast %parallel_loop3A_658 : i32 to index
        %parallel_loop3A_664 = tpu.vector_load %arg12[%parallel_loop3A_661, %parallel_loop3A_662, %parallel_loop3A_663] {strides = array<i32>} : memref<1x8x4096xf32, #tpu.memory_space<vmem>>, vector<16xf32>,
        tpu.vector_store %arg12[%parallel_loop3A_661, %parallel_loop3A_662, %parallel_loop3A_663], %parallel_loop3A_656 {strides = array<i32>} : memref<1x8x4096xf32, #tpu.memory_space<vmem>>, vector<16xf32>,
        %parallel_loop3A_665 = arith.constant 336 : i32
        %parallel_loop3A_666 = vector.broadcast %parallel_loop3A_665 : i32 to vector<16xi32>
        %parallel_loop3A_667 = arith.addi %parallel_loop3A_580, %parallel_loop3A_666 : vector<16xi32>
        %parallel_loop3A_668 = tpu.vector_load_idx %arg9[%parallel_loop3A_667] : memref<24960xf32, #tpu.memory_space<vmem>>[vector<16xi32>], vector<16xf32>,
        %parallel_loop3A_669 = arith.constant 16 : i32
        %parallel_loop3A_670 = arith.muli %parallel_loop3A_574, %parallel_loop3A_669 : i32
        %parallel_loop3A_671 = arith.constant 0 : i32
        %parallel_loop3A_672 = arith.constant 7 : i32
        %parallel_loop3A_673 = arith.index_cast %parallel_loop3A_671 : i32 to index
        %parallel_loop3A_674 = arith.index_cast %parallel_loop3A_672 : i32 to index
        %parallel_loop3A_675 = arith.index_cast %parallel_loop3A_670 : i32 to index
        %parallel_loop3A_676 = tpu.vector_load %arg12[%parallel_loop3A_673, %parallel_loop3A_674, %parallel_loop3A_675] {strides = array<i32>} : memref<1x8x4096xf32, #tpu.memory_space<vmem>>, vector<16xf32>,
        tpu.vector_store %arg12[%parallel_loop3A_673, %parallel_loop3A_674, %parallel_loop3A_675], %parallel_loop3A_668 {strides = array<i32>} : memref<1x8x4096xf32, #tpu.memory_space<vmem>>, vector<16xf32>,
      } {sc.loop_unroll_factor = 2 : i64, sc.parallel_access}
      %ge3A = arith.constant 2 : i32
      %ge3A_542 = arith.cmpi sge, %sub3A_524, %ge3A : i32
      %convert_element_type3A = arith.extui %ge3A_542 : i1 to i32
      %cond3A = arith.constant 0 : i32
      %cond3A_543 = arith.cmpi ne, %convert_element_type3A, %cond3A : i32
      scf.if %cond3A_543 {
        %sub3A_574 = arith.constant 2 : i32
        %sub3A_575 = arith.subi %sub3A_524, %sub3A_574 : i32
        %mul3A_576 = arith.constant 16384 : i32
        %mul3A_577 = arith.muli %sub3A_575, %mul3A_576 : i32
        %add3A_578 = arith.addi %mul3A_577, %mul3A_34 : i32
        %dma_start3A_579 = tpu.memref_slice %arg2[%add3A_578] : memref<1064960xi32, #tpu.memory_space<hbm>> -> memref<4096xi32, #tpu.memory_space<hbm>>
        %dma_start3A_580 = tpu.memref_slice %arg2[%add3A_578] : memref<1064960xi32, #tpu.memory_space<hbm>> -> memref<4096xi32, #tpu.memory_space<hbm>>
        tpu.enqueue_dma source(%dma_start3A_580 : memref<4096xi32, #tpu.memory_space<hbm>>) target(%arg10 : memref<4096xi32, #tpu.memory_space<vmem>>) target_semaphore(%arg16 : memref<!tpu.dma_semaphore, #tpu.memory_space<semaphore_mem>>)
      } else {
      }
      %dma_start3A_544 = tpu.memref_slice %arg5[%sub3A_524, %mul3A_11, %mul3A_34] : memref<65x64x16384xf32, #tpu.memory_space<hbm>> -> memref<1x8x4096xf32, #tpu.memory_space<hbm>>
      %dma_start3A_545 = tpu.memref_slice %arg5[%sub3A_524, %mul3A_11, %mul3A_34] : memref<65x64x16384xf32, #tpu.memory_space<hbm>> -> memref<1x8x4096xf32, #tpu.memory_space<hbm>>
      tpu.enqueue_dma source(%arg12 : memref<1x8x4096xf32, #tpu.memory_space<vmem>>) target(%dma_start3A_545 : memref<1x8x4096xf32, #tpu.memory_space<hbm>>) target_semaphore(%arg14 : memref<!tpu.dma_semaphore, #tpu.memory_space<semaphore_mem>>)
      %mul3A_546 = arith.constant 2 : i32
      %mul3A_547 = arith.muli %mul3A_546, %scan3A_520 : i32
      %sub3A_548 = arith.constant 61 : i32
      %sub3A_549 = arith.subi %sub3A_548, %mul3A_547 : i32
      %dma_wait3A_550 = arith.constant 0 : i32
      %dma_wait3A_551 = tpu.memref_slice %arg2[%dma_wait3A_550] : memref<1064960xi32, #tpu.memory_space<hbm>> -> memref<4096xi32, #tpu.memory_space<hbm>>
      %dma_wait3A_552 = arith.constant 0 : i32
      %dma_wait3A_553 = tpu.memref_slice %arg2[%dma_wait3A_552] : memref<1064960xi32, #tpu.memory_space<hbm>> -> memref<4096xi32, #tpu.memory_space<hbm>>
      tpu.wait_dma2 semaphore(%arg17 : memref<!tpu.dma_semaphore, #tpu.memory_space<semaphore_mem>>) src(%dma_wait3A_553 : memref<4096xi32, #tpu.memory_space<hbm>>) dst(%arg11 : memref<4096xi32, #tpu.memory_space<vmem>>)
      %mul3A_554 = arith.constant 384 : i32
      %mul3A_555 = arith.muli %sub3A_549, %mul3A_554 : i32
      %dma_wait3A_556 = arith.constant 0 : i32
      %dma_wait3A_557 = arith.constant 0 : i32
      %dma_wait3A_558 = arith.constant 0 : i32
      %dma_wait3A_559 = tpu.memref_slice %arg5[%dma_wait3A_556, %dma_wait3A_557, %dma_wait3A_558] : memref<65x64x16384xf32, #tpu.memory_space<hbm>> -> memref<1x8x4096xf32, #tpu.memory_space<hbm>>
      %dma_wait3A_560 = arith.constant 0 : i32
      %dma_wait3A_561 = arith.constant 0 : i32
      %dma_wait3A_562 = arith.constant 0 : i32
      %dma_wait3A_563 = tpu.memref_slice %arg5[%dma_wait3A_560, %dma_wait3A_561, %dma_wait3A_562] : memref<65x64x16384xf32, #tpu.memory_space<hbm>> -> memref<1x8x4096xf32, #tpu.memory_space<hbm>>
      tpu.wait_dma2 semaphore(%arg15 : memref<!tpu.dma_semaphore, #tpu.memory_space<semaphore_mem>>) src(%arg13 : memref<1x8x4096xf32, #tpu.memory_space<vmem>>) dst(%dma_wait3A_563 : memref<1x8x4096xf32, #tpu.memory_space<hbm>>)
      %parallel_loop3A_564 = arith.constant 0 : i32
      %parallel_loop3A_565 = arith.constant 256 : i32
      %parallel_loop3A_566 = arith.constant 1 : i32
      scf.for %parallel_loop3A_574 = %parallel_loop3A_564 to %parallel_loop3A_565 step %parallel_loop3A_566  : i32 {
        %parallel_loop3A_575 = arith.constant 16 : i32
        %parallel_loop3A_576 = arith.muli %parallel_loop3A_574, %parallel_loop3A_575 : i32
        %parallel_loop3A_577 = arith.index_cast %parallel_loop3A_576 : i32 to index
        %parallel_loop3A_578 = tpu.vector_load %arg11[%parallel_loop3A_577] {strides = array<i32>} : memref<4096xi32, #tpu.memory_space<vmem>>, vector<16xi32>,
        %parallel_loop3A_579 = vector.broadcast %mul3A_555 : i32 to vector<16xi32>
        %parallel_loop3A_580 = arith.addi %parallel_loop3A_578, %parallel_loop3A_579 : vector<16xi32>
        %parallel_loop3A_581 = arith.constant 0 : i32
        %parallel_loop3A_582 = vector.broadcast %parallel_loop3A_581 : i32 to vector<16xi32>
        %parallel_loop3A_583 = arith.addi %parallel_loop3A_580, %parallel_loop3A_582 : vector<16xi32>
        %parallel_loop3A_584 = tpu.vector_load_idx %arg9[%parallel_loop3A_583] : memref<24960xf32, #tpu.memory_space<vmem>>[vector<16xi32>], vector<16xf32>,
        %parallel_loop3A_585 = arith.constant 16 : i32
        %parallel_loop3A_586 = arith.muli %parallel_loop3A_574, %parallel_loop3A_585 : i32
        %parallel_loop3A_587 = arith.constant 0 : i32
        %parallel_loop3A_588 = arith.constant 0 : i32
        %parallel_loop3A_589 = arith.index_cast %parallel_loop3A_587 : i32 to index
        %parallel_loop3A_590 = arith.index_cast %parallel_loop3A_588 : i32 to index
        %parallel_loop3A_591 = arith.index_cast %parallel_loop3A_586 : i32 to index
        %parallel_loop3A_592 = tpu.vector_load %arg13[%parallel_loop3A_589, %parallel_loop3A_590, %parallel_loop3A_591] {strides = array<i32>} : memref<1x8x4096xf32, #tpu.memory_space<vmem>>, vector<16xf32>,
        tpu.vector_store %arg13[%parallel_loop3A_589, %parallel_loop3A_590, %parallel_loop3A_591], %parallel_loop3A_584 {strides = array<i32>} : memref<1x8x4096xf32, #tpu.memory_space<vmem>>, vector<16xf32>,
        %parallel_loop3A_593 = arith.constant 48 : i32
        %parallel_loop3A_594 = vector.broadcast %parallel_loop3A_593 : i32 to vector<16xi32>
        %parallel_loop3A_595 = arith.addi %parallel_loop3A_580, %parallel_loop3A_594 : vector<16xi32>
        %parallel_loop3A_596 = tpu.vector_load_idx %arg9[%parallel_loop3A_595] : memref<24960xf32, #tpu.memory_space<vmem>>[vector<16xi32>], vector<16xf32>,
        %parallel_loop3A_597 = arith.constant 16 : i32
        %parallel_loop3A_598 = arith.muli %parallel_loop3A_574, %parallel_loop3A_597 : i32
        %parallel_loop3A_599 = arith.constant 0 : i32
        %parallel_loop3A_600 = arith.constant 1 : i32
        %parallel_loop3A_601 = arith.index_cast %parallel_loop3A_599 : i32 to index
        %parallel_loop3A_602 = arith.index_cast %parallel_loop3A_600 : i32 to index
        %parallel_loop3A_603 = arith.index_cast %parallel_loop3A_598 : i32 to index
        %parallel_loop3A_604 = tpu.vector_load %arg13[%parallel_loop3A_601, %parallel_loop3A_602, %parallel_loop3A_603] {strides = array<i32>} : memref<1x8x4096xf32, #tpu.memory_space<vmem>>, vector<16xf32>,
        tpu.vector_store %arg13[%parallel_loop3A_601, %parallel_loop3A_602, %parallel_loop3A_603], %parallel_loop3A_596 {strides = array<i32>} : memref<1x8x4096xf32, #tpu.memory_space<vmem>>, vector<16xf32>,
        %parallel_loop3A_605 = arith.constant 96 : i32
        %parallel_loop3A_606 = vector.broadcast %parallel_loop3A_605 : i32 to vector<16xi32>
        %parallel_loop3A_607 = arith.addi %parallel_loop3A_580, %parallel_loop3A_606 : vector<16xi32>
        %parallel_loop3A_608 = tpu.vector_load_idx %arg9[%parallel_loop3A_607] : memref<24960xf32, #tpu.memory_space<vmem>>[vector<16xi32>], vector<16xf32>,
        %parallel_loop3A_609 = arith.constant 16 : i32
        %parallel_loop3A_610 = arith.muli %parallel_loop3A_574, %parallel_loop3A_609 : i32
        %parallel_loop3A_611 = arith.constant 0 : i32
        %parallel_loop3A_612 = arith.constant 2 : i32
        %parallel_loop3A_613 = arith.index_cast %parallel_loop3A_611 : i32 to index
        %parallel_loop3A_614 = arith.index_cast %parallel_loop3A_612 : i32 to index
        %parallel_loop3A_615 = arith.index_cast %parallel_loop3A_610 : i32 to index
        %parallel_loop3A_616 = tpu.vector_load %arg13[%parallel_loop3A_613, %parallel_loop3A_614, %parallel_loop3A_615] {strides = array<i32>} : memref<1x8x4096xf32, #tpu.memory_space<vmem>>, vector<16xf32>,
        tpu.vector_store %arg13[%parallel_loop3A_613, %parallel_loop3A_614, %parallel_loop3A_615], %parallel_loop3A_608 {strides = array<i32>} : memref<1x8x4096xf32, #tpu.memory_space<vmem>>, vector<16xf32>,
        %parallel_loop3A_617 = arith.constant 144 : i32
        %parallel_loop3A_618 = vector.broadcast %parallel_loop3A_617 : i32 to vector<16xi32>
        %parallel_loop3A_619 = arith.addi %parallel_loop3A_580, %parallel_loop3A_618 : vector<16xi32>
        %parallel_loop3A_620 = tpu.vector_load_idx %arg9[%parallel_loop3A_619] : memref<24960xf32, #tpu.memory_space<vmem>>[vector<16xi32>], vector<16xf32>,
        %parallel_loop3A_621 = arith.constant 16 : i32
        %parallel_loop3A_622 = arith.muli %parallel_loop3A_574, %parallel_loop3A_621 : i32
        %parallel_loop3A_623 = arith.constant 0 : i32
        %parallel_loop3A_624 = arith.constant 3 : i32
        %parallel_loop3A_625 = arith.index_cast %parallel_loop3A_623 : i32 to index
        %parallel_loop3A_626 = arith.index_cast %parallel_loop3A_624 : i32 to index
        %parallel_loop3A_627 = arith.index_cast %parallel_loop3A_622 : i32 to index
        %parallel_loop3A_628 = tpu.vector_load %arg13[%parallel_loop3A_625, %parallel_loop3A_626, %parallel_loop3A_627] {strides = array<i32>} : memref<1x8x4096xf32, #tpu.memory_space<vmem>>, vector<16xf32>,
        tpu.vector_store %arg13[%parallel_loop3A_625, %parallel_loop3A_626, %parallel_loop3A_627], %parallel_loop3A_620 {strides = array<i32>} : memref<1x8x4096xf32, #tpu.memory_space<vmem>>, vector<16xf32>,
        %parallel_loop3A_629 = arith.constant 192 : i32
        %parallel_loop3A_630 = vector.broadcast %parallel_loop3A_629 : i32 to vector<16xi32>
        %parallel_loop3A_631 = arith.addi %parallel_loop3A_580, %parallel_loop3A_630 : vector<16xi32>
        %parallel_loop3A_632 = tpu.vector_load_idx %arg9[%parallel_loop3A_631] : memref<24960xf32, #tpu.memory_space<vmem>>[vector<16xi32>], vector<16xf32>,
        %parallel_loop3A_633 = arith.constant 16 : i32
        %parallel_loop3A_634 = arith.muli %parallel_loop3A_574, %parallel_loop3A_633 : i32
        %parallel_loop3A_635 = arith.constant 0 : i32
        %parallel_loop3A_636 = arith.constant 4 : i32
        %parallel_loop3A_637 = arith.index_cast %parallel_loop3A_635 : i32 to index
        %parallel_loop3A_638 = arith.index_cast %parallel_loop3A_636 : i32 to index
        %parallel_loop3A_639 = arith.index_cast %parallel_loop3A_634 : i32 to index
        %parallel_loop3A_640 = tpu.vector_load %arg13[%parallel_loop3A_637, %parallel_loop3A_638, %parallel_loop3A_639] {strides = array<i32>} : memref<1x8x4096xf32, #tpu.memory_space<vmem>>, vector<16xf32>,
        tpu.vector_store %arg13[%parallel_loop3A_637, %parallel_loop3A_638, %parallel_loop3A_639], %parallel_loop3A_632 {strides = array<i32>} : memref<1x8x4096xf32, #tpu.memory_space<vmem>>, vector<16xf32>,
        %parallel_loop3A_641 = arith.constant 240 : i32
        %parallel_loop3A_642 = vector.broadcast %parallel_loop3A_641 : i32 to vector<16xi32>
        %parallel_loop3A_643 = arith.addi %parallel_loop3A_580, %parallel_loop3A_642 : vector<16xi32>
        %parallel_loop3A_644 = tpu.vector_load_idx %arg9[%parallel_loop3A_643] : memref<24960xf32, #tpu.memory_space<vmem>>[vector<16xi32>], vector<16xf32>,
        %parallel_loop3A_645 = arith.constant 16 : i32
        %parallel_loop3A_646 = arith.muli %parallel_loop3A_574, %parallel_loop3A_645 : i32
        %parallel_loop3A_647 = arith.constant 0 : i32
        %parallel_loop3A_648 = arith.constant 5 : i32
        %parallel_loop3A_649 = arith.index_cast %parallel_loop3A_647 : i32 to index
        %parallel_loop3A_650 = arith.index_cast %parallel_loop3A_648 : i32 to index
        %parallel_loop3A_651 = arith.index_cast %parallel_loop3A_646 : i32 to index
        %parallel_loop3A_652 = tpu.vector_load %arg13[%parallel_loop3A_649, %parallel_loop3A_650, %parallel_loop3A_651] {strides = array<i32>} : memref<1x8x4096xf32, #tpu.memory_space<vmem>>, vector<16xf32>,
        tpu.vector_store %arg13[%parallel_loop3A_649, %parallel_loop3A_650, %parallel_loop3A_651], %parallel_loop3A_644 {strides = array<i32>} : memref<1x8x4096xf32, #tpu.memory_space<vmem>>, vector<16xf32>,
        %parallel_loop3A_653 = arith.constant 288 : i32
        %parallel_loop3A_654 = vector.broadcast %parallel_loop3A_653 : i32 to vector<16xi32>
        %parallel_loop3A_655 = arith.addi %parallel_loop3A_580, %parallel_loop3A_654 : vector<16xi32>
        %parallel_loop3A_656 = tpu.vector_load_idx %arg9[%parallel_loop3A_655] : memref<24960xf32, #tpu.memory_space<vmem>>[vector<16xi32>], vector<16xf32>,
        %parallel_loop3A_657 = arith.constant 16 : i32
        %parallel_loop3A_658 = arith.muli %parallel_loop3A_574, %parallel_loop3A_657 : i32
        %parallel_loop3A_659 = arith.constant 0 : i32
        %parallel_loop3A_660 = arith.constant 6 : i32
        %parallel_loop3A_661 = arith.index_cast %parallel_loop3A_659 : i32 to index
        %parallel_loop3A_662 = arith.index_cast %parallel_loop3A_660 : i32 to index
        %parallel_loop3A_663 = arith.index_cast %parallel_loop3A_658 : i32 to index
        %parallel_loop3A_664 = tpu.vector_load %arg13[%parallel_loop3A_661, %parallel_loop3A_662, %parallel_loop3A_663] {strides = array<i32>} : memref<1x8x4096xf32, #tpu.memory_space<vmem>>, vector<16xf32>,
        tpu.vector_store %arg13[%parallel_loop3A_661, %parallel_loop3A_662, %parallel_loop3A_663], %parallel_loop3A_656 {strides = array<i32>} : memref<1x8x4096xf32, #tpu.memory_space<vmem>>, vector<16xf32>,
        %parallel_loop3A_665 = arith.constant 336 : i32
        %parallel_loop3A_666 = vector.broadcast %parallel_loop3A_665 : i32 to vector<16xi32>
        %parallel_loop3A_667 = arith.addi %parallel_loop3A_580, %parallel_loop3A_666 : vector<16xi32>
        %parallel_loop3A_668 = tpu.vector_load_idx %arg9[%parallel_loop3A_667] : memref<24960xf32, #tpu.memory_space<vmem>>[vector<16xi32>], vector<16xf32>,
        %parallel_loop3A_669 = arith.constant 16 : i32
        %parallel_loop3A_670 = arith.muli %parallel_loop3A_574, %parallel_loop3A_669 : i32
        %parallel_loop3A_671 = arith.constant 0 : i32
        %parallel_loop3A_672 = arith.constant 7 : i32
        %parallel_loop3A_673 = arith.index_cast %parallel_loop3A_671 : i32 to index
        %parallel_loop3A_674 = arith.index_cast %parallel_loop3A_672 : i32 to index
        %parallel_loop3A_675 = arith.index_cast %parallel_loop3A_670 : i32 to index
        %parallel_loop3A_676 = tpu.vector_load %arg13[%parallel_loop3A_673, %parallel_loop3A_674, %parallel_loop3A_675] {strides = array<i32>} : memref<1x8x4096xf32, #tpu.memory_space<vmem>>, vector<16xf32>,
        tpu.vector_store %arg13[%parallel_loop3A_673, %parallel_loop3A_674, %parallel_loop3A_675], %parallel_loop3A_668 {strides = array<i32>} : memref<1x8x4096xf32, #tpu.memory_space<vmem>>, vector<16xf32>,
      } {sc.loop_unroll_factor = 2 : i64, sc.parallel_access}
      %ge3A_567 = arith.constant 2 : i32
      %ge3A_568 = arith.cmpi sge, %sub3A_549, %ge3A_567 : i32
      %convert_element_type3A_569 = arith.extui %ge3A_568 : i1 to i32
      %cond3A_570 = arith.constant 0 : i32
      %cond3A_571 = arith.cmpi ne, %convert_element_type3A_569, %cond3A_570 : i32
      scf.if %cond3A_571 {
        %sub3A_574 = arith.constant 2 : i32
        %sub3A_575 = arith.subi %sub3A_549, %sub3A_574 : i32
        %mul3A_576 = arith.constant 16384 : i32
        %mul3A_577 = arith.muli %sub3A_575, %mul3A_576 : i32
        %add3A_578 = arith.addi %mul3A_577, %mul3A_34 : i32
        %dma_start3A_579 = tpu.memref_slice %arg2[%add3A_578] : memref<1064960xi32, #tpu.memory_space<hbm>> -> memref<4096xi32, #tpu.memory_space<hbm>>
        %dma_start3A_580 = tpu.memref_slice %arg2[%add3A_578] : memref<1064960xi32, #tpu.memory_space<hbm>> -> memref<4096xi32, #tpu.memory_space<hbm>>
        tpu.enqueue_dma source(%dma_start3A_580 : memref<4096xi32, #tpu.memory_space<hbm>>) target(%arg11 : memref<4096xi32, #tpu.memory_space<vmem>>) target_semaphore(%arg17 : memref<!tpu.dma_semaphore, #tpu.memory_space<semaphore_mem>>)
      } else {
      }
      %dma_start3A_572 = tpu.memref_slice %arg5[%sub3A_549, %mul3A_11, %mul3A_34] : memref<65x64x16384xf32, #tpu.memory_space<hbm>> -> memref<1x8x4096xf32, #tpu.memory_space<hbm>>
      %dma_start3A_573 = tpu.memref_slice %arg5[%sub3A_549, %mul3A_11, %mul3A_34] : memref<65x64x16384xf32, #tpu.memory_space<hbm>> -> memref<1x8x4096xf32, #tpu.memory_space<hbm>>
      tpu.enqueue_dma source(%arg13 : memref<1x8x4096xf32, #tpu.memory_space<vmem>>) target(%dma_start3A_573 : memref<1x8x4096xf32, #tpu.memory_space<hbm>>) target_semaphore(%arg15 : memref<!tpu.dma_semaphore, #tpu.memory_space<semaphore_mem>>)
    }
    %scan3A_484 = arith.constant 31 : i32
    %dma_wait3A_485 = arith.constant 0 : i32
    %dma_wait3A_486 = tpu.memref_slice %arg2[%dma_wait3A_485] : memref<1064960xi32, #tpu.memory_space<hbm>> -> memref<4096xi32, #tpu.memory_space<hbm>>
    %dma_wait3A_487 = arith.constant 0 : i32
    %dma_wait3A_488 = tpu.memref_slice %arg2[%dma_wait3A_487] : memref<1064960xi32, #tpu.memory_space<hbm>> -> memref<4096xi32, #tpu.memory_space<hbm>>
    tpu.wait_dma2 semaphore(%arg16 : memref<!tpu.dma_semaphore, #tpu.memory_space<semaphore_mem>>) src(%dma_wait3A_488 : memref<4096xi32, #tpu.memory_space<hbm>>) dst(%arg10 : memref<4096xi32, #tpu.memory_space<vmem>>)
    %dma_wait3A_489 = arith.constant 0 : i32
    %dma_wait3A_490 = arith.constant 0 : i32
    %dma_wait3A_491 = arith.constant 0 : i32
    %dma_wait3A_492 = tpu.memref_slice %arg5[%dma_wait3A_489, %dma_wait3A_490, %dma_wait3A_491] : memref<65x64x16384xf32, #tpu.memory_space<hbm>> -> memref<1x8x4096xf32, #tpu.memory_space<hbm>>
    %dma_wait3A_493 = arith.constant 0 : i32
    %dma_wait3A_494 = arith.constant 0 : i32
    %dma_wait3A_495 = arith.constant 0 : i32
    %dma_wait3A_496 = tpu.memref_slice %arg5[%dma_wait3A_493, %dma_wait3A_494, %dma_wait3A_495] : memref<65x64x16384xf32, #tpu.memory_space<hbm>> -> memref<1x8x4096xf32, #tpu.memory_space<hbm>>
    tpu.wait_dma2 semaphore(%arg14 : memref<!tpu.dma_semaphore, #tpu.memory_space<semaphore_mem>>) src(%arg12 : memref<1x8x4096xf32, #tpu.memory_space<vmem>>) dst(%dma_wait3A_496 : memref<1x8x4096xf32, #tpu.memory_space<hbm>>)
    %parallel_loop3A_497 = arith.constant 0 : i32
    %parallel_loop3A_498 = arith.constant 256 : i32
    %parallel_loop3A_499 = arith.constant 1 : i32
    scf.for %parallel_loop3A_520 = %parallel_loop3A_497 to %parallel_loop3A_498 step %parallel_loop3A_499  : i32 {
      %parallel_loop3A_521 = arith.constant 16 : i32
      %parallel_loop3A_522 = arith.muli %parallel_loop3A_520, %parallel_loop3A_521 : i32
      %parallel_loop3A_523 = arith.index_cast %parallel_loop3A_522 : i32 to index
      %parallel_loop3A_524 = tpu.vector_load %arg10[%parallel_loop3A_523] {strides = array<i32>} : memref<4096xi32, #tpu.memory_space<vmem>>, vector<16xi32>,
      %parallel_loop3A_525 = arith.constant 0 : i32
      %parallel_loop3A_526 = vector.broadcast %parallel_loop3A_525 : i32 to vector<16xi32>
      %parallel_loop3A_527 = arith.addi %parallel_loop3A_524, %parallel_loop3A_526 : vector<16xi32>
      %parallel_loop3A_528 = arith.constant 0 : i32
      %parallel_loop3A_529 = vector.broadcast %parallel_loop3A_528 : i32 to vector<16xi32>
      %parallel_loop3A_530 = arith.addi %parallel_loop3A_527, %parallel_loop3A_529 : vector<16xi32>
      %parallel_loop3A_531 = tpu.vector_load_idx %arg9[%parallel_loop3A_530] : memref<24960xf32, #tpu.memory_space<vmem>>[vector<16xi32>], vector<16xf32>,
      %parallel_loop3A_532 = arith.constant 16 : i32
      %parallel_loop3A_533 = arith.muli %parallel_loop3A_520, %parallel_loop3A_532 : i32
      %parallel_loop3A_534 = arith.constant 0 : i32
      %parallel_loop3A_535 = arith.constant 0 : i32
      %parallel_loop3A_536 = arith.index_cast %parallel_loop3A_534 : i32 to index
      %parallel_loop3A_537 = arith.index_cast %parallel_loop3A_535 : i32 to index
      %parallel_loop3A_538 = arith.index_cast %parallel_loop3A_533 : i32 to index
      %parallel_loop3A_539 = tpu.vector_load %arg12[%parallel_loop3A_536, %parallel_loop3A_537, %parallel_loop3A_538] {strides = array<i32>} : memref<1x8x4096xf32, #tpu.memory_space<vmem>>, vector<16xf32>,
      tpu.vector_store %arg12[%parallel_loop3A_536, %parallel_loop3A_537, %parallel_loop3A_538], %parallel_loop3A_531 {strides = array<i32>} : memref<1x8x4096xf32, #tpu.memory_space<vmem>>, vector<16xf32>,
      %parallel_loop3A_540 = arith.constant 48 : i32
      %parallel_loop3A_541 = vector.broadcast %parallel_loop3A_540 : i32 to vector<16xi32>
      %parallel_loop3A_542 = arith.addi %parallel_loop3A_527, %parallel_loop3A_541 : vector<16xi32>
      %parallel_loop3A_543 = tpu.vector_load_idx %arg9[%parallel_loop3A_542] : memref<24960xf32, #tpu.memory_space<vmem>>[vector<16xi32>], vector<16xf32>,
      %parallel_loop3A_544 = arith.constant 16 : i32
      %parallel_loop3A_545 = arith.muli %parallel_loop3A_520, %parallel_loop3A_544 : i32
      %parallel_loop3A_546 = arith.constant 0 : i32
      %parallel_loop3A_547 = arith.constant 1 : i32
      %parallel_loop3A_548 = arith.index_cast %parallel_loop3A_546 : i32 to index
      %parallel_loop3A_549 = arith.index_cast %parallel_loop3A_547 : i32 to index
      %parallel_loop3A_550 = arith.index_cast %parallel_loop3A_545 : i32 to index
      %parallel_loop3A_551 = tpu.vector_load %arg12[%parallel_loop3A_548, %parallel_loop3A_549, %parallel_loop3A_550] {strides = array<i32>} : memref<1x8x4096xf32, #tpu.memory_space<vmem>>, vector<16xf32>,
      tpu.vector_store %arg12[%parallel_loop3A_548, %parallel_loop3A_549, %parallel_loop3A_550], %parallel_loop3A_543 {strides = array<i32>} : memref<1x8x4096xf32, #tpu.memory_space<vmem>>, vector<16xf32>,
      %parallel_loop3A_552 = arith.constant 96 : i32
      %parallel_loop3A_553 = vector.broadcast %parallel_loop3A_552 : i32 to vector<16xi32>
      %parallel_loop3A_554 = arith.addi %parallel_loop3A_527, %parallel_loop3A_553 : vector<16xi32>
      %parallel_loop3A_555 = tpu.vector_load_idx %arg9[%parallel_loop3A_554] : memref<24960xf32, #tpu.memory_space<vmem>>[vector<16xi32>], vector<16xf32>,
      %parallel_loop3A_556 = arith.constant 16 : i32
      %parallel_loop3A_557 = arith.muli %parallel_loop3A_520, %parallel_loop3A_556 : i32
      %parallel_loop3A_558 = arith.constant 0 : i32
      %parallel_loop3A_559 = arith.constant 2 : i32
      %parallel_loop3A_560 = arith.index_cast %parallel_loop3A_558 : i32 to index
      %parallel_loop3A_561 = arith.index_cast %parallel_loop3A_559 : i32 to index
      %parallel_loop3A_562 = arith.index_cast %parallel_loop3A_557 : i32 to index
      %parallel_loop3A_563 = tpu.vector_load %arg12[%parallel_loop3A_560, %parallel_loop3A_561, %parallel_loop3A_562] {strides = array<i32>} : memref<1x8x4096xf32, #tpu.memory_space<vmem>>, vector<16xf32>,
      tpu.vector_store %arg12[%parallel_loop3A_560, %parallel_loop3A_561, %parallel_loop3A_562], %parallel_loop3A_555 {strides = array<i32>} : memref<1x8x4096xf32, #tpu.memory_space<vmem>>, vector<16xf32>,
      %parallel_loop3A_564 = arith.constant 144 : i32
      %parallel_loop3A_565 = vector.broadcast %parallel_loop3A_564 : i32 to vector<16xi32>
      %parallel_loop3A_566 = arith.addi %parallel_loop3A_527, %parallel_loop3A_565 : vector<16xi32>
      %parallel_loop3A_567 = tpu.vector_load_idx %arg9[%parallel_loop3A_566] : memref<24960xf32, #tpu.memory_space<vmem>>[vector<16xi32>], vector<16xf32>,
      %parallel_loop3A_568 = arith.constant 16 : i32
      %parallel_loop3A_569 = arith.muli %parallel_loop3A_520, %parallel_loop3A_568 : i32
      %parallel_loop3A_570 = arith.constant 0 : i32
      %parallel_loop3A_571 = arith.constant 3 : i32
      %parallel_loop3A_572 = arith.index_cast %parallel_loop3A_570 : i32 to index
      %parallel_loop3A_573 = arith.index_cast %parallel_loop3A_571 : i32 to index
      %parallel_loop3A_574 = arith.index_cast %parallel_loop3A_569 : i32 to index
      %parallel_loop3A_575 = tpu.vector_load %arg12[%parallel_loop3A_572, %parallel_loop3A_573, %parallel_loop3A_574] {strides = array<i32>} : memref<1x8x4096xf32, #tpu.memory_space<vmem>>, vector<16xf32>,
      tpu.vector_store %arg12[%parallel_loop3A_572, %parallel_loop3A_573, %parallel_loop3A_574], %parallel_loop3A_567 {strides = array<i32>} : memref<1x8x4096xf32, #tpu.memory_space<vmem>>, vector<16xf32>,
      %parallel_loop3A_576 = arith.constant 192 : i32
      %parallel_loop3A_577 = vector.broadcast %parallel_loop3A_576 : i32 to vector<16xi32>
      %parallel_loop3A_578 = arith.addi %parallel_loop3A_527, %parallel_loop3A_577 : vector<16xi32>
      %parallel_loop3A_579 = tpu.vector_load_idx %arg9[%parallel_loop3A_578] : memref<24960xf32, #tpu.memory_space<vmem>>[vector<16xi32>], vector<16xf32>,
      %parallel_loop3A_580 = arith.constant 16 : i32
      %parallel_loop3A_581 = arith.muli %parallel_loop3A_520, %parallel_loop3A_580 : i32
      %parallel_loop3A_582 = arith.constant 0 : i32
      %parallel_loop3A_583 = arith.constant 4 : i32
      %parallel_loop3A_584 = arith.index_cast %parallel_loop3A_582 : i32 to index
      %parallel_loop3A_585 = arith.index_cast %parallel_loop3A_583 : i32 to index
      %parallel_loop3A_586 = arith.index_cast %parallel_loop3A_581 : i32 to index
      %parallel_loop3A_587 = tpu.vector_load %arg12[%parallel_loop3A_584, %parallel_loop3A_585, %parallel_loop3A_586] {strides = array<i32>} : memref<1x8x4096xf32, #tpu.memory_space<vmem>>, vector<16xf32>,
      tpu.vector_store %arg12[%parallel_loop3A_584, %parallel_loop3A_585, %parallel_loop3A_586], %parallel_loop3A_579 {strides = array<i32>} : memref<1x8x4096xf32, #tpu.memory_space<vmem>>, vector<16xf32>,
      %parallel_loop3A_588 = arith.constant 240 : i32
      %parallel_loop3A_589 = vector.broadcast %parallel_loop3A_588 : i32 to vector<16xi32>
      %parallel_loop3A_590 = arith.addi %parallel_loop3A_527, %parallel_loop3A_589 : vector<16xi32>
      %parallel_loop3A_591 = tpu.vector_load_idx %arg9[%parallel_loop3A_590] : memref<24960xf32, #tpu.memory_space<vmem>>[vector<16xi32>], vector<16xf32>,
      %parallel_loop3A_592 = arith.constant 16 : i32
      %parallel_loop3A_593 = arith.muli %parallel_loop3A_520, %parallel_loop3A_592 : i32
      %parallel_loop3A_594 = arith.constant 0 : i32
      %parallel_loop3A_595 = arith.constant 5 : i32
      %parallel_loop3A_596 = arith.index_cast %parallel_loop3A_594 : i32 to index
      %parallel_loop3A_597 = arith.index_cast %parallel_loop3A_595 : i32 to index
      %parallel_loop3A_598 = arith.index_cast %parallel_loop3A_593 : i32 to index
      %parallel_loop3A_599 = tpu.vector_load %arg12[%parallel_loop3A_596, %parallel_loop3A_597, %parallel_loop3A_598] {strides = array<i32>} : memref<1x8x4096xf32, #tpu.memory_space<vmem>>, vector<16xf32>,
      tpu.vector_store %arg12[%parallel_loop3A_596, %parallel_loop3A_597, %parallel_loop3A_598], %parallel_loop3A_591 {strides = array<i32>} : memref<1x8x4096xf32, #tpu.memory_space<vmem>>, vector<16xf32>,
      %parallel_loop3A_600 = arith.constant 288 : i32
      %parallel_loop3A_601 = vector.broadcast %parallel_loop3A_600 : i32 to vector<16xi32>
      %parallel_loop3A_602 = arith.addi %parallel_loop3A_527, %parallel_loop3A_601 : vector<16xi32>
      %parallel_loop3A_603 = tpu.vector_load_idx %arg9[%parallel_loop3A_602] : memref<24960xf32, #tpu.memory_space<vmem>>[vector<16xi32>], vector<16xf32>,
      %parallel_loop3A_604 = arith.constant 16 : i32
      %parallel_loop3A_605 = arith.muli %parallel_loop3A_520, %parallel_loop3A_604 : i32
      %parallel_loop3A_606 = arith.constant 0 : i32
      %parallel_loop3A_607 = arith.constant 6 : i32
      %parallel_loop3A_608 = arith.index_cast %parallel_loop3A_606 : i32 to index
      %parallel_loop3A_609 = arith.index_cast %parallel_loop3A_607 : i32 to index
      %parallel_loop3A_610 = arith.index_cast %parallel_loop3A_605 : i32 to index
      %parallel_loop3A_611 = tpu.vector_load %arg12[%parallel_loop3A_608, %parallel_loop3A_609, %parallel_loop3A_610] {strides = array<i32>} : memref<1x8x4096xf32, #tpu.memory_space<vmem>>, vector<16xf32>,
      tpu.vector_store %arg12[%parallel_loop3A_608, %parallel_loop3A_609, %parallel_loop3A_610], %parallel_loop3A_603 {strides = array<i32>} : memref<1x8x4096xf32, #tpu.memory_space<vmem>>, vector<16xf32>,
      %parallel_loop3A_612 = arith.constant 336 : i32
      %parallel_loop3A_613 = vector.broadcast %parallel_loop3A_612 : i32 to vector<16xi32>
      %parallel_loop3A_614 = arith.addi %parallel_loop3A_527, %parallel_loop3A_613 : vector<16xi32>
      %parallel_loop3A_615 = tpu.vector_load_idx %arg9[%parallel_loop3A_614] : memref<24960xf32, #tpu.memory_space<vmem>>[vector<16xi32>], vector<16xf32>,
      %parallel_loop3A_616 = arith.constant 16 : i32
      %parallel_loop3A_617 = arith.muli %parallel_loop3A_520, %parallel_loop3A_616 : i32
      %parallel_loop3A_618 = arith.constant 0 : i32
      %parallel_loop3A_619 = arith.constant 7 : i32
      %parallel_loop3A_620 = arith.index_cast %parallel_loop3A_618 : i32 to index
      %parallel_loop3A_621 = arith.index_cast %parallel_loop3A_619 : i32 to index
      %parallel_loop3A_622 = arith.index_cast %parallel_loop3A_617 : i32 to index
      %parallel_loop3A_623 = tpu.vector_load %arg12[%parallel_loop3A_620, %parallel_loop3A_621, %parallel_loop3A_622] {strides = array<i32>} : memref<1x8x4096xf32, #tpu.memory_space<vmem>>, vector<16xf32>,
      tpu.vector_store %arg12[%parallel_loop3A_620, %parallel_loop3A_621, %parallel_loop3A_622], %parallel_loop3A_615 {strides = array<i32>} : memref<1x8x4096xf32, #tpu.memory_space<vmem>>, vector<16xf32>,
    } {sc.loop_unroll_factor = 2 : i64, sc.parallel_access}
    %dma_start3A_500 = arith.constant 0 : i32
    %dma_start3A_501 = tpu.memref_slice %arg5[%dma_start3A_500, %mul3A_11, %mul3A_34] : memref<65x64x16384xf32, #tpu.memory_space<hbm>> -> memref<1x8x4096xf32, #tpu.memory_space<hbm>>
    %dma_start3A_502 = arith.constant 0 : i32
    %dma_start3A_503 = tpu.memref_slice %arg5[%dma_start3A_502, %mul3A_11, %mul3A_34] : memref<65x64x16384xf32, #tpu.memory_space<hbm>> -> memref<1x8x4096xf32, #tpu.memory_space<hbm>>
    tpu.enqueue_dma source(%arg12 : memref<1x8x4096xf32, #tpu.memory_space<vmem>>) target(%dma_start3A_503 : memref<1x8x4096xf32, #tpu.memory_space<hbm>>) target_semaphore(%arg14 : memref<!tpu.dma_semaphore, #tpu.memory_space<semaphore_mem>>)
    %dma_wait3A_504 = arith.constant 0 : i32
    %dma_wait3A_505 = arith.constant 0 : i32
    %dma_wait3A_506 = arith.constant 0 : i32
    %dma_wait3A_507 = tpu.memref_slice %arg5[%dma_wait3A_504, %dma_wait3A_505, %dma_wait3A_506] : memref<65x64x16384xf32, #tpu.memory_space<hbm>> -> memref<1x8x4096xf32, #tpu.memory_space<hbm>>
    %dma_wait3A_508 = arith.constant 0 : i32
    %dma_wait3A_509 = arith.constant 0 : i32
    %dma_wait3A_510 = arith.constant 0 : i32
    %dma_wait3A_511 = tpu.memref_slice %arg5[%dma_wait3A_508, %dma_wait3A_509, %dma_wait3A_510] : memref<65x64x16384xf32, #tpu.memory_space<hbm>> -> memref<1x8x4096xf32, #tpu.memory_space<hbm>>
    tpu.wait_dma2 semaphore(%arg14 : memref<!tpu.dma_semaphore, #tpu.memory_space<semaphore_mem>>) src(%arg12 : memref<1x8x4096xf32, #tpu.memory_space<vmem>>) dst(%dma_wait3A_511 : memref<1x8x4096xf32, #tpu.memory_space<hbm>>)
    %dma_wait3A_512 = arith.constant 0 : i32
    %dma_wait3A_513 = arith.constant 0 : i32
    %dma_wait3A_514 = arith.constant 0 : i32
    %dma_wait3A_515 = tpu.memref_slice %arg5[%dma_wait3A_512, %dma_wait3A_513, %dma_wait3A_514] : memref<65x64x16384xf32, #tpu.memory_space<hbm>> -> memref<1x8x4096xf32, #tpu.memory_space<hbm>>
    %dma_wait3A_516 = arith.constant 0 : i32
    %dma_wait3A_517 = arith.constant 0 : i32
    %dma_wait3A_518 = arith.constant 0 : i32
    %dma_wait3A_519 = tpu.memref_slice %arg5[%dma_wait3A_516, %dma_wait3A_517, %dma_wait3A_518] : memref<65x64x16384xf32, #tpu.memory_space<hbm>> -> memref<1x8x4096xf32, #tpu.memory_space<hbm>>
    tpu.wait_dma2 semaphore(%arg15 : memref<!tpu.dma_semaphore, #tpu.memory_space<semaphore_mem>>) src(%arg13 : memref<1x8x4096xf32, #tpu.memory_space<vmem>>) dst(%dma_wait3A_519 : memref<1x8x4096xf32, #tpu.memory_space<hbm>>)
    return
  }
}

</mosaic_0001>

<sc_bundles>
// kernel: kernel.3.cloned.1.call-start
scs
__scs_entry_jumppad:
0x0: {  	(pc) =	sbr.rel $0x88, $3  }
0x1: {  	(tag) =	ssettag $0x0;
	lr =	simm.s32 $0x1  }
0x2: {  	[smem:$0x3F9E] =	sst lr;
	_ =	strace $0xD0000000  }
0x3: {  	_ = 	snop  }
0x4: {  	_ = 	snop  }
0x5: {  	_ = 	snop  }
0x6: {  	_ = 	snop  }
0x7: {  	_ = 	snop  }
__scs_overlays_trampoline_lowered:
0x8: {  	[smem:$0x3FAD] =	sst s0  }
0x9: {  	[smem:$0x3FAE] =	sst s1  }
0xa: {  	[smem:$0x3FAF] =	sst s2  }
0xb: {  	[smem:$0x3FB0] =	sst s3  }
0xc: {  	[smem:$0x3FB1] =	sst s4  }
0xd: {  	[smem:$0x3FB2] =	sst s5  }
0xe: {  	[smem:$0x3FB3] =	sst s6  }
0xf: {  	[smem:$0x3FB4] =	sst s7  }
0x10: {  	[smem:$0x3FB5] =	sst s8  }
0x11: {  	[smem:$0x3FB6] =	sst s9;
	s0 =	simm.s32 @!p0 $0x0  }
0x12: {  	s1 =	sld [smem:$0x3F9C];
	s0 =	simm.s32 @p0 $0x1  }
0x13: {  	[smem:$0x3FB7] =	sst s0;
	s0 =	simm.s32 @!p1 $0x0  }
0x14: {  	s2 =	sld [smem:$0x3F9B];
	s0 =	simm.s32 @p1 $0x1  }
0x15: {  	[smem:$0x3FB8] =	sst s0;
	s0 =	simm.s32 @!p2 $0x0  }
0x16: {  	s3 =	sld [smem:$0x3FDB];
	s0 =	simm.s32 @p2 $0x1  }
0x17: {  	s4 =	simm.s32 $0x1BF5;
	[smem:$0x3FBA] =	sst s0  }
0x18: {  	s0 =	sld [smem:$0x3F9D];
	_ =	swait.ge [sflag:s4], $0x0  }
0x19: {  	s7 =	sld [smem:$0x3F9E]  }
0x1a: {  	s8 =	sadd.s32 $0xFFFFE003, lr  }
0x1b: {  	s9 =	sadd.s32 $0xFFFFFEF7, lr;
	s5 =	simm.s32 $0xFFFFFFFF;
	p2 =	slt.u32 s8, $0xFFFFF086  }
0x1c: {  	p1 =	slt.u32 s9, $0xF7A;
	s5 =	simm.s32 @!p2 $0x0  }
0x1d: {  	s5 =	simm.s32 @p1 $0x1;
	p0 =	seq.s32 s7, s2  }
0x1e: {  	s7 =	smul.u32 @!p0 $0xF7A, s2;
	p2 =	seq.s32 @!p0 s5, $0x0  }
0x1f: {  	s9 =	smul.u32 $0xF7A, s1;
	s8 =	simm.s32 @!p0 $0x1BF5;
	p2 =	por !p2, p0  }
0x20: {  	[sflag:s8] =	ssyncset.s32 @!p0 $0xFFFFF086;
	s6 =	sadd.s32 @!p0 s3, s7;
	s7 =	simm.s32 @!p0 $0x108  }
0x21: {  	s3 =	sadd.s32 s3, s9;
	s6 =	sadd.s32 @!p0 $0x88, s6;
	s7 =	simm.s32 @p2 $0x1082  }
0x22: {  	[simem:s7], [sflag:s8] =	dma.local @!p0 [hbm:s6], $0xF7A  }
0x23: {  	s9 =	sor.u32 $0xD0000000, s2;
	s6 =	simm.s32 $0x108;
	_ =	swait.ge @!p0 [sflag:s8], $0x0  }
0x24: {  	s3 =	sadd.s32 $0x88, s3;
	s6 =	simm.s32 @!p1 $0x1082;
	[sflag:s4] =	ssyncset.s32 $0xFFFFF086  }
0x25: {  	[simem:s6], [sflag:s4] =	dma.local [hbm:s3], $0xF7A  }
0x26: {  	[smem:$0x3F9E] =	sst s1;
	(tag) =	ssettag s2;
	_ =	strace s9  }
0x27: {  	s1 =	sld [smem:$0x3FAE]  }
0x28: {  	s2 =	sld [smem:$0x3FAF]  }
0x29: {  	s4 =	sld [smem:$0x3FB1]  }
0x2a: {  	p0 =	seq.s32 s5, $0x0;
	s5 =	sld [smem:$0x3FB2]  }
0x2b: {  	s6 =	sld [smem:$0x3FB3]  }
0x2c: {  	s7 =	sld [smem:$0x3FB4]  }
0x2d: {  	s3 =	simm.s32 $0x108;
	s8 =	sld [smem:$0x3FB5]  }
0x2e: {  	s3 =	simm.s32 @!p0 $0x1082;
	s9 =	sld [smem:$0x3FB6]  }
0x2f: {  	lr =	sadd.s32 s0, s3;
	s0 =	sld [smem:$0x3FAD]  }
0x30: {  	s3 =	sld [smem:$0x3FB0]  }
0x31: {  	[smem:$0x3FB9] =	sst s10  }
0x32: {  	s10 =	sld [smem:$0x3FB7];
	_ =	sdelay $0x3  }
0x33: {  	p0 =	seq.s32 s10, $0x1;
	s10 =	sld [smem:$0x3FB9];
	_ =	sdelay $0x3  }
0x34: {  	[smem:$0x3FB9] =	sst s10  }
0x35: {  	s10 =	sld [smem:$0x3FB8];
	_ =	sdelay $0x3  }
0x36: {  	p1 =	seq.s32 s10, $0x1;
	s10 =	sld [smem:$0x3FB9];
	_ =	sdelay $0x3  }
0x37: {  	[smem:$0x3FB9] =	sst s10  }
0x38: {  	s10 =	sld [smem:$0x3FBA]  }
0x39: {  	_ = 	snop;
	(pc) =	sbr.ind lr, $3  }
0x3a: {  	_ = 	snop  }
0x3b: {  	_ = 	snop  }
0x3c: {  	p2 =	seq.s32 s10, $0x1;
	s10 =	sld [smem:$0x3FB9]  }
0x3d: {  	_ =	shalt  }
0x3e: {  	_ =	shalt  }
0x3f: {  	_ =	shalt  }
0x40: {  	_ =	shalt  }
0x41: {  	_ =	shalt  }
0x42: {  	_ =	shalt  }
0x43: {  	_ =	shalt  }
0x44: {  	_ =	shalt  }
0x45: {  	_ =	shalt  }
0x46: {  	_ =	shalt  }
0x47: {  	_ =	shalt  }
0x48: {  	_ =	shalt  }
0x49: {  	_ =	shalt  }
0x4a: {  	_ =	shalt  }
0x4b: {  	_ =	shalt  }
0x4c: {  	_ =	shalt  }
0x4d: {  	_ =	shalt  }
0x4e: {  	_ =	shalt  }
0x4f: {  	_ =	shalt  }
0x50: {  	_ =	shalt  }
0x51: {  	_ =	shalt  }
0x52: {  	_ =	shalt  }
0x53: {  	_ =	shalt  }
0x54: {  	_ =	shalt  }
0x55: {  	_ =	shalt  }
0x56: {  	_ =	shalt  }
0x57: {  	_ =	shalt  }
0x58: {  	_ =	shalt  }
0x59: {  	_ =	shalt  }
0x5a: {  	_ =	shalt  }
0x5b: {  	_ =	shalt  }
0x5c: {  	_ =	shalt  }
0x5d: {  	_ =	shalt  }
0x5e: {  	_ =	shalt  }
0x5f: {  	_ =	shalt  }
0x60: {  	_ =	shalt  }
0x61: {  	_ =	shalt  }
0x62: {  	_ =	shalt  }
0x63: {  	_ =	shalt  }
0x64: {  	_ =	shalt  }
0x65: {  	_ =	shalt  }
0x66: {  	_ =	shalt  }
0x67: {  	_ =	shalt  }
0x68: {  	_ =	shalt  }
0x69: {  	_ =	shalt  }
0x6a: {  	_ =	shalt  }
0x6b: {  	_ =	shalt  }
0x6c: {  	_ =	shalt  }
0x6d: {  	_ =	shalt  }
0x6e: {  	_ =	shalt  }
0x6f: {  	_ =	shalt  }
0x70: {  	_ =	shalt  }
0x71: {  	_ =	shalt  }
0x72: {  	_ =	shalt  }
0x73: {  	_ =	shalt  }
0x74: {  	_ =	shalt  }
0x75: {  	_ =	shalt  }
0x76: {  	_ =	shalt  }
0x77: {  	_ =	shalt  }
0x78: {  	_ =	shalt  }
0x79: {  	_ =	shalt  }
0x7a: {  	_ =	shalt  }
0x7b: {  	_ =	shalt  }
0x7c: {  	_ =	shalt  }
0x7d: {  	_ =	shalt  }
0x7e: {  	_ =	shalt  }
0x7f: {  	_ =	shalt  }
0x80: {  	_ =	shalt  }
0x81: {  	_ =	shalt  }
0x82: {  	_ =	shalt  }
0x83: {  	_ =	shalt  }
0x84: {  	_ =	shalt  }
0x85: {  	_ =	shalt  }
0x86: {  	_ =	shalt  }
0x87: {  	_ =	shalt  }
.Lfunc_end0:
.L_simem_size_0:
called_computation_lowered:
.L_overlay_start_0:
0x88: {  	s2 =	sld [smem:$0x3FD9]  }
0x89: {  	s3 =	sld [smem:$0x3FFE];
	_ =	sdelay $0x1  }
0x8a: {  	s1 =	srdreg.scid  }
0x8b: {  	s0 =	sand.u32 $0x1, s1  }
0x8c: {  	s17 =	sshll.u32 s0, $0xA;
	s2 =	sadd.s32 s3, s2  }
0x8d: {  	s2 =	sadd.s32 s2, s17  }
0x8e: {  	[smem:$0x3FC5] =	sst s2  }
0x8f: {  	_ = 	snop  }
0x90: {  	s2 =	sld [smem:$0x3FD0];
	(tm) =	ssettm $0x1  }
0x91: {  	s18 =	sld [smem:$0x3FFB];
	_ =	sdelay $0x3  }
0x92: {  	_ =	strace s18  }
0x93: {  	s3 =	sld [smem:$0x3FFC];
	_ =	sdelay $0x3  }
0x94: {  	_ =	strace s3  }
0x95: {  	s3 =	sld [smem:$0x3FFD];
	_ =	sdelay $0x3  }
0x96: {  	_ =	strace s3  }
0x97: {  	_ =	strace $0x8FFFFFFF  }
0x98: {  	s19 =	sld [smem:$0x3FDB];
	_ =	sdelay $0x1  }
0x99: {  	s4 =	simm.s32 $_scs_section_size  }
0x9a: {  	s5 =	simm.s32 $_size__tile_overlayer_lowered;
	s6 =	simm.s32 $_tile_overlayer_lowered  }
0x9b: {  	s22 =	simm.s32 $0x1BFF;
	s21 =	sshll.u32 s6, $0x1;
	s3 =	sadd.s32 s4, s19  }
0x9c: {  	s7 =	simm.s32 $0x0;
	s20 =	sshll.u32 s5, $0x1;
	s5 =	sadd.s32 s21, s3  }
0x9d: {  	[timem:s7], [sflag:s22] =	dma.local [hbm:s5], s20  }
0x9e: {  	_ =	swait.ge [sflag:s22], s20  }
0x9f: {  	s4 =	ssub.s32 $0x0, s20;
	[sflag:s22] =	ssyncset.done $0x0  }
0xa0: {  	[sflag:s22] =	ssyncadd.s32 s4;
	_ =	sdelay $0x1  }
0xa1: {  	s23 =	simm.s32 $0x1B8B  }
0xa2: {  	_ =	swait.ge [sflag:s23], $0x1  }
0xa3: {  	[sflag:s23] =	ssyncset.done $0x0  }
0xa4: {  	s25 =	simm.s32 $0x1B8E;
	s24 =	sld [smem:$0x3FFE];
	[sflag:s23] =	ssyncadd.s32 $0xFFFFFFFF  }
0xa5: {  	s26 =	simm.s32 $execute0_lowered;
	[smem:$0x3FD2] =	sst s25  }
0xa6: {  	s5 =	sshll.u32 s26, $0x1;
	_ =	strace $0x80000046;
	[dreg:$0x1] =	wrdreg $0xFFFFFFFF  }
0xa7: {  	s28 =	simm.s32 $_size_execute0_lowered;
	s3 =	sadd.s32 s3, s5;
	[dreg:$0x0] =	wrdreg $0x0  }
0xa8: {  	s5 =	sshll.u32 s28, $0x1;
	[dreg:$0x2] =	wrdreg s3  }
0xa9: {  	[dreg:$0x3] =	wrdreg s5  }
0xaa: {  	[dreg:$0x4] =	wrdreg $0xC0  }
0xab: {  	_ =	task [dreg:s7], $0x5FFFF  }
0xac: {  	[dreg:$0x1] =	wrdreg $0xFFFFFFFF  }
0xad: {  	[dreg:$0x0] =	wrdreg $0x60  }
0xae: {  	[dreg:$0x2] =	wrdreg s2  }
0xaf: {  	[dreg:$0x3] =	wrdreg s24  }
0xb0: {  	[dreg:$0x4] =	wrdreg $0x9  }
0xb1: {  	_ =	task.clear_ibuf [dreg:s7], $0x5FFFF;
	_ =	strace $0x90000046  }
0xb2: {  	s29 =	simm.s32 $0x9;
	_ =	strace $0x80000048  }
0xb3: {  	_ =	swait.ge [sflag:s29], $0x1  }
0xb4: {  	[sflag:s29] =	ssyncadd.s32 $0xFFFFFFFF  }
0xb5: {  	_ =	strace $0x90000048  }
0xb6: {  	_ =	sfence  }
0xb7: {  	s30 =	sld [smem:$0x0];
	_ =	sdelay $0x2  }
0xb8: {  	s31 =	sshll.u32 s1, $0xD;
	s1 =	sshrl.u32 s1, $0x2  }
0xb9: {  	s3 =	sand.u32 $0x4000, s31;
	s1 =	sadd.s32 s1, s30  }
0xba: {  	s0 =	sor.u32 s3, s0;
	s1 =	sshll.u32 s1, $0x11  }
0xbb: {  	s0 =	sor.u32 s1, s0  }
0xbc: {  	s0 =	sadd.s32 $0x8F2B, s0  }
0xbd: {  	[sflag:s0] =	ssyncadd.remote.s32 $0x1  }
0xbe: {  	_ =	sfence.sel $0xFFFF  }
0xbf: {  	[dreg:$0x0] =	wrdreg $0xFFFFFFFF;
	(pc) =	sbr.abs _section_cstart, $3  }
0xc0: {  	[dreg:$0x1] =	wrdreg $0xFFFFFFFF  }
0xc1: {  	_ =	task.clear_ibuf [dreg:s7], $0x2FFFF;
	_ =	strace $0x9FFFFFFF  }
0xc2: {  	(tm) =	ssettm $0x7FFFFFFF  }
0xc3: {  	_ =	shalt  }
tec
execute0_lowered:
.L_overlay_start_1:
0x0: {  	(tag) =	ssettag $0x1  }
0x1: {  	v0 =	vlaneseq.u32;
	vm0 =	vcmask $0x300;
	vm4 =	vcmask $0x704  }
0x2: {  	vm3 =	vcmask $0xB08;
	vm2 =	vcmask $0xF0C;
	vm1 =	vcmask $0x1310  }
0x3: {  	s11 =	stileid.u32;
	v4 =	vimm.s32 $0x941;
	v22 =	vmul.u32 $0x40, v0;
	v0 =	vimm.s32 $0x940  }
0x4: {  	s0 =	srdreg.scid;
	v6 =	vimm.s32 $0x942;
	v10 =	vimm.s32 $0x943;
	s1 =	sshll.u32 s11, $0x1;
	v1 =	vsel vm0, $0x800, v0  }
0x5: {  	v13 =	vimm.s32 $0x944;
	s2 =	sand.u32 $0x1, s0;
	v8 =	vsel vm0, $0x802, v6;
	s15 =	sand.u32 $0x6, s1;
	v1 =	vsel vm4, $0x840, v1  }
0x6: {  	s4 =	sor.u32 s2, s15;
	v2 =	vor.u32 $0x400, v22;
	v7 =	vor.u32 $0x2, v22;
	v15 =	vor.u32 $0x404, v22  }
0x7: {  	v17 =	vor.u32 $0x405, v22;
	v19 =	vor.u32 $0x6, v22;
	s0 =	sshll.u32 s4, $0x3;
	v1 =	vsel vm3, $0x880, v1  }
0x8: {  	v21 =	vor.u32 $0x406, v22;
	v0 =	vor.u32 s0, v22;
	v3 =	vsel vm2, $0x8C0, v1  }
0x9: {  	v1 =	vor.u32 s0, v2;
	v6 =	vor.u32 s0, v7;
	v7 =	vsel vm4, $0x842, v8  }
0xa: {  	v8 =	vor.u32 $0x402, v22;
	v2 =	vsel vm1, $0x900, v3;
	v3 =	vsel vm0, $0x801, v4  }
0xb: {  	v4 =	vor.u32 $0x1, v22;
	v9 =	vsel vm3, $0x882, v7;
	v7 =	vor.u32 s0, v8  }
0xc: {  	v2 =	vor.u32 s0, v2;
	v5 =	vsel vm4, $0x841, v3;
	v3 =	vor.u32 s0, v4  }
0xd: {  	v4 =	vor.u32 $0x401, v22;
	v8 =	vsel vm2, $0x8C2, v9;
	v9 =	vsel vm0, $0x803, v10  }
0xe: {  	v10 =	vor.u32 $0x3, v22;
	v5 =	vsel vm3, $0x881, v5;
	v11 =	vsel vm4, $0x843, v9  }
0xf: {  	s5 =	rddreg [dreg:$0x1];
	v4 =	vor.u32 s0, v4;
	v9 =	vor.u32 s0, v10;
	v10 =	vsel vm3, $0x883, v11  }
0x10: {  	s3 =	simm.s32 $0x0;
	s14 =	simm.s32 $0x8CC0;
	s28 =	simm.s32 $0x4;
	v8 =	vsel vm1, $0x902, v8;
	v11 =	vor.u32 $0x403, v22;
	v12 =	vsel vm2, $0x8C3, v10  }
0x11: {  	s29 =	simm.s32 $0x11CC0;
	s30 =	simm.s32 $0x1;
	[smem:$0x7FF] =	sst s3;
	v10 =	vor.u32 s0, v11;
	v11 =	vsel vm1, $0x903, v12;
	v12 =	vsel vm0, $0x804, v13  }
0x12: {  	s31 =	simm.s32 $0x2;
	s6 =	sadd.s32 $0x400, s5;
	s1 =	rddreg [dreg:$0x0];
	v5 =	vsel vm2, $0x8C1, v5;
	v13 =	vor.u32 $0x4, v22;
	v14 =	vsel vm4, $0x844, v12  }
0x13: {  	s16 =	sadd.s32 $0x600, s5;
	_ =	strace $0x80000047;
	[dreg:$0x3] =	wrdreg s6;
	v12 =	vor.u32 s0, v13;
	v13 =	vsel vm3, $0x884, v14;
	v14 =	vimm.s32 $0x945  }
0x14: {  	s7 =	sshll.u32 s11, $0xA;
	s25 =	sand.u32 $0x3, s11;
	[dreg:$0x4] =	wrdreg s16;
	v5 =	vsel vm1, $0x901, v5;
	v16 =	vsel vm2, $0x8C4, v13;
	v14 =	vsel vm0, $0x805, v14  }
0x15: {  	s6 =	sadd.s32 $0xA00, s5;
	s7 =	sand.u32 $0x3000, s7;
	s17 =	ssub.s32 $0x2, s2;
	v13 =	vor.u32 s0, v15;
	v15 =	vsel vm1, $0x904, v16;
	v16 =	vsel vm4, $0x845, v14  }
0x16: {  	s26 =	sshll.u32 s25, $0x4;
	s25 =	simm.s32 $0x4000;
	s9 =	sshrl.u32 s7, $0x3;
	v8 =	vor.u32 s0, v8;
	v5 =	vor.u32 s0, v5;
	v16 =	vsel vm3, $0x885, v16  }
0x17: {  	s18 =	sshrl.u32 s17, $0x1;
	s2 =	sshll.u32 s2, $0x3;
	s4 =	sshll.u32 s4, $0x11;
	v14 =	vor.u32 s0, v15;
	v15 =	vor.u32 $0x5, v22;
	v18 =	vsel vm2, $0x8C5, v16  }
0x18: {  	s9 =	sadd.s32 s9, s1;
	s8 =	sor.u32 s7, s4;
	s4 =	ssub.s32 s17, s18;
	v16 =	vor.u32 s0, v17;
	v17 =	vsel vm1, $0x905, v18;
	v18 =	vimm.s32 $0x946  }
0x19: {  	s19 =	sadd.s32 $0x20000, s9;
	s20 =	sadd.s32 $0x1F800, s9;
	s21 =	sadd.s32 $0x1F000, s9;
	v11 =	vor.u32 s0, v11;
	v15 =	vor.u32 s0, v15;
	v20 =	vsel vm0, $0x806, v18  }
0x1a: {  	s23 =	sadd.s32 $0x1E800, s9;
	s17 =	sor.u32 s2, s26;
	[dreg:$0x5] =	wrdreg s19;
	v18 =	vor.u32 s0, v19;
	v19 =	vsel vm4, $0x846, v20;
	v20 =	vimm.s32 $0x947  }
0x1b: {  	s18 =	simm.s32 $0x5;
	s26 =	simm.s32 $0x9CC0;
	[dreg:$0x6] =	wrdreg s20;
	v17 =	vor.u32 s0, v17;
	v23 =	vsel vm3, $0x886, v19;
	v20 =	vsel vm0, $0x807, v20  }
0x1c: {  	s2 =	simm.s32 $0x0;
	s10 =	sshrl.u32 s8, $0x3;
	[dreg:$0x7] =	wrdreg s21;
	v19 =	vor.u32 s0, v21;
	v21 =	vsel vm2, $0x8C6, v23;
	v20 =	vsel vm4, $0x847, v20  }
0x1d: {  	[dreg:$0x9] =	wrdreg s23;
	s16 =	smax.u32 s4, $0x1;
	s10 =	sadd.s32 s6, s10;
	v23 =	vor.u32 $0x7, v22;
	v21 =	vsel vm1, $0x906, v21;
	v24 =	vsel vm3, $0x887, v20  }
0x1e: {  	s19 =	simm.s32 $0x980;
	s20 =	simm.s32 $0x7CC0;
	s22 =	sadd.s32 $0x800000, s10;
	v20 =	vor.u32 s0, v21;
	v21 =	vor.u32 s0, v23;
	v23 =	vsel vm2, $0x8C7, v24  }
0x1f: {  	s23 =	simm.s32 $0x1B40;
	s24 =	sadd.s32 $0x7E0000, s10;
	[dreg:$0x8] =	wrdreg s22;
	v22 =	vor.u32 $0x407, v22;
	v24 =	vimm.s32 $0x0;
	v23 =	vsel vm1, $0x907, v23  }
0x20: {  	[dreg:$0xa] =	wrdreg s24;
	s22 =	simm.s32 $0x3;
	s24 =	simm.s32 $0x1000;
	v22 =	vor.u32 s0, v22;
	v24 =	vsel vm0, $0x3, v24;
	v23 =	vor.u32 s0, v23  }
.LBB2_1:
0x21: {  	s0 =	rddreg [dreg:$0x3]  }
0x22: {  	[tilespmem:s3], [sflag:$0x5] =	stream.linear.gather [hbm4b:s0+s3], $0x980, $0x38;
	[tilespmem:$0x19CC0] =	vst v63  }
0x23: {  	_ =	swait.ge [sflag:s18], $0x980  }
0x24: {  	[sflag:s18] =	ssyncset.done $0x0  }
0x25: {  	s15 =	rddreg [dreg:$0x4];
	[sflag:s18] =	ssyncadd.s32 $0xFFFFF680  }
0x26: {  	[tilespmem:s19], [sflag:$0x5] =	stream.linear.gather [hbm4b:s15+s3], $0x1040, $0x38;
	[tilespmem:$0x19CC0] =	vst v63  }
0x27: {  	_ =	swait.ge [sflag:s18], $0x1040  }
0x28: {  	[sflag:s18] =	ssyncset.done $0x0  }
0x29: {  	[sflag:s18] =	ssyncadd.s32 $0xFFFFEFC0  }
0x2a: {  	v25 =	vld.idx.msk [tilespmem:v0+s3+$0x0], $0xffff;
	_ =	sdelay $0x4  }
0x2b: {  	[tilespmem:$0x19C0] =	vst v25  }
0x2c: {  	v25 =	vld.idx.msk [tilespmem:v1+s3+$0x0], $0xffff;
	_ =	sdelay $0x4  }
0x2d: {  	[tilespmem:$0x19D0] =	vst v25  }
0x2e: {  	v25 =	vld.idx.msk [tilespmem:v2+s3+$0x0], $0xffff;
	_ =	sdelay $0x4  }
0x2f: {  	[tilespmem:$0x19E0] =	vst v25  }
0x30: {  	v25 =	vld.idx.msk [tilespmem:v3+s3+$0x0], $0xffff;
	_ =	sdelay $0x4  }
0x31: {  	[tilespmem:$0x19F0] =	vst v25  }
0x32: {  	v25 =	vld.idx.msk [tilespmem:v4+s3+$0x0], $0xffff;
	_ =	sdelay $0x4  }
0x33: {  	[tilespmem:$0x1A00] =	vst v25  }
0x34: {  	v25 =	vld.idx.msk [tilespmem:v5+s3+$0x0], $0xffff;
	_ =	sdelay $0x4  }
0x35: {  	[tilespmem:$0x1A10] =	vst v25  }
0x36: {  	v25 =	vld.idx.msk [tilespmem:v6+s3+$0x0], $0xffff;
	_ =	sdelay $0x4  }
0x37: {  	[tilespmem:$0x1A20] =	vst v25  }
0x38: {  	v25 =	vld.idx.msk [tilespmem:v7+s3+$0x0], $0xffff;
	_ =	sdelay $0x4  }
0x39: {  	[tilespmem:$0x1A30] =	vst v25  }
0x3a: {  	v25 =	vld.idx.msk [tilespmem:v8+s3+$0x0], $0xffff;
	_ =	sdelay $0x4  }
0x3b: {  	[tilespmem:$0x1A40] =	vst v25  }
0x3c: {  	v25 =	vld.idx.msk [tilespmem:v9+s3+$0x0], $0xffff;
	_ =	sdelay $0x4  }
0x3d: {  	[tilespmem:$0x1A50] =	vst v25  }
0x3e: {  	v25 =	vld.idx.msk [tilespmem:v10+s3+$0x0], $0xffff;
	_ =	sdelay $0x4  }
0x3f: {  	[tilespmem:$0x1A60] =	vst v25  }
0x40: {  	v25 =	vld.idx.msk [tilespmem:v11+s3+$0x0], $0xffff;
	_ =	sdelay $0x4  }
0x41: {  	[tilespmem:$0x1A70] =	vst v25  }
0x42: {  	v25 =	vld.idx.msk [tilespmem:v12+s3+$0x0], $0xffff;
	_ =	sdelay $0x4  }
0x43: {  	[tilespmem:$0x1A80] =	vst v25  }
0x44: {  	v25 =	vld.idx.msk [tilespmem:v13+s3+$0x0], $0xffff;
	_ =	sdelay $0x4  }
0x45: {  	[tilespmem:$0x1A90] =	vst v25  }
0x46: {  	v25 =	vld.idx.msk [tilespmem:v14+s3+$0x0], $0xffff;
	_ =	sdelay $0x4  }
0x47: {  	[tilespmem:$0x1AA0] =	vst v25  }
0x48: {  	v25 =	vld.idx.msk [tilespmem:v15+s3+$0x0], $0xffff;
	_ =	sdelay $0x4  }
0x49: {  	[tilespmem:$0x1AB0] =	vst v25  }
0x4a: {  	v25 =	vld.idx.msk [tilespmem:v16+s3+$0x0], $0xffff;
	_ =	sdelay $0x4  }
0x4b: {  	[tilespmem:$0x1AC0] =	vst v25  }
0x4c: {  	v25 =	vld.idx.msk [tilespmem:v17+s3+$0x0], $0xffff;
	_ =	sdelay $0x4  }
0x4d: {  	[tilespmem:$0x1AD0] =	vst v25  }
0x4e: {  	v25 =	vld.idx.msk [tilespmem:v18+s3+$0x0], $0xffff;
	_ =	sdelay $0x4  }
0x4f: {  	[tilespmem:$0x1AE0] =	vst v25  }
0x50: {  	v25 =	vld.idx.msk [tilespmem:v19+s3+$0x0], $0xffff;
	_ =	sdelay $0x4  }
0x51: {  	[tilespmem:$0x1AF0] =	vst v25  }
0x52: {  	v25 =	vld.idx.msk [tilespmem:v20+s3+$0x0], $0xffff;
	_ =	sdelay $0x4  }
0x53: {  	[tilespmem:$0x1B00] =	vst v25  }
0x54: {  	v25 =	vld.idx.msk [tilespmem:v21+s3+$0x0], $0xffff;
	_ =	sdelay $0x4  }
0x55: {  	[tilespmem:$0x1B10] =	vst v25  }
0x56: {  	v25 =	vld.idx.msk [tilespmem:v22+s3+$0x0], $0xffff;
	_ =	sdelay $0x1  }
0x57: {  	s21 =	sadd.s32 $0x0, s17  }
0x58: {  	v26 =	vmov s21  }
0x59: {  	v26 =	vshrl.u32 v26, $0x3  }
0x5a: {  	[tilespmem:$0x1B20] =	vst v25;
	v25 =	vshll.u32 v26, v24  }
0x5b: {  	v26 =	vld.idx.msk [tilespmem:v23+s3+$0x0], $0xffff;
	v27 =	vbroadcast v25, $0x0;
	_ =	sdelay $0x4  }
0x5c: {  	[tilespmem:$0x1B30] =	vst v26  }
0x5d: {  	v26 =	vld.idx.msk [tilespmem:v27+s19+$0x0], $0xffff  }
0x5e: {  	v27 =	vld [tilespmem:$0x19C0];
	_ =	sdelay $0x4  }
0x5f: {  	v27 =	vadd.f32 v27, v26  }
0x60: {  	s0 =	simm.s32 $0x1C00  }
0x61: {  	[tilespmem:s0+$0xFFFFFF40] =	vst v27  }
0x62: {  	v27 =	vld [tilespmem:$0x19D0];
	_ =	sdelay $0x4  }
0x63: {  	v27 =	vadd.f32 v27, v26;
	_ =	sdelay $0x1  }
0x64: {  	[tilespmem:s0+$0xFFFFFF50] =	vst v27  }
0x65: {  	v27 =	vld [tilespmem:$0x19E0]  }
0x66: {  	v28 =	vadd.s32 $0x1, v25  }
0x67: {  	v28 =	vbroadcast v28, $0x0;
	_ =	sdelay $0x2  }
0x68: {  	v26 =	vadd.f32 v27, v26;
	_ =	sdelay $0x1  }
0x69: {  	[tilespmem:s0+$0xFFFFFF60] =	vst v26  }
0x6a: {  	v26 =	vld.idx.msk [tilespmem:v28+s19+$0x0], $0xffff  }
0x6b: {  	v27 =	vld [tilespmem:$0x19F0];
	_ =	sdelay $0x4  }
0x6c: {  	v27 =	vadd.f32 v27, v26;
	_ =	sdelay $0x1  }
0x6d: {  	[tilespmem:s0+$0xFFFFFF70] =	vst v27  }
0x6e: {  	v27 =	vld [tilespmem:$0x1A00];
	_ =	sdelay $0x4  }
0x6f: {  	v27 =	vadd.f32 v27, v26;
	_ =	sdelay $0x1  }
0x70: {  	[tilespmem:s0+$0xFFFFFF80] =	vst v27  }
0x71: {  	v27 =	vld [tilespmem:$0x1A10]  }
0x72: {  	v28 =	vadd.s32 $0x2, v25  }
0x73: {  	v28 =	vbroadcast v28, $0x0;
	_ =	sdelay $0x2  }
0x74: {  	v26 =	vadd.f32 v27, v26;
	_ =	sdelay $0x1  }
0x75: {  	[tilespmem:s0+$0xFFFFFF90] =	vst v26  }
0x76: {  	v26 =	vld.idx.msk [tilespmem:v28+s19+$0x0], $0xffff  }
0x77: {  	v27 =	vld [tilespmem:$0x1A20];
	_ =	sdelay $0x4  }
0x78: {  	v27 =	vadd.f32 v27, v26;
	_ =	sdelay $0x1  }
0x79: {  	[tilespmem:s0+$0xFFFFFFA0] =	vst v27  }
0x7a: {  	v27 =	vld [tilespmem:$0x1A30];
	_ =	sdelay $0x4  }
0x7b: {  	v27 =	vadd.f32 v27, v26;
	_ =	sdelay $0x1  }
0x7c: {  	[tilespmem:s0+$0xFFFFFFB0] =	vst v27  }
0x7d: {  	v27 =	vld [tilespmem:$0x1A40]  }
0x7e: {  	v28 =	vadd.s32 $0x3, v25  }
0x7f: {  	v28 =	vbroadcast v28, $0x0;
	_ =	sdelay $0x2  }
0x80: {  	v26 =	vadd.f32 v27, v26;
	_ =	sdelay $0x1  }
0x81: {  	[tilespmem:s0+$0xFFFFFFC0] =	vst v26  }
0x82: {  	v26 =	vld.idx.msk [tilespmem:v28+s19+$0x0], $0xffff  }
0x83: {  	v27 =	vld [tilespmem:$0x1A50];
	_ =	sdelay $0x4  }
0x84: {  	v27 =	vadd.f32 v27, v26;
	_ =	sdelay $0x1  }
0x85: {  	[tilespmem:s0+$0xFFFFFFD0] =	vst v27  }
0x86: {  	v27 =	vld [tilespmem:$0x1A60];
	_ =	sdelay $0x4  }
0x87: {  	v27 =	vadd.f32 v27, v26;
	_ =	sdelay $0x1  }
0x88: {  	[tilespmem:s0+$0xFFFFFFE0] =	vst v27  }
0x89: {  	v27 =	vld [tilespmem:$0x1A70]  }
0x8a: {  	v28 =	vadd.s32 $0x4, v25  }
0x8b: {  	v28 =	vbroadcast v28, $0x0;
	_ =	sdelay $0x2  }
0x8c: {  	v26 =	vadd.f32 v27, v26;
	_ =	sdelay $0x1  }
0x8d: {  	[tilespmem:s0+$0xFFFFFFF0] =	vst v26  }
0x8e: {  	v26 =	vld.idx.msk [tilespmem:v28+s19+$0x0], $0xffff  }
0x8f: {  	v27 =	vld [tilespmem:$0x1A80];
	_ =	sdelay $0x4  }
0x90: {  	v27 =	vadd.f32 v27, v26;
	_ =	sdelay $0x1  }
0x91: {  	[tilespmem:s0+$0x0] =	vst v27  }
0x92: {  	v27 =	vld [tilespmem:$0x1A90];
	_ =	sdelay $0x4  }
0x93: {  	v27 =	vadd.f32 v27, v26;
	_ =	sdelay $0x1  }
0x94: {  	[tilespmem:s0+$0x10] =	vst v27  }
0x95: {  	v27 =	vld [tilespmem:$0x1AA0]  }
0x96: {  	v28 =	vadd.s32 $0x5, v25  }
0x97: {  	v28 =	vbroadcast v28, $0x0;
	_ =	sdelay $0x2  }
0x98: {  	v26 =	vadd.f32 v27, v26;
	_ =	sdelay $0x1  }
0x99: {  	[tilespmem:s0+$0x20] =	vst v26  }
0x9a: {  	v26 =	vld.idx.msk [tilespmem:v28+s19+$0x0], $0xffff  }
0x9b: {  	v27 =	vld [tilespmem:$0x1AB0];
	_ =	sdelay $0x4  }
0x9c: {  	v27 =	vadd.f32 v27, v26;
	_ =	sdelay $0x1  }
0x9d: {  	[tilespmem:s0+$0x30] =	vst v27  }
0x9e: {  	v27 =	vld [tilespmem:$0x1AC0];
	_ =	sdelay $0x4  }
0x9f: {  	v27 =	vadd.f32 v27, v26;
	_ =	sdelay $0x1  }
0xa0: {  	[tilespmem:s0+$0x40] =	vst v27  }
0xa1: {  	v27 =	vld [tilespmem:$0x1AD0]  }
0xa2: {  	v28 =	vadd.s32 $0x6, v25  }
0xa3: {  	v28 =	vbroadcast v28, $0x0;
	_ =	sdelay $0x2  }
0xa4: {  	v26 =	vadd.f32 v27, v26;
	_ =	sdelay $0x1  }
0xa5: {  	[tilespmem:s0+$0x50] =	vst v26  }
0xa6: {  	v26 =	vld.idx.msk [tilespmem:v28+s19+$0x0], $0xffff  }
0xa7: {  	v27 =	vld [tilespmem:$0x1AE0];
	_ =	sdelay $0x4  }
0xa8: {  	v27 =	vadd.f32 v27, v26;
	_ =	sdelay $0x1  }
0xa9: {  	[tilespmem:s0+$0x60] =	vst v27  }
0xaa: {  	v27 =	vld [tilespmem:$0x1AF0];
	_ =	sdelay $0x4  }
0xab: {  	v27 =	vadd.f32 v27, v26;
	_ =	sdelay $0x1  }
0xac: {  	[tilespmem:s0+$0x70] =	vst v27  }
0xad: {  	v27 =	vld [tilespmem:$0x1B00]  }
0xae: {  	v25 =	vadd.s32 $0x7, v25  }
0xaf: {  	v25 =	vbroadcast v25, $0x0;
	_ =	sdelay $0x2  }
0xb0: {  	v26 =	vadd.f32 v27, v26;
	_ =	sdelay $0x1  }
0xb1: {  	[tilespmem:s0+$0x80] =	vst v26  }
0xb2: {  	v33 =	vld.idx.msk [tilespmem:v25+s19+$0x0], $0xffff  }
0xb3: {  	v25 =	vld [tilespmem:$0x1B10];
	_ =	sdelay $0x4  }
0xb4: {  	v25 =	vadd.f32 v25, v33;
	_ =	sdelay $0x1  }
0xb5: {  	[tilespmem:s0+$0x90] =	vst v25  }
0xb6: {  	v25 =	vld [tilespmem:$0x1B20];
	_ =	sdelay $0x4  }
0xb7: {  	v25 =	vadd.f32 v25, v33  }
0xb8: {  	s4 =	sadd.s32 $0x40, s17  }
0xb9: {  	[tilespmem:s0+$0xA0] =	vst v25;
	v25 =	vmov s4  }
0xba: {  	v34 =	vld [tilespmem:$0x1B30];
	v25 =	vshrl.u32 v25, $0x3  }
0xbb: {  	v25 =	vshll.u32 v25, v24  }
0xbc: {  	v32 =	vbroadcast v25, $0x0  }
0xbd: {  	v31 =	vadd.s32 $0x1, v25;
	v30 =	vadd.s32 $0x2, v25  }
0xbe: {  	v29 =	vadd.s32 $0x3, v25;
	v28 =	vadd.s32 $0x4, v25;
	v27 =	vadd.s32 $0x5, v25  }
0xbf: {  	s4 =	simm.s32 $0x80;
	v26 =	vadd.s32 $0x6, v25;
	v25 =	vadd.s32 $0x7, v25;
	v33 =	vadd.f32 v34, v33  }
.LBB2_2:
0xc0: {  	p0 =	sne.s32 s4, $0x1000  }
0xc1: {  	s5 =	smov.u32 s4;
	s4 =	sadd.s32 $0x40, s4;
	[tilespmem:s0+$0xB0] =	vst v33;
	s0 =	sadd.s32 $0x180, s0  }
0xc2: {  	v32 =	vld.idx.msk [tilespmem:v32+s19+$0x0], $0xffff  }
0xc3: {  	v33 =	vld [tilespmem:$0x19C0];
	_ =	sdelay $0x4  }
0xc4: {  	v33 =	vadd.f32 v33, v32;
	_ =	sdelay $0x1  }
0xc5: {  	[tilespmem:s0+$0xFFFFFF40] =	vst v33  }
0xc6: {  	v33 =	vld [tilespmem:$0x19D0];
	_ =	sdelay $0x4  }
0xc7: {  	v33 =	vadd.f32 v33, v32;
	_ =	sdelay $0x1  }
0xc8: {  	[tilespmem:s0+$0xFFFFFF50] =	vst v33  }
0xc9: {  	v33 =	vld [tilespmem:$0x19E0];
	_ =	sdelay $0x1  }
0xca: {  	v31 =	vbroadcast v31, $0x0;
	_ =	sdelay $0x2  }
0xcb: {  	v32 =	vadd.f32 v33, v32;
	_ =	sdelay $0x1  }
0xcc: {  	[tilespmem:s0+$0xFFFFFF60] =	vst v32  }
0xcd: {  	v31 =	vld.idx.msk [tilespmem:v31+s19+$0x0], $0xffff  }
0xce: {  	v32 =	vld [tilespmem:$0x19F0];
	_ =	sdelay $0x4  }
0xcf: {  	v32 =	vadd.f32 v32, v31;
	_ =	sdelay $0x1  }
0xd0: {  	[tilespmem:s0+$0xFFFFFF70] =	vst v32  }
0xd1: {  	v32 =	vld [tilespmem:$0x1A00];
	_ =	sdelay $0x4  }
0xd2: {  	v32 =	vadd.f32 v32, v31;
	_ =	sdelay $0x1  }
0xd3: {  	[tilespmem:s0+$0xFFFFFF80] =	vst v32  }
0xd4: {  	v32 =	vld [tilespmem:$0x1A10];
	_ =	sdelay $0x1  }
0xd5: {  	v30 =	vbroadcast v30, $0x0;
	_ =	sdelay $0x2  }
0xd6: {  	v31 =	vadd.f32 v32, v31;
	_ =	sdelay $0x1  }
0xd7: {  	[tilespmem:s0+$0xFFFFFF90] =	vst v31  }
0xd8: {  	v30 =	vld.idx.msk [tilespmem:v30+s19+$0x0], $0xffff  }
0xd9: {  	v31 =	vld [tilespmem:$0x1A20];
	_ =	sdelay $0x4  }
0xda: {  	v31 =	vadd.f32 v31, v30;
	_ =	sdelay $0x1  }
0xdb: {  	[tilespmem:s0+$0xFFFFFFA0] =	vst v31  }
0xdc: {  	v31 =	vld [tilespmem:$0x1A30];
	_ =	sdelay $0x4  }
0xdd: {  	v31 =	vadd.f32 v31, v30;
	_ =	sdelay $0x1  }
0xde: {  	[tilespmem:s0+$0xFFFFFFB0] =	vst v31  }
0xdf: {  	v31 =	vld [tilespmem:$0x1A40];
	_ =	sdelay $0x1  }
0xe0: {  	v29 =	vbroadcast v29, $0x0;
	_ =	sdelay $0x2  }
0xe1: {  	v30 =	vadd.f32 v31, v30;
	_ =	sdelay $0x1  }
0xe2: {  	[tilespmem:s0+$0xFFFFFFC0] =	vst v30  }
0xe3: {  	v29 =	vld.idx.msk [tilespmem:v29+s19+$0x0], $0xffff  }
0xe4: {  	v30 =	vld [tilespmem:$0x1A50];
	_ =	sdelay $0x4  }
0xe5: {  	v30 =	vadd.f32 v30, v29;
	_ =	sdelay $0x1  }
0xe6: {  	[tilespmem:s0+$0xFFFFFFD0] =	vst v30  }
0xe7: {  	v30 =	vld [tilespmem:$0x1A60];
	_ =	sdelay $0x4  }
0xe8: {  	v30 =	vadd.f32 v30, v29;
	_ =	sdelay $0x1  }
0xe9: {  	[tilespmem:s0+$0xFFFFFFE0] =	vst v30  }
0xea: {  	v30 =	vld [tilespmem:$0x1A70];
	_ =	sdelay $0x1  }
0xeb: {  	v28 =	vbroadcast v28, $0x0;
	_ =	sdelay $0x2  }
0xec: {  	v29 =	vadd.f32 v30, v29;
	_ =	sdelay $0x1  }
0xed: {  	[tilespmem:s0+$0xFFFFFFF0] =	vst v29  }
0xee: {  	v28 =	vld.idx.msk [tilespmem:v28+s19+$0x0], $0xffff  }
0xef: {  	v29 =	vld [tilespmem:$0x1A80];
	_ =	sdelay $0x4  }
0xf0: {  	v29 =	vadd.f32 v29, v28;
	_ =	sdelay $0x1  }
0xf1: {  	[tilespmem:s0+$0x0] =	vst v29  }
0xf2: {  	v29 =	vld [tilespmem:$0x1A90];
	_ =	sdelay $0x4  }
0xf3: {  	v29 =	vadd.f32 v29, v28;
	_ =	sdelay $0x1  }
0xf4: {  	[tilespmem:s0+$0x10] =	vst v29  }
0xf5: {  	v29 =	vld [tilespmem:$0x1AA0];
	_ =	sdelay $0x1  }
0xf6: {  	v27 =	vbroadcast v27, $0x0;
	_ =	sdelay $0x2  }
0xf7: {  	v28 =	vadd.f32 v29, v28;
	_ =	sdelay $0x1  }
0xf8: {  	[tilespmem:s0+$0x20] =	vst v28  }
0xf9: {  	v27 =	vld.idx.msk [tilespmem:v27+s19+$0x0], $0xffff  }
0xfa: {  	v28 =	vld [tilespmem:$0x1AB0];
	_ =	sdelay $0x4  }
0xfb: {  	v28 =	vadd.f32 v28, v27;
	_ =	sdelay $0x1  }
0xfc: {  	[tilespmem:s0+$0x30] =	vst v28  }
0xfd: {  	v28 =	vld [tilespmem:$0x1AC0];
	_ =	sdelay $0x4  }
0xfe: {  	v28 =	vadd.f32 v28, v27;
	_ =	sdelay $0x1  }
0xff: {  	[tilespmem:s0+$0x40] =	vst v28  }
0x100: {  	v28 =	vld [tilespmem:$0x1AD0];
	_ =	sdelay $0x1  }
0x101: {  	v26 =	vbroadcast v26, $0x0;
	_ =	sdelay $0x2  }
0x102: {  	v27 =	vadd.f32 v28, v27;
	_ =	sdelay $0x1  }
0x103: {  	[tilespmem:s0+$0x50] =	vst v27  }
0x104: {  	v26 =	vld.idx.msk [tilespmem:v26+s19+$0x0], $0xffff  }
0x105: {  	v27 =	vld [tilespmem:$0x1AE0];
	_ =	sdelay $0x4  }
0x106: {  	v27 =	vadd.f32 v27, v26;
	_ =	sdelay $0x1  }
0x107: {  	[tilespmem:s0+$0x60] =	vst v27  }
0x108: {  	v27 =	vld [tilespmem:$0x1AF0];
	_ =	sdelay $0x4  }
0x109: {  	v27 =	vadd.f32 v27, v26;
	_ =	sdelay $0x1  }
0x10a: {  	[tilespmem:s0+$0x70] =	vst v27  }
0x10b: {  	v27 =	vld [tilespmem:$0x1B00];
	_ =	sdelay $0x1  }
0x10c: {  	v25 =	vbroadcast v25, $0x0;
	_ =	sdelay $0x2  }
0x10d: {  	v26 =	vadd.f32 v27, v26;
	_ =	sdelay $0x1  }
0x10e: {  	[tilespmem:s0+$0x80] =	vst v26  }
0x10f: {  	v33 =	vld.idx.msk [tilespmem:v25+s19+$0x0], $0xffff  }
0x110: {  	v25 =	vld [tilespmem:$0x1B10];
	_ =	sdelay $0x4  }
0x111: {  	v25 =	vadd.f32 v25, v33;
	_ =	sdelay $0x1  }
0x112: {  	[tilespmem:s0+$0x90] =	vst v25  }
0x113: {  	v25 =	vld [tilespmem:$0x1B20];
	_ =	sdelay $0x4  }
0x114: {  	v25 =	vadd.f32 v25, v33  }
0x115: {  	s5 =	sadd.s32 s5, s17  }
0x116: {  	v26 =	vmov s5;
	[tilespmem:s0+$0xA0] =	vst v25  }
0x117: {  	v25 =	vshrl.u32 v26, $0x3;
	v34 =	vld [tilespmem:$0x1B30]  }
.Ltmp0:
0x118: {  	v25 =	vshll.u32 v25, v24;
	(pc) =	sbr.rel @p0 .LBB2_2-.Ltmp0, $4  }
0x119: {  	v32 =	vbroadcast v25, $0x0;
	v31 =	vadd.s32 $0x1, v25;
	v30 =	vadd.s32 $0x2, v25  }
0x11a: {  	v29 =	vadd.s32 $0x3, v25;
	v28 =	vadd.s32 $0x4, v25;
	v27 =	vadd.s32 $0x5, v25  }
0x11b: {  	v26 =	vadd.s32 $0x6, v25;
	v25 =	vadd.s32 $0x7, v25  }
0x11c: {  	v33 =	vadd.f32 v34, v33  }
0x11d: {  	_ =	sdelay $0x2  }
0x11e: {  	[tilespmem:s0+$0xB0] =	vst v33  }
0x11f: {  	v32 =	vld.idx.msk [tilespmem:v32+s19+$0x0], $0xffff  }
0x120: {  	v33 =	vld [tilespmem:$0x19C0];
	_ =	sdelay $0x4  }
0x121: {  	v33 =	vadd.f32 v33, v32  }
0x122: {  	s13 =	sadd.s32 $0x180, s0  }
0x123: {  	[tilespmem:s13+$0xFFFFFF40] =	vst v33  }
0x124: {  	v33 =	vld [tilespmem:$0x19D0];
	_ =	sdelay $0x4  }
0x125: {  	v33 =	vadd.f32 v33, v32;
	_ =	sdelay $0x1  }
0x126: {  	[tilespmem:s13+$0xFFFFFF50] =	vst v33  }
0x127: {  	v33 =	vld [tilespmem:$0x19E0];
	_ =	sdelay $0x1  }
0x128: {  	v31 =	vbroadcast v31, $0x0;
	_ =	sdelay $0x2  }
0x129: {  	v32 =	vadd.f32 v33, v32;
	_ =	sdelay $0x1  }
0x12a: {  	[tilespmem:s13+$0xFFFFFF60] =	vst v32  }
0x12b: {  	v31 =	vld.idx.msk [tilespmem:v31+s19+$0x0], $0xffff  }
0x12c: {  	v32 =	vld [tilespmem:$0x19F0];
	_ =	sdelay $0x4  }
0x12d: {  	v32 =	vadd.f32 v32, v31;
	_ =	sdelay $0x1  }
0x12e: {  	[tilespmem:s13+$0xFFFFFF70] =	vst v32  }
0x12f: {  	v32 =	vld [tilespmem:$0x1A00];
	_ =	sdelay $0x4  }
0x130: {  	v32 =	vadd.f32 v32, v31;
	_ =	sdelay $0x1  }
0x131: {  	[tilespmem:s13+$0xFFFFFF80] =	vst v32  }
0x132: {  	v32 =	vld [tilespmem:$0x1A10];
	_ =	sdelay $0x1  }
0x133: {  	v30 =	vbroadcast v30, $0x0;
	_ =	sdelay $0x2  }
0x134: {  	v31 =	vadd.f32 v32, v31;
	_ =	sdelay $0x1  }
0x135: {  	[tilespmem:s13+$0xFFFFFF90] =	vst v31  }
0x136: {  	v30 =	vld.idx.msk [tilespmem:v30+s19+$0x0], $0xffff  }
0x137: {  	v31 =	vld [tilespmem:$0x1A20];
	_ =	sdelay $0x4  }
0x138: {  	v31 =	vadd.f32 v31, v30;
	_ =	sdelay $0x1  }
0x139: {  	[tilespmem:s13+$0xFFFFFFA0] =	vst v31  }
0x13a: {  	v31 =	vld [tilespmem:$0x1A30];
	_ =	sdelay $0x4  }
0x13b: {  	v31 =	vadd.f32 v31, v30;
	_ =	sdelay $0x1  }
0x13c: {  	[tilespmem:s13+$0xFFFFFFB0] =	vst v31  }
0x13d: {  	v31 =	vld [tilespmem:$0x1A40];
	_ =	sdelay $0x1  }
0x13e: {  	v29 =	vbroadcast v29, $0x0;
	_ =	sdelay $0x2  }
0x13f: {  	v30 =	vadd.f32 v31, v30;
	_ =	sdelay $0x1  }
0x140: {  	[tilespmem:s13+$0xFFFFFFC0] =	vst v30  }
0x141: {  	v29 =	vld.idx.msk [tilespmem:v29+s19+$0x0], $0xffff  }
0x142: {  	v30 =	vld [tilespmem:$0x1A50];
	_ =	sdelay $0x4  }
0x143: {  	v30 =	vadd.f32 v30, v29;
	_ =	sdelay $0x1  }
0x144: {  	[tilespmem:s13+$0xFFFFFFD0] =	vst v30  }
0x145: {  	v30 =	vld [tilespmem:$0x1A60];
	_ =	sdelay $0x4  }
0x146: {  	v30 =	vadd.f32 v30, v29;
	_ =	sdelay $0x1  }
0x147: {  	[tilespmem:s13+$0xFFFFFFE0] =	vst v30  }
0x148: {  	v30 =	vld [tilespmem:$0x1A70];
	_ =	sdelay $0x1  }
0x149: {  	v28 =	vbroadcast v28, $0x0;
	_ =	sdelay $0x2  }
0x14a: {  	v29 =	vadd.f32 v30, v29;
	_ =	sdelay $0x1  }
0x14b: {  	[tilespmem:s13+$0xFFFFFFF0] =	vst v29  }
0x14c: {  	v28 =	vld.idx.msk [tilespmem:v28+s19+$0x0], $0xffff  }
0x14d: {  	v29 =	vld [tilespmem:$0x1A80];
	_ =	sdelay $0x4  }
0x14e: {  	v29 =	vadd.f32 v29, v28;
	_ =	sdelay $0x1  }
0x14f: {  	[tilespmem:s13+$0x0] =	vst v29  }
0x150: {  	v29 =	vld [tilespmem:$0x1A90];
	_ =	sdelay $0x4  }
0x151: {  	v29 =	vadd.f32 v29, v28;
	_ =	sdelay $0x1  }
0x152: {  	[tilespmem:s13+$0x10] =	vst v29  }
0x153: {  	v29 =	vld [tilespmem:$0x1AA0];
	_ =	sdelay $0x1  }
0x154: {  	v27 =	vbroadcast v27, $0x0;
	_ =	sdelay $0x2  }
0x155: {  	v28 =	vadd.f32 v29, v28;
	_ =	sdelay $0x1  }
0x156: {  	[tilespmem:s13+$0x20] =	vst v28  }
0x157: {  	v27 =	vld.idx.msk [tilespmem:v27+s19+$0x0], $0xffff  }
0x158: {  	v28 =	vld [tilespmem:$0x1AB0];
	_ =	sdelay $0x4  }
0x159: {  	v28 =	vadd.f32 v28, v27;
	_ =	sdelay $0x1  }
0x15a: {  	[tilespmem:s13+$0x30] =	vst v28  }
0x15b: {  	v28 =	vld [tilespmem:$0x1AC0];
	_ =	sdelay $0x4  }
0x15c: {  	v28 =	vadd.f32 v28, v27;
	_ =	sdelay $0x1  }
0x15d: {  	[tilespmem:s13+$0x40] =	vst v28  }
0x15e: {  	v28 =	vld [tilespmem:$0x1AD0];
	_ =	sdelay $0x1  }
0x15f: {  	v26 =	vbroadcast v26, $0x0;
	_ =	sdelay $0x2  }
0x160: {  	v27 =	vadd.f32 v28, v27;
	_ =	sdelay $0x1  }
0x161: {  	[tilespmem:s13+$0x50] =	vst v27  }
0x162: {  	v26 =	vld.idx.msk [tilespmem:v26+s19+$0x0], $0xffff  }
0x163: {  	v27 =	vld [tilespmem:$0x1AE0];
	_ =	sdelay $0x4  }
0x164: {  	v27 =	vadd.f32 v27, v26;
	_ =	sdelay $0x1  }
0x165: {  	[tilespmem:s13+$0x60] =	vst v27  }
0x166: {  	v27 =	vld [tilespmem:$0x1AF0];
	_ =	sdelay $0x4  }
0x167: {  	v27 =	vadd.f32 v27, v26;
	_ =	sdelay $0x1  }
0x168: {  	[tilespmem:s13+$0x70] =	vst v27  }
0x169: {  	v27 =	vld [tilespmem:$0x1B00];
	_ =	sdelay $0x1  }
0x16a: {  	v25 =	vbroadcast v25, $0x0;
	_ =	sdelay $0x2  }
0x16b: {  	v26 =	vadd.f32 v27, v26;
	_ =	sdelay $0x1  }
0x16c: {  	[tilespmem:s13+$0x80] =	vst v26  }
0x16d: {  	v25 =	vld.idx.msk [tilespmem:v25+s19+$0x0], $0xffff  }
0x16e: {  	v26 =	vld [tilespmem:$0x1B10];
	_ =	sdelay $0x4  }
0x16f: {  	v26 =	vadd.f32 v26, v25;
	_ =	sdelay $0x1  }
0x170: {  	[tilespmem:s13+$0x90] =	vst v26  }
0x171: {  	v26 =	vld [tilespmem:$0x1B20];
	_ =	sdelay $0x4  }
0x172: {  	v26 =	vadd.f32 v26, v25;
	_ =	sdelay $0x1  }
0x173: {  	[tilespmem:s13+$0xA0] =	vst v26  }
0x174: {  	v26 =	vld [tilespmem:$0x1B30];
	_ =	sdelay $0x4  }
0x175: {  	v25 =	vadd.f32 v26, v25;
	_ =	sdelay $0x1  }
0x176: {  	s15 =	simm.s32 $0x0;
	s4 =	rddreg [dreg:$0x5];
	[tilespmem:s13+$0xB0] =	vst v25  }
0x177: {  	[tilespmem:s20], [sflag:$0x3] =	stream.linear.gather [hbm4b:s4+s15], $0x1000, $0x38;
	[tilespmem:$0x19CC0] =	vst v63  }
0x178: {  	s21 =	rddreg [dreg:$0x6]  }
0x179: {  	[tilespmem:s14], [sflag:$0x4] =	stream.linear.gather [hbm4b:s21+s15], $0x1000, $0x38;
	[tilespmem:$0x19CC0] =	vst v63  }
0x17a: {  	_ =	swait.ge [sflag:s22], $0x1000  }
0x17b: {  	[sflag:s22] =	ssyncset.done $0x0  }
0x17c: {  	s0 =	simm.s32 $0x0;
	[sflag:s22] =	ssyncadd.s32 $0xFFFFF000  }
0x17d: {  	v28 =	vld [tilespmem:s0+$0x7CD0];
	_ =	sdelay $0x4  }
0x17e: {  	v25 =	vadd.s32 $0x6000, v28;
	_ =	sdelay $0x4  }
0x17f: {  	v25 =	vld.idx.msk [tilespmem:v25+s23+$0x0], $0xffff  }
0x180: {  	v26 =	vadd.s32 $0x6030, v28;
	_ =	sdelay $0x1  }
0x181: {  	v29 =	vld [tilespmem:s0+$0x7CC0]  }
0x182: {  	s4 =	simm.s32 $0x20  }
0x183: {  	v32 =	vld [tilespmem:s4+$0x7CC0];
	[tilespmem:s0+$0x9CD0] =	vst v25  }
0x184: {  	v26 =	vld.idx.msk [tilespmem:v26+s23+$0x0], $0xffff  }
0x185: {  	v27 =	vadd.s32 $0x6060, v28;
	v25 =	vld [tilespmem:s4+$0x7CD0]  }
0x186: {  	v30 =	vadd.s32 $0x6000, v29;
	_ =	sdelay $0x1  }
0x187: {  	v34 =	vadd.s32 $0x6000, v32  }
0x188: {  	[tilespmem:s0+$0xACD0] =	vst v26  }
0x189: {  	v31 =	vadd.s32 $0x6000, v25;
	v26 =	vld.idx.msk [tilespmem:v27+s23+$0x0], $0xffff  }
0x18a: {  	v27 =	vld.idx.msk [tilespmem:v30+s23+$0x0], $0xffff;
	v30 =	vadd.s32 $0x6090, v28  }
0x18b: {  	v47 =	vadd.s32 $0x6030, v29  }
0x18c: {  	v34 =	vld.idx.msk [tilespmem:v34+s23+$0x0], $0xffff  }
0x18d: {  	v49 =	vadd.s32 $0x6030, v32  }
0x18e: {  	v31 =	vld.idx.msk [tilespmem:v31+s23+$0x0], $0xffff;
	[tilespmem:s0+$0xBCD0] =	vst v26  }
0x18f: {  	v35 =	vadd.s32 $0x6030, v25;
	[tilespmem:s0+$0x9CC0] =	vst v27;
	v27 =	vld.idx.msk [tilespmem:v30+s23+$0x0], $0xffff  }
0x190: {  	s5 =	simm.s32 $0x40;
	v48 =	vadd.s32 $0x60C0, v28;
	v30 =	vld.idx.msk [tilespmem:v47+s23+$0x0], $0xffff  }
0x191: {  	v37 =	vld [tilespmem:s5+$0x7CC0];
	v36 =	vadd.s32 $0x6060, v29;
	[tilespmem:s4+$0x9CC0] =	vst v34  }
0x192: {  	v34 =	vld.idx.msk [tilespmem:v49+s23+$0x0], $0xffff  }
0x193: {  	v50 =	vadd.s32 $0x6060, v32;
	v26 =	vld [tilespmem:s5+$0x7CD0];
	[tilespmem:s4+$0x9CD0] =	vst v31  }
0x194: {  	v31 =	vld.idx.msk [tilespmem:v35+s23+$0x0], $0xffff;
	[tilespmem:s0+$0xCCD0] =	vst v27  }
0x195: {  	v27 =	vadd.s32 $0x6060, v25;
	[tilespmem:s0+$0xACC0] =	vst v30;
	v33 =	vld.idx.msk [tilespmem:v48+s23+$0x0], $0xffff  }
0x196: {  	v30 =	vadd.s32 $0x60F0, v28;
	v36 =	vld.idx.msk [tilespmem:v36+s23+$0x0], $0xffff  }
0x197: {  	v39 =	vadd.s32 $0x6090, v29;
	[tilespmem:s4+$0xACC0] =	vst v34  }
0x198: {  	s9 =	simm.s32 $0x60;
	v34 =	vld.idx.msk [tilespmem:v50+s23+$0x0], $0xffff;
	v38 =	vadd.s32 $0x6000, v26  }
0x199: {  	v41 =	vadd.s32 $0x6090, v32;
	v48 =	vld [tilespmem:s9+$0x7CC0];
	[tilespmem:s4+$0xACD0] =	vst v31  }
0x19a: {  	v31 =	vadd.s32 $0x6000, v37;
	v27 =	vld.idx.msk [tilespmem:v27+s23+$0x0], $0xffff;
	[tilespmem:s0+$0xDCD0] =	vst v33  }
0x19b: {  	v51 =	vadd.s32 $0x6090, v25;
	[tilespmem:s0+$0xBCC0] =	vst v36;
	v30 =	vld.idx.msk [tilespmem:v30+s23+$0x0], $0xffff  }
0x19c: {  	v39 =	vld.idx.msk [tilespmem:v39+s23+$0x0], $0xffff  }
0x19d: {  	v54 =	vadd.s32 $0x60C0, v29;
	[tilespmem:s4+$0xBCC0] =	vst v34;
	v52 =	vld.idx.msk [tilespmem:v38+s23+$0x0], $0xffff  }
0x19e: {  	v60 =	vld.idx.msk [tilespmem:v41+s23+$0x0], $0xffff;
	v40 =	vadd.s32 $0x6030, v26  }
0x19f: {  	v53 =	vadd.s32 $0x6120, v28;
	v31 =	vld.idx.msk [tilespmem:v31+s23+$0x0], $0xffff;
	[tilespmem:s4+$0xBCD0] =	vst v27  }
0x1a0: {  	v63 =	vadd.s32 $0x6000, v48;
	v33 =	vld.idx.msk [tilespmem:v51+s23+$0x0], $0xffff;
	[tilespmem:s0+$0xECD0] =	vst v30  }
0x1a1: {  	v27 =	vld [tilespmem:s9+$0x7CD0];
	v30 =	vadd.s32 $0x60C0, v25;
	[tilespmem:s0+$0xCCC0] =	vst v39  }
0x1a2: {  	v56 =	vadd.s32 $0x6030, v37;
	[tilespmem:s5+$0x9CD0] =	vst v52;
	v35 =	vld.idx.msk [tilespmem:v54+s23+$0x0], $0xffff  }
0x1a3: {  	v58 =	vadd.s32 $0x60F0, v29;
	v40 =	vld.idx.msk [tilespmem:v40+s23+$0x0], $0xffff  }
0x1a4: {  	v57 =	vadd.s32 $0x6060, v26;
	v55 =	vld.idx.msk [tilespmem:v53+s23+$0x0], $0xffff  }
0x1a5: {  	v28 =	vadd.s32 $0x6150, v28;
	v49 =	vld.idx.msk [tilespmem:v63+s23+$0x0], $0xffff;
	[tilespmem:s4+$0xCCD0] =	vst v33  }
0x1a6: {  	[tilespmem:s5+$0x9CC0] =	vst v31;
	v61 =	vadd.s32 $0x6000, v27;
	v30 =	vld.idx.msk [tilespmem:v30+s23+$0x0], $0xffff  }
0x1a7: {  	v59 =	vadd.s32 $0x60F0, v25;
	v31 =	vld.idx.msk [tilespmem:v56+s23+$0x0], $0xffff;
	[tilespmem:s0+$0xDCC0] =	vst v35  }
0x1a8: {  	v47 =	vadd.s32 $0x60C0, v32;
	[tilespmem:s5+$0xACD0] =	vst v40;
	v44 =	vld.idx.msk [tilespmem:v58+s23+$0x0], $0xffff  }
0x1a9: {  	v51 =	vadd.s32 $0x6120, v29;
	v39 =	vld.idx.msk [tilespmem:v57+s23+$0x0], $0xffff;
	[tilespmem:s0+$0xFCD0] =	vst v55  }
0x1aa: {  	v42 =	vadd.s32 $0x6060, v37;
	v62 =	vld.idx.msk [tilespmem:v28+s23+$0x0], $0xffff  }
0x1ab: {  	v43 =	vadd.s32 $0x6090, v26;
	v52 =	vld.idx.msk [tilespmem:v61+s23+$0x0], $0xffff;
	[tilespmem:s4+$0xDCD0] =	vst v30  }
0x1ac: {  	[tilespmem:s4+$0xCCC0] =	vst v60;
	v38 =	vadd.s32 $0x60C0, v37;
	v50 =	vld.idx.msk [tilespmem:v59+s23+$0x0], $0xffff  }
0x1ad: {  	v36 =	vadd.s32 $0x60F0, v37;
	v41 =	vadd.s32 $0x6060, v48;
	v53 =	vadd.s32 $0x6120, v25;
	[tilespmem:s0+$0xECC0] =	vst v44;
	v44 =	vld.idx.msk [tilespmem:v47+s23+$0x0], $0xffff  }
0x1ae: {  	v34 =	vadd.s32 $0x6120, v48;
	v40 =	vadd.s32 $0x6090, v37;
	[tilespmem:s5+$0xACC0] =	vst v31;
	v47 =	vld.idx.msk [tilespmem:v51+s23+$0x0], $0xffff;
	v51 =	vadd.s32 $0x6030, v27  }
0x1af: {  	v33 =	vadd.s32 $0x6120, v37;
	v35 =	vadd.s32 $0x60F0, v32;
	v28 =	vadd.s32 $0x6150, v29;
	v46 =	vld.idx.msk [tilespmem:v42+s23+$0x0], $0xffff;
	[tilespmem:s5+$0xBCD0] =	vst v39  }
0x1b0: {  	v31 =	vadd.s32 $0x6120, v32;
	v29 =	vadd.s32 $0x6150, v32;
	v32 =	vadd.s32 $0x6150, v48;
	v45 =	vld.idx.msk [tilespmem:v43+s23+$0x0], $0xffff;
	[tilespmem:s0+$0x10CD0] =	vst v62  }
0x1b1: {  	v42 =	vadd.s32 $0x6090, v48;
	v39 =	vadd.s32 $0x60C0, v48;
	[tilespmem:s4+$0xECD0] =	vst v50;
	v50 =	vadd.s32 $0x60C0, v26  }
0x1b2: {  	s11 =	simm.s32 $0x6;
	s12 =	simm.s32 $0x200;
	v30 =	vadd.s32 $0x6150, v37;
	v43 =	vadd.s32 $0x6030, v48;
	v37 =	vadd.s32 $0x60F0, v48;
	[tilespmem:s9+$0x9CD0] =	vst v52;
	v48 =	vld.idx.msk [tilespmem:v53+s23+$0x0], $0xffff  }
.LBB2_4:
0x1b3: {  	s13 =	sshra.s32 s12, $0x2;
	s11 =	sadd.s32 $0x2, s11;
	[tilespmem:s9+$0x9CC0] =	vst v49;
	v49 =	vld.idx.msk [tilespmem:v51+s23+$0x0], $0xffff  }
0x1b4: {  	p0 =	slt.u32 s11, $0xFE;
	[tilespmem:s5+$0xBCC0] =	vst v46;
	v46 =	vadd.s32 $0x6150, v25;
	v25 =	vmov v26;
	v26 =	vmov v27;
	v27 =	vld [tilespmem:s13+$0x7CD0]  }
0x1b5: {  	v51 =	vld [tilespmem:s13+$0x7CC0];
	v52 =	vadd.s32 $0x6060, v26;
	[tilespmem:s5+$0xCCD0] =	vst v45  }
0x1b6: {  	v45 =	vld.idx.msk [tilespmem:v50+s23+$0x0], $0xffff;
	[tilespmem:s4+$0xDCC0] =	vst v44  }
0x1b7: {  	v44 =	vld.idx.msk [tilespmem:v43+s23+$0x0], $0xffff;
	[tilespmem:s0+$0xFCC0] =	vst v47  }
0x1b8: {  	v50 =	vadd.s32 $0x60F0, v25;
	v47 =	vld.idx.msk [tilespmem:v40+s23+$0x0], $0xffff;
	[tilespmem:s4+$0xFCD0] =	vst v48;
	v40 =	vmov v42  }
0x1b9: {  	v48 =	vadd.s32 $0x6000, v27;
	[tilespmem:s9+$0xACD0] =	vst v49;
	v46 =	vld.idx.msk [tilespmem:v46+s23+$0x0], $0xffff  }
0x1ba: {  	v49 =	vadd.s32 $0x6000, v51;
	v43 =	vadd.s32 $0x6030, v51;
	v53 =	vadd.s32 $0x6060, v51;
	v52 =	vld.idx.msk [tilespmem:v52+s23+$0x0], $0xffff  }
0x1bb: {  	v42 =	vadd.s32 $0x6090, v51;
	v54 =	vadd.s32 $0x60C0, v51;
	v55 =	vld.idx.msk [tilespmem:v35+s23+$0x0], $0xffff;
	v35 =	vmovc v36;
	v36 =	vmovc v37;
	v37 =	vadd.s32 $0x60F0, v51  }
0x1bc: {  	v57 =	vadd.s32 $0x6090, v26;
	v56 =	vadd.s32 $0x6120, v51;
	v51 =	vadd.s32 $0x6150, v51;
	[tilespmem:s5+$0xDCD0] =	vst v45;
	v58 =	vld.idx.msk [tilespmem:v28+s23+$0x0], $0xffff;
	v28 =	vmovc v29;
	v29 =	vmovc v30  }
0x1bd: {  	v30 =	vmov v32;
	v32 =	vmov v51;
	[tilespmem:s9+$0xACC0] =	vst v44;
	v59 =	vld.idx.msk [tilespmem:v50+s23+$0x0], $0xffff  }
0x1be: {  	v48 =	vld.idx.msk [tilespmem:v48+s23+$0x0], $0xffff;
	[tilespmem:s5+$0xCCC0] =	vst v47  }
0x1bf: {  	v60 =	vadd.s32 $0x6120, v25;
	v49 =	vld.idx.msk [tilespmem:v49+s23+$0x0], $0xffff;
	[tilespmem:s4+$0x10CD0] =	vst v46  }
.Ltmp1:
0x1c0: {  	v51 =	vadd.s32 $0x6030, v27;
	v46 =	vld.idx.msk [tilespmem:v41+s23+$0x0], $0xffff;
	[tilespmem:s9+$0xBCD0] =	vst v52;
	v41 =	vmov v53;
	(pc) =	sbr.rel @p0 .LBB2_4-.Ltmp1, $4  }
0x1c1: {  	v45 =	vld.idx.msk [tilespmem:v57+s23+$0x0], $0xffff;
	[tilespmem:s4+$0xECC0] =	vst v55  }
0x1c2: {  	v44 =	vld.idx.msk [tilespmem:v38+s23+$0x0], $0xffff;
	[tilespmem:s0+$0x10CC0] =	vst v58;
	v38 =	vmov v39;
	v39 =	vmov v54;
	s0 =	smov.u32 s4;
	s4 =	smov.u32 s5;
	s5 =	smov.u32 s9  }
0x1c3: {  	v50 =	vadd.s32 $0x60C0, v26;
	s9 =	smov.u32 s13;
	[tilespmem:s4+$0xECD0] =	vst v59;
	v47 =	vld.idx.msk [tilespmem:v31+s23+$0x0], $0xffff;
	v31 =	vmovc v33;
	v33 =	vmov v34;
	v34 =	vmov v56  }
0x1c4: {  	s12 =	sadd.s32 $0x80, s12;
	[tilespmem:s9+$0x9CD0] =	vst v48;
	v48 =	vld.idx.msk [tilespmem:v60+s23+$0x0], $0xffff  }
0x1c5: {  	_ =	sdelay $0x3  }
0x1c6: {  	v51 =	vld.idx.msk [tilespmem:v51+s23+$0x0], $0xffff;
	[tilespmem:s9+$0x9CC0] =	vst v49  }
0x1c7: {  	v55 =	vadd.s32 $0x6060, v27;
	v43 =	vld.idx.msk [tilespmem:v43+s23+$0x0], $0xffff;
	_ =	sdelay $0x3  }
0x1c8: {  	[tilespmem:s9+$0xACD0] =	vst v51  }
0x1c9: {  	v49 =	vld.idx.msk [tilespmem:v55+s23+$0x0], $0xffff;
	[tilespmem:s9+$0xACC0] =	vst v43  }
0x1ca: {  	v56 =	vadd.s32 $0x6090, v27;
	v41 =	vld.idx.msk [tilespmem:v41+s23+$0x0], $0xffff;
	_ =	sdelay $0x2  }
0x1cb: {  	[tilespmem:s5+$0xBCC0] =	vst v46  }
0x1cc: {  	v40 =	vld.idx.msk [tilespmem:v40+s23+$0x0], $0xffff;
	[tilespmem:s9+$0xBCD0] =	vst v49  }
0x1cd: {  	v57 =	vld.idx.msk [tilespmem:v56+s23+$0x0], $0xffff;
	[tilespmem:s9+$0xBCC0] =	vst v41  }
0x1ce: {  	v58 =	vadd.s32 $0x60C0, v27;
	v41 =	vld.idx.msk [tilespmem:v42+s23+$0x0], $0xffff;
	_ =	sdelay $0x1  }
0x1cf: {  	[tilespmem:s5+$0xCCD0] =	vst v45  }
0x1d0: {  	v59 =	vld.idx.msk [tilespmem:v50+s23+$0x0], $0xffff;
	[tilespmem:s5+$0xCCC0] =	vst v40  }
0x1d1: {  	v60 =	vadd.s32 $0x60F0, v26;
	v38 =	vld.idx.msk [tilespmem:v38+s23+$0x0], $0xffff;
	[tilespmem:s9+$0xCCD0] =	vst v57  }
0x1d2: {  	v61 =	vld.idx.msk [tilespmem:v58+s23+$0x0], $0xffff;
	[tilespmem:s9+$0xCCC0] =	vst v41  }
0x1d3: {  	v62 =	vadd.s32 $0x60F0, v27;
	[tilespmem:s4+$0xDCC0] =	vst v44;
	v39 =	vld.idx.msk [tilespmem:v39+s23+$0x0], $0xffff  }
0x1d4: {  	[tilespmem:s0+$0xFCC0] =	vst v47  }
0x1d5: {  	v25 =	vadd.s32 $0x6150, v25;
	v35 =	vld.idx.msk [tilespmem:v35+s23+$0x0], $0xffff;
	[tilespmem:s5+$0xDCD0] =	vst v59  }
0x1d6: {  	v63 =	vld.idx.msk [tilespmem:v60+s23+$0x0], $0xffff;
	[tilespmem:s5+$0xDCC0] =	vst v38  }
0x1d7: {  	v45 =	vadd.s32 $0x6120, v26;
	v36 =	vld.idx.msk [tilespmem:v36+s23+$0x0], $0xffff;
	[tilespmem:s9+$0xDCD0] =	vst v61  }
0x1d8: {  	v46 =	vld.idx.msk [tilespmem:v62+s23+$0x0], $0xffff;
	[tilespmem:s9+$0xDCC0] =	vst v39  }
0x1d9: {  	v47 =	vadd.s32 $0x6120, v27;
	[tilespmem:s4+$0xFCD0] =	vst v48;
	v37 =	vld.idx.msk [tilespmem:v37+s23+$0x0], $0xffff  }
0x1da: {  	v25 =	vld.idx.msk [tilespmem:v25+s23+$0x0], $0xffff;
	[tilespmem:s4+$0xECC0] =	vst v35  }
0x1db: {  	v31 =	vld.idx.msk [tilespmem:v31+s23+$0x0], $0xffff;
	[tilespmem:s5+$0xECD0] =	vst v63  }
0x1dc: {  	v49 =	vld.idx.msk [tilespmem:v45+s23+$0x0], $0xffff;
	[tilespmem:s5+$0xECC0] =	vst v36  }
0x1dd: {  	v26 =	vadd.s32 $0x6150, v26;
	v33 =	vld.idx.msk [tilespmem:v33+s23+$0x0], $0xffff;
	[tilespmem:s9+$0xECD0] =	vst v46  }
0x1de: {  	v50 =	vld.idx.msk [tilespmem:v47+s23+$0x0], $0xffff;
	[tilespmem:s9+$0xECC0] =	vst v37  }
0x1df: {  	v27 =	vadd.s32 $0x6150, v27;
	[tilespmem:s4+$0x10CD0] =	vst v25;
	v25 =	vld.idx.msk [tilespmem:v34+s23+$0x0], $0xffff  }
0x1e0: {  	v28 =	vld.idx.msk [tilespmem:v28+s23+$0x0], $0xffff;
	[tilespmem:s4+$0xFCC0] =	vst v31  }
0x1e1: {  	v29 =	vld.idx.msk [tilespmem:v29+s23+$0x0], $0xffff;
	[tilespmem:s5+$0xFCD0] =	vst v49  }
0x1e2: {  	v26 =	vld.idx.msk [tilespmem:v26+s23+$0x0], $0xffff;
	[tilespmem:s5+$0xFCC0] =	vst v33  }
0x1e3: {  	v30 =	vld.idx.msk [tilespmem:v30+s23+$0x0], $0xffff;
	[tilespmem:s9+$0xFCD0] =	vst v50  }
0x1e4: {  	v27 =	vld.idx.msk [tilespmem:v27+s23+$0x0], $0xffff;
	[tilespmem:s9+$0xFCC0] =	vst v25  }
0x1e5: {  	[tilespmem:s0+$0x10CC0] =	vst v28;
	v25 =	vld.idx.msk [tilespmem:v32+s23+$0x0], $0xffff  }
0x1e6: {  	[tilespmem:s4+$0x10CC0] =	vst v29  }
0x1e7: {  	[tilespmem:s5+$0x10CD0] =	vst v26  }
0x1e8: {  	[tilespmem:s5+$0x10CC0] =	vst v30  }
0x1e9: {  	[tilespmem:s9+$0x10CD0] =	vst v27  }
0x1ea: {  	[tilespmem:s9+$0x10CC0] =	vst v25  }
0x1eb: {  	s15 =	simm.s32 $0x0;
	s4 =	rddreg [dreg:$0x7]  }
0x1ec: {  	[tilespmem:s20], [sflag:$0x3] =	stream.linear.gather [hbm4b:s4+s15], $0x1000, $0x38;
	[tilespmem:$0x19CC0] =	vst v63  }
0x1ed: {  	s21 =	rddreg [dreg:$0x8]  }
0x1ee: {  	[hbm4b:s21+s24] =	stream.strided.scatter [tilespmem:s26], [sflag:$0x1], $0x8000, s25, s24, $0x38;
	[tilespmem:$0x19CC0] =	vst v63  }
0x1ef: {  	_ =	swait.ge [sflag:s28], $0x1000  }
0x1f0: {  	[sflag:s28] =	ssyncset.done $0x0  }
0x1f1: {  	s0 =	simm.s32 $0x0;
	[sflag:s28] =	ssyncadd.s32 $0xFFFFF000  }
0x1f2: {  	v28 =	vld [tilespmem:s0+$0x8CD0];
	_ =	sdelay $0x4  }
0x1f3: {  	v25 =	vadd.s32 $0x5E80, v28;
	_ =	sdelay $0x4  }
0x1f4: {  	s4 =	simm.s32 $0x20;
	v25 =	vld.idx.msk [tilespmem:v25+s23+$0x0], $0xffff  }
0x1f5: {  	v32 =	vld [tilespmem:s4+$0x8CC0];
	v26 =	vadd.s32 $0x5EB0, v28;
	_ =	sdelay $0x1  }
0x1f6: {  	v29 =	vld [tilespmem:s0+$0x8CC0];
	_ =	sdelay $0x1  }
0x1f7: {  	[tilespmem:s0+$0x11CD0] =	vst v25;
	v25 =	vld [tilespmem:s4+$0x8CD0]  }
0x1f8: {  	v52 =	vadd.s32 $0x5E80, v32;
	v26 =	vld.idx.msk [tilespmem:v26+s23+$0x0], $0xffff  }
0x1f9: {  	v27 =	vadd.s32 $0x5EE0, v28  }
0x1fa: {  	v30 =	vadd.s32 $0x5E80, v29;
	_ =	sdelay $0x2  }
0x1fb: {  	v34 =	vld.idx.msk [tilespmem:v52+s23+$0x0], $0xffff;
	v31 =	vadd.s32 $0x5E80, v25;
	[tilespmem:s0+$0x12CD0] =	vst v26  }
0x1fc: {  	v56 =	vadd.s32 $0x5EB0, v32;
	v26 =	vld.idx.msk [tilespmem:v27+s23+$0x0], $0xffff  }
0x1fd: {  	v27 =	vld.idx.msk [tilespmem:v30+s23+$0x0], $0xffff;
	v30 =	vadd.s32 $0x5F10, v28;
	_ =	sdelay $0x1  }
0x1fe: {  	v51 =	vadd.s32 $0x5EB0, v29  }
0x1ff: {  	[tilespmem:s4+$0x11CC0] =	vst v34;
	v31 =	vld.idx.msk [tilespmem:v31+s23+$0x0], $0xffff  }
0x200: {  	v34 =	vld.idx.msk [tilespmem:v56+s23+$0x0], $0xffff;
	v53 =	vadd.s32 $0x5EB0, v25;
	[tilespmem:s0+$0x13CD0] =	vst v26  }
0x201: {  	s5 =	simm.s32 $0x40;
	[tilespmem:s0+$0x11CC0] =	vst v27;
	v27 =	vld.idx.msk [tilespmem:v30+s23+$0x0], $0xffff  }
0x202: {  	v54 =	vadd.s32 $0x5F40, v28;
	v26 =	vld [tilespmem:s5+$0x8CD0]  }
0x203: {  	v30 =	vld.idx.msk [tilespmem:v51+s23+$0x0], $0xffff  }
0x204: {  	v59 =	vadd.s32 $0x5EE0, v32;
	[tilespmem:s4+$0x11CD0] =	vst v31  }
0x205: {  	v55 =	vadd.s32 $0x5EE0, v29;
	v31 =	vld.idx.msk [tilespmem:v53+s23+$0x0], $0xffff  }
0x206: {  	[tilespmem:s0+$0x14CD0] =	vst v27;
	v27 =	vadd.s32 $0x5EE0, v25  }
0x207: {  	[tilespmem:s4+$0x12CC0] =	vst v34;
	v57 =	vadd.s32 $0x5E80, v26;
	v33 =	vld.idx.msk [tilespmem:v54+s23+$0x0], $0xffff  }
0x208: {  	v37 =	vld [tilespmem:s5+$0x8CC0];
	[tilespmem:s0+$0x12CC0] =	vst v30;
	v30 =	vadd.s32 $0x5F70, v28  }
0x209: {  	v34 =	vld.idx.msk [tilespmem:v59+s23+$0x0], $0xffff  }
0x20a: {  	v47 =	vadd.s32 $0x5F10, v32;
	v36 =	vld.idx.msk [tilespmem:v55+s23+$0x0], $0xffff;
	[tilespmem:s4+$0x12CD0] =	vst v31  }
0x20b: {  	v58 =	vadd.s32 $0x5F10, v29;
	v27 =	vld.idx.msk [tilespmem:v27+s23+$0x0], $0xffff  }
0x20c: {  	v60 =	vadd.s32 $0x5F10, v25;
	v61 =	vld.idx.msk [tilespmem:v57+s23+$0x0], $0xffff;
	[tilespmem:s0+$0x15CD0] =	vst v33  }
0x20d: {  	s9 =	simm.s32 $0x60;
	v31 =	vadd.s32 $0x5E80, v37;
	v30 =	vld.idx.msk [tilespmem:v30+s23+$0x0], $0xffff  }
0x20e: {  	v48 =	vld [tilespmem:s9+$0x8CC0];
	[tilespmem:s4+$0x13CC0] =	vst v34;
	v63 =	vadd.s32 $0x5EB0, v26  }
0x20f: {  	v38 =	vld.idx.msk [tilespmem:v47+s23+$0x0], $0xffff;
	[tilespmem:s0+$0x13CC0] =	vst v36  }
0x210: {  	v62 =	vadd.s32 $0x5FA0, v28;
	v39 =	vld.idx.msk [tilespmem:v58+s23+$0x0], $0xffff;
	[tilespmem:s4+$0x13CD0] =	vst v27  }
0x211: {  	v44 =	vadd.s32 $0x5F40, v29;
	[tilespmem:s5+$0x11CD0] =	vst v61;
	v33 =	vld.idx.msk [tilespmem:v60+s23+$0x0], $0xffff  }
0x212: {  	v31 =	vld.idx.msk [tilespmem:v31+s23+$0x0], $0xffff;
	[tilespmem:s0+$0x16CD0] =	vst v30;
	v30 =	vadd.s32 $0x5F40, v25  }
0x213: {  	v57 =	vadd.s32 $0x5E80, v48;
	v40 =	vld.idx.msk [tilespmem:v63+s23+$0x0], $0xffff  }
0x214: {  	v46 =	vadd.s32 $0x5EB0, v37;
	v27 =	vld [tilespmem:s9+$0x8CD0]  }
0x215: {  	v52 =	vadd.s32 $0x5EE0, v26;
	[tilespmem:s0+$0x14CC0] =	vst v39;
	v45 =	vld.idx.msk [tilespmem:v62+s23+$0x0], $0xffff  }
0x216: {  	v28 =	vadd.s32 $0x5FD0, v28;
	v35 =	vld.idx.msk [tilespmem:v44+s23+$0x0], $0xffff;
	[tilespmem:s4+$0x14CD0] =	vst v33  }
0x217: {  	v53 =	vadd.s32 $0x5F70, v29;
	v30 =	vld.idx.msk [tilespmem:v30+s23+$0x0], $0xffff  }
0x218: {  	v54 =	vadd.s32 $0x5F70, v25;
	v49 =	vld.idx.msk [tilespmem:v57+s23+$0x0], $0xffff;
	[tilespmem:s5+$0x11CC0] =	vst v31  }
0x219: {  	v31 =	vld.idx.msk [tilespmem:v46+s23+$0x0], $0xffff;
	v55 =	vadd.s32 $0x5E80, v27;
	[tilespmem:s5+$0x12CD0] =	vst v40  }
0x21a: {  	v61 =	vadd.s32 $0x5F40, v32;
	v39 =	vld.idx.msk [tilespmem:v52+s23+$0x0], $0xffff;
	[tilespmem:s0+$0x17CD0] =	vst v45  }
0x21b: {  	v58 =	vadd.s32 $0x5EE0, v37;
	[tilespmem:s0+$0x15CC0] =	vst v35;
	v56 =	vld.idx.msk [tilespmem:v28+s23+$0x0], $0xffff  }
0x21c: {  	v60 =	vadd.s32 $0x5F10, v26;
	v59 =	vld.idx.msk [tilespmem:v53+s23+$0x0], $0xffff;
	[tilespmem:s4+$0x15CD0] =	vst v30  }
0x21d: {  	v43 =	vadd.s32 $0x5EB0, v48;
	[tilespmem:s4+$0x14CC0] =	vst v38;
	v63 =	vadd.s32 $0x5FA0, v29;
	v62 =	vld.idx.msk [tilespmem:v54+s23+$0x0], $0xffff  }
0x21e: {  	v41 =	vadd.s32 $0x5EE0, v48;
	v42 =	vadd.s32 $0x5F10, v48;
	[tilespmem:s5+$0x12CC0] =	vst v31;
	v53 =	vadd.s32 $0x5FA0, v25;
	v52 =	vld.idx.msk [tilespmem:v55+s23+$0x0], $0xffff  }
0x21f: {  	v34 =	vadd.s32 $0x5FA0, v48;
	v50 =	vadd.s32 $0x5F40, v26;
	v44 =	vld.idx.msk [tilespmem:v61+s23+$0x0], $0xffff;
	v51 =	vadd.s32 $0x5EB0, v27;
	[tilespmem:s5+$0x13CD0] =	vst v39  }
0x220: {  	v38 =	vadd.s32 $0x5F40, v37;
	v36 =	vadd.s32 $0x5F70, v37;
	v40 =	vadd.s32 $0x5F10, v37;
	v46 =	vld.idx.msk [tilespmem:v58+s23+$0x0], $0xffff;
	[tilespmem:s0+$0x18CD0] =	vst v56  }
0x221: {  	v33 =	vadd.s32 $0x5FA0, v37;
	v35 =	vadd.s32 $0x5F70, v32;
	v28 =	vadd.s32 $0x5FD0, v29;
	v45 =	vld.idx.msk [tilespmem:v60+s23+$0x0], $0xffff;
	[tilespmem:s0+$0x16CC0] =	vst v59  }
0x222: {  	v31 =	vadd.s32 $0x5FA0, v32;
	v29 =	vadd.s32 $0x5FD0, v32;
	v32 =	vadd.s32 $0x5FD0, v48;
	v47 =	vld.idx.msk [tilespmem:v63+s23+$0x0], $0xffff;
	[tilespmem:s4+$0x16CD0] =	vst v62  }
0x223: {  	s11 =	simm.s32 $0x6;
	s12 =	simm.s32 $0x200;
	v39 =	vadd.s32 $0x5F40, v48;
	v30 =	vadd.s32 $0x5FD0, v37;
	v37 =	vadd.s32 $0x5F70, v48;
	[tilespmem:s9+$0x11CD0] =	vst v52;
	v48 =	vld.idx.msk [tilespmem:v53+s23+$0x0], $0xffff  }
.LBB2_6:
0x224: {  	s13 =	sshra.s32 s12, $0x2;
	s11 =	sadd.s32 $0x2, s11;
	[tilespmem:s9+$0x11CC0] =	vst v49;
	v49 =	vld.idx.msk [tilespmem:v51+s23+$0x0], $0xffff  }
0x225: {  	p0 =	slt.u32 s11, $0xFE;
	[tilespmem:s5+$0x13CC0] =	vst v46;
	v46 =	vadd.s32 $0x5FD0, v25;
	v25 =	vmov v26;
	v26 =	vmov v27;
	v27 =	vld [tilespmem:s13+$0x8CD0]  }
0x226: {  	v51 =	vld [tilespmem:s13+$0x8CC0];
	v52 =	vadd.s32 $0x5EE0, v26;
	[tilespmem:s5+$0x14CD0] =	vst v45  }
0x227: {  	v45 =	vld.idx.msk [tilespmem:v50+s23+$0x0], $0xffff;
	[tilespmem:s4+$0x15CC0] =	vst v44  }
0x228: {  	v44 =	vld.idx.msk [tilespmem:v43+s23+$0x0], $0xffff;
	[tilespmem:s0+$0x17CC0] =	vst v47  }
0x229: {  	v50 =	vadd.s32 $0x5F70, v25;
	v47 =	vld.idx.msk [tilespmem:v40+s23+$0x0], $0xffff;
	[tilespmem:s4+$0x17CD0] =	vst v48;
	v40 =	vmov v42  }
0x22a: {  	v48 =	vadd.s32 $0x5E80, v27;
	[tilespmem:s9+$0x12CD0] =	vst v49;
	v46 =	vld.idx.msk [tilespmem:v46+s23+$0x0], $0xffff  }
0x22b: {  	v49 =	vadd.s32 $0x5E80, v51;
	v43 =	vadd.s32 $0x5EB0, v51;
	v53 =	vadd.s32 $0x5EE0, v51;
	v52 =	vld.idx.msk [tilespmem:v52+s23+$0x0], $0xffff  }
0x22c: {  	v42 =	vadd.s32 $0x5F10, v51;
	v54 =	vadd.s32 $0x5F40, v51;
	v55 =	vld.idx.msk [tilespmem:v35+s23+$0x0], $0xffff;
	v35 =	vmovc v36;
	v36 =	vmovc v37;
	v37 =	vadd.s32 $0x5F70, v51  }
0x22d: {  	v57 =	vadd.s32 $0x5F10, v26;
	v56 =	vadd.s32 $0x5FA0, v51;
	v51 =	vadd.s32 $0x5FD0, v51;
	[tilespmem:s5+$0x15CD0] =	vst v45;
	v58 =	vld.idx.msk [tilespmem:v28+s23+$0x0], $0xffff;
	v28 =	vmovc v29;
	v29 =	vmovc v30  }
0x22e: {  	v30 =	vmov v32;
	v32 =	vmov v51;
	[tilespmem:s9+$0x12CC0] =	vst v44;
	v59 =	vld.idx.msk [tilespmem:v50+s23+$0x0], $0xffff  }
0x22f: {  	v48 =	vld.idx.msk [tilespmem:v48+s23+$0x0], $0xffff;
	[tilespmem:s5+$0x14CC0] =	vst v47  }
0x230: {  	v60 =	vadd.s32 $0x5FA0, v25;
	v49 =	vld.idx.msk [tilespmem:v49+s23+$0x0], $0xffff;
	[tilespmem:s4+$0x18CD0] =	vst v46  }
.Ltmp2:
0x231: {  	v51 =	vadd.s32 $0x5EB0, v27;
	v46 =	vld.idx.msk [tilespmem:v41+s23+$0x0], $0xffff;
	[tilespmem:s9+$0x13CD0] =	vst v52;
	v41 =	vmov v53;
	(pc) =	sbr.rel @p0 .LBB2_6-.Ltmp2, $4  }
0x232: {  	v45 =	vld.idx.msk [tilespmem:v57+s23+$0x0], $0xffff;
	[tilespmem:s4+$0x16CC0] =	vst v55  }
0x233: {  	v44 =	vld.idx.msk [tilespmem:v38+s23+$0x0], $0xffff;
	[tilespmem:s0+$0x18CC0] =	vst v58;
	v38 =	vmov v39;
	v39 =	vmov v54;
	s0 =	smov.u32 s4;
	s4 =	smov.u32 s5;
	s5 =	smov.u32 s9  }
0x234: {  	v50 =	vadd.s32 $0x5F40, v26;
	s9 =	smov.u32 s13;
	[tilespmem:s4+$0x16CD0] =	vst v59;
	v47 =	vld.idx.msk [tilespmem:v31+s23+$0x0], $0xffff;
	v31 =	vmovc v33;
	v33 =	vmov v34;
	v34 =	vmov v56  }
0x235: {  	s12 =	sadd.s32 $0x80, s12;
	[tilespmem:s9+$0x11CD0] =	vst v48;
	v48 =	vld.idx.msk [tilespmem:v60+s23+$0x0], $0xffff  }
0x236: {  	_ =	sdelay $0x3  }
0x237: {  	v51 =	vld.idx.msk [tilespmem:v51+s23+$0x0], $0xffff;
	[tilespmem:s9+$0x11CC0] =	vst v49  }
0x238: {  	v62 =	vadd.s32 $0x5EE0, v27;
	v43 =	vld.idx.msk [tilespmem:v43+s23+$0x0], $0xffff;
	_ =	sdelay $0x3  }
0x239: {  	[tilespmem:s9+$0x12CD0] =	vst v51  }
0x23a: {  	v49 =	vld.idx.msk [tilespmem:v62+s23+$0x0], $0xffff;
	[tilespmem:s9+$0x12CC0] =	vst v43  }
0x23b: {  	v63 =	vadd.s32 $0x5F10, v27;
	v41 =	vld.idx.msk [tilespmem:v41+s23+$0x0], $0xffff;
	_ =	sdelay $0x2  }
0x23c: {  	[tilespmem:s5+$0x13CC0] =	vst v46  }
0x23d: {  	v40 =	vld.idx.msk [tilespmem:v40+s23+$0x0], $0xffff;
	[tilespmem:s9+$0x13CD0] =	vst v49  }
0x23e: {  	v52 =	vld.idx.msk [tilespmem:v63+s23+$0x0], $0xffff;
	[tilespmem:s9+$0x13CC0] =	vst v41  }
0x23f: {  	v53 =	vadd.s32 $0x5F40, v27;
	v41 =	vld.idx.msk [tilespmem:v42+s23+$0x0], $0xffff;
	_ =	sdelay $0x1  }
0x240: {  	[tilespmem:s5+$0x14CD0] =	vst v45  }
0x241: {  	v54 =	vld.idx.msk [tilespmem:v50+s23+$0x0], $0xffff;
	[tilespmem:s5+$0x14CC0] =	vst v40  }
0x242: {  	v55 =	vadd.s32 $0x5F70, v26;
	v38 =	vld.idx.msk [tilespmem:v38+s23+$0x0], $0xffff;
	[tilespmem:s9+$0x14CD0] =	vst v52  }
0x243: {  	v56 =	vld.idx.msk [tilespmem:v53+s23+$0x0], $0xffff;
	[tilespmem:s9+$0x14CC0] =	vst v41  }
0x244: {  	v57 =	vadd.s32 $0x5F70, v27;
	[tilespmem:s4+$0x15CC0] =	vst v44;
	v39 =	vld.idx.msk [tilespmem:v39+s23+$0x0], $0xffff  }
0x245: {  	[tilespmem:s0+$0x17CC0] =	vst v47  }
0x246: {  	v25 =	vadd.s32 $0x5FD0, v25;
	v35 =	vld.idx.msk [tilespmem:v35+s23+$0x0], $0xffff;
	[tilespmem:s5+$0x15CD0] =	vst v54  }
0x247: {  	v58 =	vld.idx.msk [tilespmem:v55+s23+$0x0], $0xffff;
	[tilespmem:s5+$0x15CC0] =	vst v38  }
0x248: {  	v59 =	vadd.s32 $0x5FA0, v26;
	v36 =	vld.idx.msk [tilespmem:v36+s23+$0x0], $0xffff;
	[tilespmem:s9+$0x15CD0] =	vst v56  }
0x249: {  	v60 =	vld.idx.msk [tilespmem:v57+s23+$0x0], $0xffff;
	[tilespmem:s9+$0x15CC0] =	vst v39  }
0x24a: {  	v61 =	vadd.s32 $0x5FA0, v27;
	[tilespmem:s4+$0x17CD0] =	vst v48;
	v37 =	vld.idx.msk [tilespmem:v37+s23+$0x0], $0xffff  }
0x24b: {  	v25 =	vld.idx.msk [tilespmem:v25+s23+$0x0], $0xffff;
	[tilespmem:s4+$0x16CC0] =	vst v35  }
0x24c: {  	v31 =	vld.idx.msk [tilespmem:v31+s23+$0x0], $0xffff;
	[tilespmem:s5+$0x16CD0] =	vst v58  }
0x24d: {  	v62 =	vld.idx.msk [tilespmem:v59+s23+$0x0], $0xffff;
	[tilespmem:s5+$0x16CC0] =	vst v36  }
0x24e: {  	v26 =	vadd.s32 $0x5FD0, v26;
	v33 =	vld.idx.msk [tilespmem:v33+s23+$0x0], $0xffff;
	[tilespmem:s9+$0x16CD0] =	vst v60  }
0x24f: {  	v63 =	vld.idx.msk [tilespmem:v61+s23+$0x0], $0xffff;
	[tilespmem:s9+$0x16CC0] =	vst v37  }
0x250: {  	v27 =	vadd.s32 $0x5FD0, v27;
	[tilespmem:s4+$0x18CD0] =	vst v25;
	v25 =	vld.idx.msk [tilespmem:v34+s23+$0x0], $0xffff  }
0x251: {  	v28 =	vld.idx.msk [tilespmem:v28+s23+$0x0], $0xffff;
	[tilespmem:s4+$0x17CC0] =	vst v31  }
0x252: {  	v29 =	vld.idx.msk [tilespmem:v29+s23+$0x0], $0xffff;
	[tilespmem:s5+$0x17CD0] =	vst v62  }
0x253: {  	v26 =	vld.idx.msk [tilespmem:v26+s23+$0x0], $0xffff;
	[tilespmem:s5+$0x17CC0] =	vst v33  }
0x254: {  	v30 =	vld.idx.msk [tilespmem:v30+s23+$0x0], $0xffff;
	[tilespmem:s9+$0x17CD0] =	vst v63  }
0x255: {  	v27 =	vld.idx.msk [tilespmem:v27+s23+$0x0], $0xffff;
	[tilespmem:s9+$0x17CC0] =	vst v25  }
0x256: {  	[tilespmem:s0+$0x18CC0] =	vst v28;
	v25 =	vld.idx.msk [tilespmem:v32+s23+$0x0], $0xffff  }
0x257: {  	[tilespmem:s4+$0x18CC0] =	vst v29  }
0x258: {  	[tilespmem:s5+$0x18CD0] =	vst v26  }
0x259: {  	[tilespmem:s5+$0x18CC0] =	vst v30  }
0x25a: {  	[tilespmem:s9+$0x18CD0] =	vst v27  }
0x25b: {  	[tilespmem:s9+$0x18CC0] =	vst v25  }
0x25c: {  	s0 =	simm.s32 $0x0;
	s4 =	rddreg [dreg:$0x9]  }
0x25d: {  	[tilespmem:s14], [sflag:$0x4] =	stream.linear.gather [hbm4b:s4+s0], $0x1000, $0x38;
	[tilespmem:$0x19CC0] =	vst v63  }
0x25e: {  	s21 =	rddreg [dreg:$0xa]  }
0x25f: {  	[hbm4b:s21+s24] =	stream.strided.scatter [tilespmem:s29], [sflag:$0x2], $0x8000, s25, s24, $0x38;
	[tilespmem:$0x19CC0] =	vst v63  }
.LBB2_8:
0x260: {  	_ =	swait.ge [sflag:s22], $0x1000  }
0x261: {  	[sflag:s22] =	ssyncset.done $0x0  }
0x262: {  	[sflag:s22] =	ssyncadd.s32 $0xFFFFF000  }
0x263: {  	_ =	swait.ge [sflag:s30], $0x8000  }
0x264: {  	[sflag:s30] =	ssyncset.done $0x0  }
0x265: {  	s5 =	simm.s32 $0x0;
	[sflag:s30] =	ssyncadd.s32 $0xFFFF8000  }
0x266: {  	s4 =	sshll.u32 s0, $0x1;
	v25 =	vld [tilespmem:s5+$0x7CD0]  }
0x267: {  	s21 =	ssub.s32 $0x3E, s4  }
0x268: {  	s9 =	smul.u32 $0x180, s21;
	_ =	sdelay $0x1  }
0x269: {  	v26 =	vmov s9  }
0x26a: {  	v27 =	vadd.s32 v26, v25;
	_ =	sdelay $0x3  }
0x26b: {  	v25 =	vand.u32 $0x7, v25;
	v28 =	vand.u32 $0xFFFFFFF8, v27  }
0x26c: {  	v28 =	vor.u32 v25, v28;
	v27 =	vld.idx.msk [tilespmem:v27+s23+$0x0], $0xffff  }
0x26d: {  	v25 =	vadd.s32 $0x30, v28;
	_ =	sdelay $0x2  }
0x26e: {  	s9 =	simm.s32 $0x20;
	v29 =	vld [tilespmem:s5+$0x7CC0]  }
0x26f: {  	[tilespmem:s5+$0x9CD0] =	vst v27;
	v27 =	vld [tilespmem:s9+$0x7CD0]  }
0x270: {  	v25 =	vld.idx.msk [tilespmem:v25+s23+$0x0], $0xffff  }
0x271: {  	v30 =	vadd.s32 $0x60, v28;
	_ =	sdelay $0x2  }
0x272: {  	v31 =	vadd.s32 v26, v29  }
0x273: {  	v33 =	vadd.s32 v26, v27;
	[tilespmem:s5+$0xACD0] =	vst v25  }
0x274: {  	v30 =	vld.idx.msk [tilespmem:v30+s23+$0x0], $0xffff  }
0x275: {  	v34 =	vadd.s32 $0x90, v28  }
0x276: {  	v32 =	vld [tilespmem:s9+$0x7CC0];
	v25 =	vand.u32 $0x7, v29;
	v29 =	vand.u32 $0xFFFFFFF8, v31  }
0x277: {  	v27 =	vand.u32 $0x7, v27;
	v31 =	vld.idx.msk [tilespmem:v31+s23+$0x0], $0xffff;
	v29 =	vor.u32 v25, v29;
	v25 =	vand.u32 $0xFFFFFFF8, v33  }
0x278: {  	v35 =	vadd.s32 $0x30, v29;
	v25 =	vor.u32 v27, v25;
	v33 =	vld.idx.msk [tilespmem:v33+s23+$0x0], $0xffff  }
0x279: {  	v27 =	vadd.s32 $0x30, v25;
	[tilespmem:s5+$0xBCD0] =	vst v30  }
0x27a: {  	s11 =	simm.s32 $0x40;
	v30 =	vld.idx.msk [tilespmem:v34+s23+$0x0], $0xffff  }
0x27b: {  	v51 =	vld [tilespmem:s11+$0x7CD0];
	v36 =	vadd.s32 v26, v32  }
0x27c: {  	v38 =	vld [tilespmem:s11+$0x7CC0];
	v49 =	vadd.s32 $0xC0, v28;
	[tilespmem:s5+$0x9CC0] =	vst v31  }
0x27d: {  	v31 =	vld.idx.msk [tilespmem:v35+s23+$0x0], $0xffff;
	[tilespmem:s9+$0x9CD0] =	vst v33  }
0x27e: {  	s12 =	simm.s32 $0x60;
	v37 =	vadd.s32 $0x60, v29;
	v27 =	vld.idx.msk [tilespmem:v27+s23+$0x0], $0xffff  }
0x27f: {  	v43 =	vld [tilespmem:s12+$0x7CD0];
	[tilespmem:s5+$0xCCD0] =	vst v30;
	v30 =	vadd.s32 $0x60, v25  }
0x280: {  	v39 =	vadd.s32 v26, v51;
	v50 =	vld.idx.msk [tilespmem:v36+s23+$0x0], $0xffff  }
0x281: {  	v32 =	vand.u32 $0x7, v32;
	v52 =	vadd.s32 v26, v38;
	v36 =	vand.u32 $0xFFFFFFF8, v36;
	v34 =	vld.idx.msk [tilespmem:v49+s23+$0x0], $0xffff  }
0x282: {  	v63 =	vld [tilespmem:s12+$0x7CC0];
	v32 =	vor.u32 v32, v36;
	[tilespmem:s5+$0xACC0] =	vst v31;
	v31 =	vadd.s32 $0xF0, v28  }
0x283: {  	v36 =	vadd.s32 $0x30, v32;
	v37 =	vld.idx.msk [tilespmem:v37+s23+$0x0], $0xffff;
	[tilespmem:s9+$0xACD0] =	vst v27  }
0x284: {  	v40 =	vadd.s32 $0x90, v29;
	v33 =	vand.u32 $0x7, v51;
	v27 =	vand.u32 $0xFFFFFFF8, v39;
	v30 =	vld.idx.msk [tilespmem:v30+s23+$0x0], $0xffff  }
0x285: {  	v54 =	vld.idx.msk [tilespmem:v39+s23+$0x0], $0xffff;
	v53 =	vadd.s32 $0x90, v25;
	v27 =	vor.u32 v33, v27  }
0x286: {  	v58 =	vld.idx.msk [tilespmem:v52+s23+$0x0], $0xffff;
	v57 =	vadd.s32 $0x30, v27;
	[tilespmem:s5+$0xDCD0] =	vst v34  }
0x287: {  	v45 =	vadd.s32 v26, v43;
	[tilespmem:s9+$0x9CC0] =	vst v50;
	v31 =	vld.idx.msk [tilespmem:v31+s23+$0x0], $0xffff  }
0x288: {  	v55 =	vadd.s32 $0x120, v28;
	v35 =	vld.idx.msk [tilespmem:v36+s23+$0x0], $0xffff;
	[tilespmem:s5+$0xBCC0] =	vst v37  }
0x289: {  	v41 =	vadd.s32 $0x60, v32;
	v56 =	vld.idx.msk [tilespmem:v40+s23+$0x0], $0xffff;
	[tilespmem:s9+$0xBCD0] =	vst v30  }
0x28a: {  	[tilespmem:s11+$0x9CD0] =	vst v54;
	v30 =	vadd.s32 $0xC0, v29;
	v34 =	vld.idx.msk [tilespmem:v53+s23+$0x0], $0xffff  }
0x28b: {  	v38 =	vand.u32 $0x7, v38;
	v59 =	vadd.s32 $0xC0, v25;
	v36 =	vand.u32 $0xFFFFFFF8, v52;
	v61 =	vld.idx.msk [tilespmem:v57+s23+$0x0], $0xffff  }
0x28c: {  	v54 =	vld.idx.msk [tilespmem:v45+s23+$0x0], $0xffff;
	v42 =	vadd.s32 $0x60, v27;
	[tilespmem:s5+$0xECD0] =	vst v31;
	v31 =	vor.u32 v38, v36  }
0x28d: {  	[tilespmem:s9+$0xACC0] =	vst v35;
	v33 =	vld.idx.msk [tilespmem:v55+s23+$0x0], $0xffff;
	v60 =	vadd.s32 $0x30, v31  }
0x28e: {  	v28 =	vadd.s32 $0x150, v28;
	v41 =	vld.idx.msk [tilespmem:v41+s23+$0x0], $0xffff;
	[tilespmem:s5+$0xCCC0] =	vst v56  }
0x28f: {  	v62 =	vadd.s32 $0x90, v32;
	v30 =	vld.idx.msk [tilespmem:v30+s23+$0x0], $0xffff;
	[tilespmem:s9+$0xCCD0] =	vst v34  }
0x290: {  	v56 =	vadd.s32 $0xF0, v29;
	[tilespmem:s11+$0xACD0] =	vst v61;
	v57 =	vld.idx.msk [tilespmem:v59+s23+$0x0], $0xffff  }
0x291: {  	[tilespmem:s11+$0x9CC0] =	vst v58;
	v42 =	vld.idx.msk [tilespmem:v42+s23+$0x0], $0xffff;
	v59 =	vadd.s32 $0xF0, v25  }
0x292: {  	v58 =	vld.idx.msk [tilespmem:v60+s23+$0x0], $0xffff;
	[tilespmem:s5+$0xFCD0] =	vst v33;
	v60 =	vadd.s32 v26, v63  }
0x293: {  	v43 =	vand.u32 $0x7, v43;
	v52 =	vadd.s32 $0x90, v27;
	[tilespmem:s9+$0xBCC0] =	vst v41;
	v46 =	vld.idx.msk [tilespmem:v28+s23+$0x0], $0xffff  }
0x294: {  	v50 =	vadd.s32 $0xC0, v32;
	v49 =	vadd.s32 $0x120, v29;
	v40 =	vld.idx.msk [tilespmem:v62+s23+$0x0], $0xffff;
	v44 =	vadd.s32 $0x60, v31;
	[tilespmem:s5+$0xDCC0] =	vst v30  }
0x295: {  	v38 =	vadd.s32 $0x90, v31;
	v37 =	vadd.s32 $0xC0, v31;
	v55 =	vadd.s32 $0x120, v25;
	v51 =	vld.idx.msk [tilespmem:v56+s23+$0x0], $0xffff;
	[tilespmem:s9+$0xDCD0] =	vst v57  }
0x296: {  	v61 =	vand.u32 $0x7, v63;
	v34 =	vadd.s32 $0xF0, v31;
	v63 =	vand.u32 $0xFFFFFFF8, v45;
	[tilespmem:s11+$0xBCD0] =	vst v42;
	v53 =	vld.idx.msk [tilespmem:v59+s23+$0x0], $0xffff  }
0x297: {  	v33 =	vadd.s32 $0xF0, v32;
	v28 =	vadd.s32 $0x150, v29;
	v43 =	vor.u32 v43, v63;
	[tilespmem:s11+$0xACC0] =	vst v58;
	v47 =	vld.idx.msk [tilespmem:v60+s23+$0x0], $0xffff  }
0x298: {  	v29 =	vadd.s32 $0x150, v32;
	v62 =	vand.u32 $0xFFFFFFF8, v60;
	[tilespmem:s5+$0x10CD0] =	vst v46;
	v46 =	vld.idx.msk [tilespmem:v52+s23+$0x0], $0xffff;
	v52 =	vadd.s32 $0x30, v43  }
0x299: {  	[tilespmem:s9+$0xCCC0] =	vst v40;
	v30 =	vadd.s32 $0x120, v32;
	v32 =	vadd.s32 $0x120, v31;
	v36 =	vor.u32 v61, v62;
	v48 =	vld.idx.msk [tilespmem:v44+s23+$0x0], $0xffff  }
0x29a: {  	v45 =	vld.idx.msk [tilespmem:v50+s23+$0x0], $0xffff;
	v31 =	vadd.s32 $0x150, v31;
	v41 =	vadd.s32 $0x60, v36;
	v42 =	vadd.s32 $0x90, v36;
	[tilespmem:s5+$0xECC0] =	vst v51  }
0x29b: {  	v39 =	vadd.s32 $0xC0, v36;
	v40 =	vadd.s32 $0xF0, v36;
	v51 =	vadd.s32 $0xC0, v27;
	v49 =	vld.idx.msk [tilespmem:v49+s23+$0x0], $0xffff;
	[tilespmem:s9+$0xECD0] =	vst v53  }
0x29c: {  	s13 =	simm.s32 $0x6;
	s14 =	simm.s32 $0x200;
	[tilespmem:s12+$0x9CD0] =	vst v54;
	v35 =	vadd.s32 $0x120, v36;
	v44 =	vadd.s32 $0x30, v36;
	v36 =	vadd.s32 $0x150, v36;
	v50 =	vld.idx.msk [tilespmem:v55+s23+$0x0], $0xffff  }
.LBB2_9:
0x29d: {  	s15 =	sshra.s32 s14, $0x2;
	s13 =	sadd.s32 $0x2, s13;
	[tilespmem:s12+$0x9CC0] =	vst v47;
	v47 =	vld.idx.msk [tilespmem:v52+s23+$0x0], $0xffff  }
0x29e: {  	v52 =	vld [tilespmem:s15+$0x7CD0];
	p0 =	slt.u32 s13, $0xFE;
	[tilespmem:s11+$0xBCC0] =	vst v48;
	v48 =	vadd.s32 $0x150, v25;
	v25 =	vmov v27;
	v27 =	vmov v43  }
0x29f: {  	v43 =	vld [tilespmem:s15+$0x7CC0];
	v53 =	vadd.s32 $0x60, v27;
	[tilespmem:s11+$0xCCD0] =	vst v46  }
0x2a0: {  	v46 =	vld.idx.msk [tilespmem:v51+s23+$0x0], $0xffff;
	[tilespmem:s9+$0xDCC0] =	vst v45  }
0x2a1: {  	v45 =	vld.idx.msk [tilespmem:v44+s23+$0x0], $0xffff;
	[tilespmem:s5+$0xFCC0] =	vst v49  }
0x2a2: {  	v51 =	vadd.s32 $0xF0, v25;
	v49 =	vld.idx.msk [tilespmem:v38+s23+$0x0], $0xffff;
	[tilespmem:s9+$0xFCD0] =	vst v50;
	v38 =	vmov v42  }
0x2a3: {  	v50 =	vadd.s32 v26, v52;
	[tilespmem:s12+$0xACD0] =	vst v47;
	v48 =	vld.idx.msk [tilespmem:v48+s23+$0x0], $0xffff  }
0x2a4: {  	v47 =	vadd.s32 v26, v43;
	v42 =	vand.u32 $0x7, v43;
	v53 =	vld.idx.msk [tilespmem:v53+s23+$0x0], $0xffff  }
0x2a5: {  	v43 =	vand.u32 $0xFFFFFFF8, v47;
	v54 =	vld.idx.msk [tilespmem:v33+s23+$0x0], $0xffff;
	v33 =	vmov v34;
	v34 =	vmov v40  }
0x2a6: {  	v56 =	vadd.s32 $0x90, v27;
	v55 =	vor.u32 v42, v43;
	[tilespmem:s11+$0xDCD0] =	vst v46;
	v57 =	vld.idx.msk [tilespmem:v28+s23+$0x0], $0xffff;
	v28 =	vmovc v29;
	v29 =	vmov v31  }
0x2a7: {  	v31 =	vmovc v36;
	v44 =	vadd.s32 $0x30, v55;
	v46 =	vadd.s32 $0x60, v55;
	v42 =	vadd.s32 $0x90, v55;
	[tilespmem:s12+$0xACC0] =	vst v45;
	v58 =	vld.idx.msk [tilespmem:v51+s23+$0x0], $0xffff  }
0x2a8: {  	v36 =	vand.u32 $0xFFFFFFF8, v50;
	v43 =	vand.u32 $0x7, v52;
	v51 =	vadd.s32 $0xC0, v55;
	v59 =	vld.idx.msk [tilespmem:v50+s23+$0x0], $0xffff;
	[tilespmem:s11+$0xCCC0] =	vst v49  }
0x2a9: {  	v40 =	vadd.s32 $0xF0, v55;
	v43 =	vor.u32 v43, v36;
	v50 =	vadd.s32 $0x120, v25;
	v47 =	vld.idx.msk [tilespmem:v47+s23+$0x0], $0xffff;
	[tilespmem:s9+$0x10CD0] =	vst v48  }
.Ltmp3:
0x2aa: {  	v60 =	vadd.s32 $0x120, v55;
	v36 =	vadd.s32 $0x150, v55;
	v52 =	vadd.s32 $0x30, v43;
	v48 =	vld.idx.msk [tilespmem:v41+s23+$0x0], $0xffff;
	[tilespmem:s12+$0xBCD0] =	vst v53;
	v41 =	vmovc v46;
	(pc) =	sbr.rel @p0 .LBB2_9-.Ltmp3, $4  }
0x2ab: {  	v46 =	vld.idx.msk [tilespmem:v56+s23+$0x0], $0xffff;
	[tilespmem:s9+$0xECC0] =	vst v54  }
0x2ac: {  	v45 =	vld.idx.msk [tilespmem:v37+s23+$0x0], $0xffff;
	[tilespmem:s5+$0x10CC0] =	vst v57;
	v37 =	vmov v39;
	v39 =	vmov v51;
	s5 =	smov.u32 s9;
	s9 =	smov.u32 s11;
	s11 =	smov.u32 s12  }
0x2ad: {  	v51 =	vadd.s32 $0xC0, v27;
	s12 =	smov.u32 s15;
	[tilespmem:s9+$0xECD0] =	vst v58;
	v49 =	vld.idx.msk [tilespmem:v30+s23+$0x0], $0xffff;
	v30 =	vmovc v32;
	v32 =	vmov v35;
	v35 =	vmov v60  }
0x2ae: {  	s14 =	sadd.s32 $0x80, s14;
	[tilespmem:s12+$0x9CD0] =	vst v59;
	v50 =	vld.idx.msk [tilespmem:v50+s23+$0x0], $0xffff  }
0x2af: {  	_ =	sdelay $0x3  }
0x2b0: {  	v26 =	vld.idx.msk [tilespmem:v52+s23+$0x0], $0xffff;
	[tilespmem:s12+$0x9CC0] =	vst v47  }
0x2b1: {  	v57 =	vadd.s32 $0x60, v43;
	v44 =	vld.idx.msk [tilespmem:v44+s23+$0x0], $0xffff;
	_ =	sdelay $0x3  }
0x2b2: {  	[tilespmem:s12+$0xACD0] =	vst v26  }
0x2b3: {  	v26 =	vld.idx.msk [tilespmem:v57+s23+$0x0], $0xffff;
	[tilespmem:s12+$0xACC0] =	vst v44  }
0x2b4: {  	v58 =	vadd.s32 $0x90, v43;
	v41 =	vld.idx.msk [tilespmem:v41+s23+$0x0], $0xffff;
	_ =	sdelay $0x2  }
0x2b5: {  	[tilespmem:s11+$0xBCC0] =	vst v48  }
0x2b6: {  	v38 =	vld.idx.msk [tilespmem:v38+s23+$0x0], $0xffff;
	[tilespmem:s12+$0xBCD0] =	vst v26  }
0x2b7: {  	v26 =	vld.idx.msk [tilespmem:v58+s23+$0x0], $0xffff;
	[tilespmem:s12+$0xBCC0] =	vst v41  }
0x2b8: {  	v59 =	vadd.s32 $0xC0, v43;
	v41 =	vld.idx.msk [tilespmem:v42+s23+$0x0], $0xffff;
	_ =	sdelay $0x1  }
0x2b9: {  	[tilespmem:s11+$0xCCD0] =	vst v46  }
0x2ba: {  	v60 =	vld.idx.msk [tilespmem:v51+s23+$0x0], $0xffff;
	[tilespmem:s11+$0xCCC0] =	vst v38  }
0x2bb: {  	v61 =	vadd.s32 $0xF0, v27;
	v37 =	vld.idx.msk [tilespmem:v37+s23+$0x0], $0xffff;
	[tilespmem:s12+$0xCCD0] =	vst v26  }
0x2bc: {  	v26 =	vld.idx.msk [tilespmem:v59+s23+$0x0], $0xffff;
	[tilespmem:s12+$0xCCC0] =	vst v41  }
0x2bd: {  	v62 =	vadd.s32 $0xF0, v43;
	[tilespmem:s9+$0xDCC0] =	vst v45;
	v39 =	vld.idx.msk [tilespmem:v39+s23+$0x0], $0xffff  }
0x2be: {  	[tilespmem:s5+$0xFCC0] =	vst v49  }
0x2bf: {  	v25 =	vadd.s32 $0x150, v25;
	v33 =	vld.idx.msk [tilespmem:v33+s23+$0x0], $0xffff;
	[tilespmem:s11+$0xDCD0] =	vst v60  }
0x2c0: {  	v63 =	vld.idx.msk [tilespmem:v61+s23+$0x0], $0xffff;
	[tilespmem:s11+$0xDCC0] =	vst v37  }
0x2c1: {  	v45 =	vadd.s32 $0x120, v27;
	v34 =	vld.idx.msk [tilespmem:v34+s23+$0x0], $0xffff;
	[tilespmem:s12+$0xDCD0] =	vst v26  }
0x2c2: {  	v26 =	vld.idx.msk [tilespmem:v62+s23+$0x0], $0xffff;
	[tilespmem:s12+$0xDCC0] =	vst v39  }
0x2c3: {  	v46 =	vadd.s32 $0x120, v43;
	[tilespmem:s9+$0xFCD0] =	vst v50;
	v47 =	vld.idx.msk [tilespmem:v40+s23+$0x0], $0xffff  }
0x2c4: {  	v25 =	vld.idx.msk [tilespmem:v25+s23+$0x0], $0xffff;
	[tilespmem:s9+$0xECC0] =	vst v33  }
0x2c5: {  	v30 =	vld.idx.msk [tilespmem:v30+s23+$0x0], $0xffff;
	[tilespmem:s11+$0xECD0] =	vst v63  }
0x2c6: {  	v48 =	vld.idx.msk [tilespmem:v45+s23+$0x0], $0xffff;
	[tilespmem:s11+$0xECC0] =	vst v34  }
0x2c7: {  	v27 =	vadd.s32 $0x150, v27;
	v32 =	vld.idx.msk [tilespmem:v32+s23+$0x0], $0xffff;
	[tilespmem:s12+$0xECD0] =	vst v26  }
0x2c8: {  	v26 =	vld.idx.msk [tilespmem:v46+s23+$0x0], $0xffff;
	[tilespmem:s12+$0xECC0] =	vst v47  }
0x2c9: {  	v49 =	vadd.s32 $0x150, v43;
	[tilespmem:s9+$0x10CD0] =	vst v25;
	v25 =	vld.idx.msk [tilespmem:v35+s23+$0x0], $0xffff  }
0x2ca: {  	v28 =	vld.idx.msk [tilespmem:v28+s23+$0x0], $0xffff;
	[tilespmem:s9+$0xFCC0] =	vst v30  }
0x2cb: {  	v29 =	vld.idx.msk [tilespmem:v29+s23+$0x0], $0xffff;
	[tilespmem:s11+$0xFCD0] =	vst v48  }
0x2cc: {  	v27 =	vld.idx.msk [tilespmem:v27+s23+$0x0], $0xffff;
	[tilespmem:s11+$0xFCC0] =	vst v32  }
0x2cd: {  	v30 =	vld.idx.msk [tilespmem:v31+s23+$0x0], $0xffff;
	[tilespmem:s12+$0xFCD0] =	vst v26  }
0x2ce: {  	v26 =	vld.idx.msk [tilespmem:v49+s23+$0x0], $0xffff;
	[tilespmem:s12+$0xFCC0] =	vst v25  }
0x2cf: {  	[tilespmem:s5+$0x10CC0] =	vst v28;
	v25 =	vld.idx.msk [tilespmem:v36+s23+$0x0], $0xffff  }
0x2d0: {  	s14 =	sshll.u32 s0, $0xF;
	[tilespmem:s9+$0x10CC0] =	vst v29  }
0x2d1: {  	s5 =	ssub.s32 s7, s14;
	[tilespmem:s11+$0x10CD0] =	vst v27  }
0x2d2: {  	s15 =	sadd.s32 $0xF0000, s5;
	[tilespmem:s11+$0x10CC0] =	vst v30  }
0x2d3: {  	s9 =	sshrl.u32 s15, $0x3;
	[tilespmem:s12+$0x10CD0] =	vst v26  }
0x2d4: {  	s13 =	simm.s32 $0x0;
	s14 =	sshll.u32 s21, $0x14;
	s9 =	sadd.s32 s1, s9;
	[tilespmem:s12+$0x10CC0] =	vst v25  }
0x2d5: {  	[tilespmem:s20], [sflag:$0x3] =	stream.linear.gather [hbm4b:s9+s13], $0x1000, $0x38;
	[tilespmem:$0x19CC0] =	vst v63  }
0x2d6: {  	s9 =	sor.u32 s8, s14  }
0x2d7: {  	s9 =	sshrl.u32 s9, $0x3  }
0x2d8: {  	s9 =	sadd.s32 s6, s9  }
0x2d9: {  	[hbm4b:s9+s24] =	stream.strided.scatter [tilespmem:s26], [sflag:$0x1], $0x8000, s25, s24, $0x38;
	[tilespmem:$0x19CC0] =	vst v63  }
0x2da: {  	_ =	swait.ge [sflag:s28], $0x1000  }
0x2db: {  	[sflag:s28] =	ssyncset.done $0x0  }
0x2dc: {  	[sflag:s28] =	ssyncadd.s32 $0xFFFFF000  }
0x2dd: {  	_ =	swait.ge [sflag:s31], $0x8000  }
0x2de: {  	[sflag:s31] =	ssyncset.done $0x0  }
0x2df: {  	s21 =	simm.s32 $0x0;
	[sflag:s31] =	ssyncadd.s32 $0xFFFF8000  }
0x2e0: {  	v25 =	vld [tilespmem:s21+$0x8CD0]  }
0x2e1: {  	s4 =	ssub.s32 $0x3D, s4  }
0x2e2: {  	s15 =	smul.u32 $0x180, s4;
	_ =	sdelay $0x1  }
0x2e3: {  	v26 =	vmov s15  }
0x2e4: {  	v27 =	vadd.s32 v26, v25;
	_ =	sdelay $0x3  }
0x2e5: {  	v25 =	vand.u32 $0x7, v25;
	v28 =	vand.u32 $0xFFFFFFF8, v27  }
0x2e6: {  	v28 =	vor.u32 v25, v28;
	v27 =	vld.idx.msk [tilespmem:v27+s23+$0x0], $0xffff  }
0x2e7: {  	v25 =	vadd.s32 $0x30, v28;
	_ =	sdelay $0x2  }
0x2e8: {  	s9 =	simm.s32 $0x20;
	v29 =	vld [tilespmem:s21+$0x8CC0]  }
0x2e9: {  	[tilespmem:s21+$0x11CD0] =	vst v27;
	v27 =	vld [tilespmem:s9+$0x8CD0]  }
0x2ea: {  	v25 =	vld.idx.msk [tilespmem:v25+s23+$0x0], $0xffff  }
0x2eb: {  	v30 =	vadd.s32 $0x60, v28;
	_ =	sdelay $0x1  }
0x2ec: {  	v50 =	vld [tilespmem:s9+$0x8CC0]  }
0x2ed: {  	v31 =	vadd.s32 v26, v29  }
0x2ee: {  	v51 =	vadd.s32 v26, v27;
	[tilespmem:s21+$0x12CD0] =	vst v25  }
0x2ef: {  	v30 =	vld.idx.msk [tilespmem:v30+s23+$0x0], $0xffff  }
0x2f0: {  	v52 =	vadd.s32 $0x90, v28  }
0x2f1: {  	v54 =	vadd.s32 v26, v50;
	v25 =	vand.u32 $0x7, v29;
	v29 =	vand.u32 $0xFFFFFFF8, v31  }
0x2f2: {  	v27 =	vand.u32 $0x7, v27;
	v31 =	vld.idx.msk [tilespmem:v31+s23+$0x0], $0xffff;
	v29 =	vor.u32 v25, v29;
	v25 =	vand.u32 $0xFFFFFFF8, v51  }
0x2f3: {  	v53 =	vadd.s32 $0x30, v29;
	v25 =	vor.u32 v27, v25;
	v33 =	vld.idx.msk [tilespmem:v51+s23+$0x0], $0xffff  }
0x2f4: {  	v27 =	vadd.s32 $0x30, v25;
	[tilespmem:s21+$0x13CD0] =	vst v30  }
0x2f5: {  	v32 =	vand.u32 $0x7, v50;
	v36 =	vand.u32 $0xFFFFFFF8, v54;
	v30 =	vld.idx.msk [tilespmem:v52+s23+$0x0], $0xffff  }
0x2f6: {  	s11 =	simm.s32 $0x40;
	v32 =	vor.u32 v32, v36;
	v56 =	vld.idx.msk [tilespmem:v54+s23+$0x0], $0xffff  }
0x2f7: {  	v58 =	vld [tilespmem:s11+$0x8CD0];
	v36 =	vadd.s32 $0x30, v32;
	[tilespmem:s21+$0x11CC0] =	vst v31  }
0x2f8: {  	v55 =	vadd.s32 $0xC0, v28;
	v31 =	vld.idx.msk [tilespmem:v53+s23+$0x0], $0xffff;
	[tilespmem:s9+$0x11CD0] =	vst v33  }
0x2f9: {  	v57 =	vadd.s32 $0x60, v29;
	v27 =	vld.idx.msk [tilespmem:v27+s23+$0x0], $0xffff  }
0x2fa: {  	s12 =	simm.s32 $0x60;
	v59 =	vld [tilespmem:s11+$0x8CC0];
	[tilespmem:s21+$0x14CD0] =	vst v30;
	v30 =	vadd.s32 $0x60, v25  }
0x2fb: {  	v43 =	vld [tilespmem:s12+$0x8CD0];
	[tilespmem:s9+$0x11CC0] =	vst v56  }
0x2fc: {  	v60 =	vadd.s32 v26, v58;
	v35 =	vld.idx.msk [tilespmem:v36+s23+$0x0], $0xffff  }
0x2fd: {  	v63 =	vadd.s32 $0x60, v32;
	[tilespmem:s21+$0x12CC0] =	vst v31;
	v34 =	vld.idx.msk [tilespmem:v55+s23+$0x0], $0xffff  }
0x2fe: {  	v31 =	vadd.s32 $0xF0, v28;
	v37 =	vld.idx.msk [tilespmem:v57+s23+$0x0], $0xffff;
	[tilespmem:s9+$0x12CD0] =	vst v27  }
0x2ff: {  	v61 =	vadd.s32 $0x90, v29;
	v30 =	vld.idx.msk [tilespmem:v30+s23+$0x0], $0xffff  }
0x300: {  	v39 =	vld [tilespmem:s12+$0x8CC0];
	v44 =	vadd.s32 $0x90, v25;
	v33 =	vand.u32 $0x7, v58;
	v27 =	vand.u32 $0xFFFFFFF8, v60  }
0x301: {  	v62 =	vadd.s32 v26, v59;
	v45 =	vld.idx.msk [tilespmem:v60+s23+$0x0], $0xffff;
	[tilespmem:s9+$0x12CC0] =	vst v35;
	v27 =	vor.u32 v33, v27  }
0x302: {  	v41 =	vld.idx.msk [tilespmem:v63+s23+$0x0], $0xffff;
	v48 =	vadd.s32 $0x30, v27;
	[tilespmem:s21+$0x15CD0] =	vst v34  }
0x303: {  	v53 =	vadd.s32 $0x90, v32;
	[tilespmem:s21+$0x13CC0] =	vst v37;
	v31 =	vld.idx.msk [tilespmem:v31+s23+$0x0], $0xffff  }
0x304: {  	v46 =	vadd.s32 $0x120, v28;
	v47 =	vld.idx.msk [tilespmem:v61+s23+$0x0], $0xffff;
	[tilespmem:s9+$0x13CD0] =	vst v30  }
0x305: {  	v30 =	vadd.s32 $0xC0, v29;
	v34 =	vld.idx.msk [tilespmem:v44+s23+$0x0], $0xffff  }
0x306: {  	v49 =	vld.idx.msk [tilespmem:v62+s23+$0x0], $0xffff;
	[tilespmem:s11+$0x11CD0] =	vst v45;
	v50 =	vadd.s32 $0xC0, v25  }
0x307: {  	v38 =	vand.u32 $0x7, v59;
	v36 =	vand.u32 $0xFFFFFFF8, v62;
	v63 =	vadd.s32 v26, v39;
	[tilespmem:s9+$0x13CC0] =	vst v41;
	v52 =	vld.idx.msk [tilespmem:v48+s23+$0x0], $0xffff  }
0x308: {  	v40 =	vld.idx.msk [tilespmem:v53+s23+$0x0], $0xffff;
	v54 =	vadd.s32 $0x60, v27;
	[tilespmem:s21+$0x16CD0] =	vst v31;
	v31 =	vor.u32 v38, v36  }
0x309: {  	[tilespmem:s21+$0x14CC0] =	vst v47;
	v33 =	vld.idx.msk [tilespmem:v46+s23+$0x0], $0xffff;
	v51 =	vadd.s32 $0x30, v31  }
0x30a: {  	v28 =	vadd.s32 $0x150, v28;
	v30 =	vld.idx.msk [tilespmem:v30+s23+$0x0], $0xffff;
	[tilespmem:s9+$0x14CD0] =	vst v34  }
0x30b: {  	v55 =	vadd.s32 $0xF0, v29;
	v56 =	vld.idx.msk [tilespmem:v50+s23+$0x0], $0xffff  }
0x30c: {  	v62 =	vadd.s32 $0xF0, v25;
	v47 =	vld.idx.msk [tilespmem:v63+s23+$0x0], $0xffff;
	[tilespmem:s11+$0x12CD0] =	vst v52  }
0x30d: {  	[tilespmem:s11+$0x11CC0] =	vst v49;
	v45 =	vadd.s32 v26, v43;
	v42 =	vld.idx.msk [tilespmem:v54+s23+$0x0], $0xffff  }
0x30e: {  	v43 =	vand.u32 $0x7, v43;
	v58 =	vadd.s32 $0xC0, v32;
	v61 =	vld.idx.msk [tilespmem:v51+s23+$0x0], $0xffff;
	[tilespmem:s21+$0x17CD0] =	vst v33  }
0x30f: {  	v49 =	vadd.s32 $0x120, v29;
	v60 =	vadd.s32 $0x90, v27;
	v57 =	vadd.s32 $0x60, v31;
	v46 =	vld.idx.msk [tilespmem:v28+s23+$0x0], $0xffff;
	[tilespmem:s21+$0x15CC0] =	vst v30  }
0x310: {  	v38 =	vadd.s32 $0x90, v31;
	v37 =	vadd.s32 $0xC0, v31;
	v34 =	vadd.s32 $0xF0, v31;
	v59 =	vld.idx.msk [tilespmem:v55+s23+$0x0], $0xffff;
	[tilespmem:s9+$0x15CD0] =	vst v56  }
0x311: {  	[tilespmem:s9+$0x14CC0] =	vst v40;
	v33 =	vadd.s32 $0xF0, v32;
	v53 =	vld.idx.msk [tilespmem:v62+s23+$0x0], $0xffff;
	v62 =	vand.u32 $0xFFFFFFF8, v63;
	v63 =	vand.u32 $0xFFFFFFF8, v45  }
0x312: {  	v54 =	vld.idx.msk [tilespmem:v45+s23+$0x0], $0xffff;
	v51 =	vadd.s32 $0xC0, v27;
	v55 =	vadd.s32 $0x120, v25;
	[tilespmem:s11+$0x13CD0] =	vst v42;
	v43 =	vor.u32 v43, v63  }
0x313: {  	v28 =	vadd.s32 $0x150, v29;
	[tilespmem:s11+$0x12CC0] =	vst v61;
	v61 =	vand.u32 $0x7, v39;
	v45 =	vld.idx.msk [tilespmem:v58+s23+$0x0], $0xffff;
	v52 =	vadd.s32 $0x30, v43  }
0x314: {  	v29 =	vadd.s32 $0x150, v32;
	v30 =	vadd.s32 $0x120, v32;
	v36 =	vor.u32 v61, v62;
	v48 =	vld.idx.msk [tilespmem:v57+s23+$0x0], $0xffff;
	[tilespmem:s21+$0x18CD0] =	vst v46  }
0x315: {  	v32 =	vadd.s32 $0x120, v31;
	v31 =	vadd.s32 $0x150, v31;
	v46 =	vld.idx.msk [tilespmem:v60+s23+$0x0], $0xffff;
	v44 =	vadd.s32 $0x30, v36;
	[tilespmem:s21+$0x16CC0] =	vst v59  }
0x316: {  	v41 =	vadd.s32 $0x60, v36;
	v42 =	vadd.s32 $0x90, v36;
	v39 =	vadd.s32 $0xC0, v36;
	v49 =	vld.idx.msk [tilespmem:v49+s23+$0x0], $0xffff;
	[tilespmem:s9+$0x16CD0] =	vst v53  }
0x317: {  	s13 =	simm.s32 $0x6;
	s14 =	simm.s32 $0x200;
	[tilespmem:s12+$0x11CD0] =	vst v54;
	v40 =	vadd.s32 $0xF0, v36;
	v35 =	vadd.s32 $0x120, v36;
	v36 =	vadd.s32 $0x150, v36;
	v50 =	vld.idx.msk [tilespmem:v55+s23+$0x0], $0xffff  }
.LBB2_11:
0x318: {  	s15 =	sshra.s32 s14, $0x2;
	s13 =	sadd.s32 $0x2, s13;
	[tilespmem:s12+$0x11CC0] =	vst v47;
	v47 =	vld.idx.msk [tilespmem:v52+s23+$0x0], $0xffff  }
0x319: {  	v52 =	vld [tilespmem:s15+$0x8CD0];
	p0 =	slt.u32 s13, $0xFE;
	[tilespmem:s11+$0x13CC0] =	vst v48;
	v48 =	vadd.s32 $0x150, v25;
	v25 =	vmov v27;
	v27 =	vmov v43  }
0x31a: {  	v43 =	vld [tilespmem:s15+$0x8CC0];
	v53 =	vadd.s32 $0x60, v27;
	[tilespmem:s11+$0x14CD0] =	vst v46  }
0x31b: {  	v46 =	vld.idx.msk [tilespmem:v51+s23+$0x0], $0xffff;
	[tilespmem:s9+$0x15CC0] =	vst v45  }
0x31c: {  	v45 =	vld.idx.msk [tilespmem:v44+s23+$0x0], $0xffff;
	[tilespmem:s21+$0x17CC0] =	vst v49  }
0x31d: {  	v51 =	vadd.s32 $0xF0, v25;
	v49 =	vld.idx.msk [tilespmem:v38+s23+$0x0], $0xffff;
	[tilespmem:s9+$0x17CD0] =	vst v50;
	v38 =	vmov v42  }
0x31e: {  	v50 =	vadd.s32 v26, v52;
	[tilespmem:s12+$0x12CD0] =	vst v47;
	v48 =	vld.idx.msk [tilespmem:v48+s23+$0x0], $0xffff  }
0x31f: {  	v47 =	vadd.s32 v26, v43;
	v42 =	vand.u32 $0x7, v43;
	v53 =	vld.idx.msk [tilespmem:v53+s23+$0x0], $0xffff  }
0x320: {  	v43 =	vand.u32 $0xFFFFFFF8, v47;
	v54 =	vld.idx.msk [tilespmem:v33+s23+$0x0], $0xffff;
	v33 =	vmov v34;
	v34 =	vmov v40  }
0x321: {  	v56 =	vadd.s32 $0x90, v27;
	v55 =	vor.u32 v42, v43;
	[tilespmem:s11+$0x15CD0] =	vst v46;
	v57 =	vld.idx.msk [tilespmem:v28+s23+$0x0], $0xffff;
	v28 =	vmovc v29;
	v29 =	vmov v31  }
0x322: {  	v31 =	vmovc v36;
	v44 =	vadd.s32 $0x30, v55;
	v46 =	vadd.s32 $0x60, v55;
	v42 =	vadd.s32 $0x90, v55;
	[tilespmem:s12+$0x12CC0] =	vst v45;
	v58 =	vld.idx.msk [tilespmem:v51+s23+$0x0], $0xffff  }
0x323: {  	v36 =	vand.u32 $0xFFFFFFF8, v50;
	v43 =	vand.u32 $0x7, v52;
	v51 =	vadd.s32 $0xC0, v55;
	v59 =	vld.idx.msk [tilespmem:v50+s23+$0x0], $0xffff;
	[tilespmem:s11+$0x14CC0] =	vst v49  }
0x324: {  	v40 =	vadd.s32 $0xF0, v55;
	v43 =	vor.u32 v43, v36;
	v50 =	vadd.s32 $0x120, v25;
	v47 =	vld.idx.msk [tilespmem:v47+s23+$0x0], $0xffff;
	[tilespmem:s9+$0x18CD0] =	vst v48  }
.Ltmp4:
0x325: {  	v60 =	vadd.s32 $0x120, v55;
	v36 =	vadd.s32 $0x150, v55;
	v52 =	vadd.s32 $0x30, v43;
	v48 =	vld.idx.msk [tilespmem:v41+s23+$0x0], $0xffff;
	[tilespmem:s12+$0x13CD0] =	vst v53;
	v41 =	vmovc v46;
	(pc) =	sbr.rel @p0 .LBB2_11-.Ltmp4, $4  }
0x326: {  	v46 =	vld.idx.msk [tilespmem:v56+s23+$0x0], $0xffff;
	[tilespmem:s9+$0x16CC0] =	vst v54  }
0x327: {  	v45 =	vld.idx.msk [tilespmem:v37+s23+$0x0], $0xffff;
	[tilespmem:s21+$0x18CC0] =	vst v57;
	v37 =	vmov v39;
	v39 =	vmov v51;
	s21 =	smov.u32 s9;
	s9 =	smov.u32 s11;
	s11 =	smov.u32 s12  }
0x328: {  	v51 =	vadd.s32 $0xC0, v27;
	s12 =	smov.u32 s15;
	[tilespmem:s9+$0x16CD0] =	vst v58;
	v49 =	vld.idx.msk [tilespmem:v30+s23+$0x0], $0xffff;
	v30 =	vmovc v32;
	v32 =	vmov v35;
	v35 =	vmov v60  }
0x329: {  	s14 =	sadd.s32 $0x80, s14;
	[tilespmem:s12+$0x11CD0] =	vst v59;
	v50 =	vld.idx.msk [tilespmem:v50+s23+$0x0], $0xffff  }
0x32a: {  	_ =	sdelay $0x3  }
0x32b: {  	v26 =	vld.idx.msk [tilespmem:v52+s23+$0x0], $0xffff;
	[tilespmem:s12+$0x11CC0] =	vst v47  }
0x32c: {  	v63 =	vadd.s32 $0x60, v43;
	v44 =	vld.idx.msk [tilespmem:v44+s23+$0x0], $0xffff;
	_ =	sdelay $0x3  }
0x32d: {  	[tilespmem:s12+$0x12CD0] =	vst v26  }
0x32e: {  	v26 =	vld.idx.msk [tilespmem:v63+s23+$0x0], $0xffff;
	[tilespmem:s12+$0x12CC0] =	vst v44  }
0x32f: {  	v52 =	vadd.s32 $0x90, v43;
	v41 =	vld.idx.msk [tilespmem:v41+s23+$0x0], $0xffff;
	_ =	sdelay $0x2  }
0x330: {  	[tilespmem:s11+$0x13CC0] =	vst v48  }
0x331: {  	v38 =	vld.idx.msk [tilespmem:v38+s23+$0x0], $0xffff;
	[tilespmem:s12+$0x13CD0] =	vst v26  }
0x332: {  	v26 =	vld.idx.msk [tilespmem:v52+s23+$0x0], $0xffff;
	[tilespmem:s12+$0x13CC0] =	vst v41  }
0x333: {  	v53 =	vadd.s32 $0xC0, v43;
	v41 =	vld.idx.msk [tilespmem:v42+s23+$0x0], $0xffff;
	_ =	sdelay $0x1  }
0x334: {  	[tilespmem:s11+$0x14CD0] =	vst v46  }
0x335: {  	v54 =	vld.idx.msk [tilespmem:v51+s23+$0x0], $0xffff;
	[tilespmem:s11+$0x14CC0] =	vst v38  }
0x336: {  	v55 =	vadd.s32 $0xF0, v27;
	v37 =	vld.idx.msk [tilespmem:v37+s23+$0x0], $0xffff;
	[tilespmem:s12+$0x14CD0] =	vst v26  }
0x337: {  	v26 =	vld.idx.msk [tilespmem:v53+s23+$0x0], $0xffff;
	[tilespmem:s12+$0x14CC0] =	vst v41  }
0x338: {  	v56 =	vadd.s32 $0xF0, v43;
	[tilespmem:s9+$0x15CC0] =	vst v45;
	v39 =	vld.idx.msk [tilespmem:v39+s23+$0x0], $0xffff  }
0x339: {  	[tilespmem:s21+$0x17CC0] =	vst v49  }
0x33a: {  	v25 =	vadd.s32 $0x150, v25;
	v33 =	vld.idx.msk [tilespmem:v33+s23+$0x0], $0xffff;
	[tilespmem:s11+$0x15CD0] =	vst v54  }
0x33b: {  	v57 =	vld.idx.msk [tilespmem:v55+s23+$0x0], $0xffff;
	[tilespmem:s11+$0x15CC0] =	vst v37  }
0x33c: {  	v58 =	vadd.s32 $0x120, v27;
	v34 =	vld.idx.msk [tilespmem:v34+s23+$0x0], $0xffff;
	[tilespmem:s12+$0x15CD0] =	vst v26  }
0x33d: {  	v26 =	vld.idx.msk [tilespmem:v56+s23+$0x0], $0xffff;
	[tilespmem:s12+$0x15CC0] =	vst v39  }
0x33e: {  	v59 =	vadd.s32 $0x120, v43;
	[tilespmem:s9+$0x17CD0] =	vst v50;
	v60 =	vld.idx.msk [tilespmem:v40+s23+$0x0], $0xffff  }
0x33f: {  	v25 =	vld.idx.msk [tilespmem:v25+s23+$0x0], $0xffff;
	[tilespmem:s9+$0x16CC0] =	vst v33  }
0x340: {  	v30 =	vld.idx.msk [tilespmem:v30+s23+$0x0], $0xffff;
	[tilespmem:s11+$0x16CD0] =	vst v57  }
0x341: {  	v61 =	vld.idx.msk [tilespmem:v58+s23+$0x0], $0xffff;
	[tilespmem:s11+$0x16CC0] =	vst v34  }
0x342: {  	v27 =	vadd.s32 $0x150, v27;
	v32 =	vld.idx.msk [tilespmem:v32+s23+$0x0], $0xffff;
	[tilespmem:s12+$0x16CD0] =	vst v26  }
0x343: {  	v26 =	vld.idx.msk [tilespmem:v59+s23+$0x0], $0xffff;
	[tilespmem:s12+$0x16CC0] =	vst v60  }
0x344: {  	v62 =	vadd.s32 $0x150, v43;
	[tilespmem:s9+$0x18CD0] =	vst v25;
	v25 =	vld.idx.msk [tilespmem:v35+s23+$0x0], $0xffff  }
0x345: {  	v28 =	vld.idx.msk [tilespmem:v28+s23+$0x0], $0xffff;
	[tilespmem:s9+$0x17CC0] =	vst v30  }
0x346: {  	v29 =	vld.idx.msk [tilespmem:v29+s23+$0x0], $0xffff;
	[tilespmem:s11+$0x17CD0] =	vst v61  }
0x347: {  	v27 =	vld.idx.msk [tilespmem:v27+s23+$0x0], $0xffff;
	[tilespmem:s11+$0x17CC0] =	vst v32  }
0x348: {  	v63 =	vld.idx.msk [tilespmem:v31+s23+$0x0], $0xffff;
	[tilespmem:s12+$0x17CD0] =	vst v26  }
0x349: {  	v26 =	vld.idx.msk [tilespmem:v62+s23+$0x0], $0xffff;
	[tilespmem:s12+$0x17CC0] =	vst v25  }
0x34a: {  	[tilespmem:s21+$0x18CC0] =	vst v28;
	v25 =	vld.idx.msk [tilespmem:v36+s23+$0x0], $0xffff  }
0x34b: {  	[tilespmem:s9+$0x18CC0] =	vst v29  }
0x34c: {  	p0 =	seq.s32 s0, $0x1E;
	[tilespmem:s11+$0x18CD0] =	vst v27  }
0x34d: {  	s5 =	sadd.s32 @!p0 $0xEC000, s5;
	[tilespmem:s11+$0x18CC0] =	vst v63  }
0x34e: {  	s0 =	sadd.s32 $0x1, s0;
	s5 =	sshrl.u32 @!p0 s5, $0x3;
	[tilespmem:s12+$0x18CD0] =	vst v26  }
0x34f: {  	s5 =	sadd.s32 @!p0 s1, s5;
	s9 =	simm.s32 @!p0 $0x0;
	s11 =	simm.s32 @!p0 $0x8CC0;
	[tilespmem:s12+$0x18CC0] =	vst v25  }
0x350: {  	[tilespmem:s11], [sflag:$0x4] =	stream.linear.gather @!p0 [hbm4b:s5+s9], $0x1000, $0x38;
	[tilespmem:$0x19CC0] =	vst v63  }
0x351: {  	p0 =	sne.s32 s0, $0x1F  }
.Ltmp5:
0x352: {  	s4 =	sshll.u32 s4, $0x14;
	(pc) =	sbr.rel @p0 .LBB2_8-.Ltmp5, $4  }
0x353: {  	s4 =	sor.u32 s8, s4  }
0x354: {  	s4 =	sshrl.u32 s4, $0x3  }
0x355: {  	s4 =	sadd.s32 s6, s4  }
0x356: {  	[hbm4b:s4+s24] =	stream.strided.scatter [tilespmem:s29], [sflag:$0x2], $0x8000, s25, s24, $0x38;
	[tilespmem:$0x19CC0] =	vst v63  }
0x357: {  	_ =	swait.ge [sflag:s22], $0x1000  }
0x358: {  	[sflag:s22] =	ssyncset.done $0x0  }
0x359: {  	[sflag:s22] =	ssyncadd.s32 $0xFFFFF000  }
0x35a: {  	_ =	swait.ge [sflag:s30], $0x8000  }
0x35b: {  	[sflag:s30] =	ssyncset.done $0x0  }
0x35c: {  	s4 =	simm.s32 $0x0;
	[sflag:s30] =	ssyncadd.s32 $0xFFFF8000  }
0x35d: {  	v27 =	vld [tilespmem:s4+$0x7CD0]  }
0x35e: {  	v28 =	vld [tilespmem:s4+$0x7CC0];
	_ =	sdelay $0x6  }
0x35f: {  	v25 =	vld.idx.msk [tilespmem:v27+s23+$0x0], $0xffff  }
0x360: {  	v29 =	vadd.s32 $0x30, v27;
	v26 =	vld.idx.msk [tilespmem:v28+s23+$0x0], $0xffff  }
0x361: {  	v30 =	vadd.s32 $0x30, v28;
	_ =	sdelay $0x1  }
0x362: {  	s0 =	simm.s32 $0x20  }
0x363: {  	v32 =	vld [tilespmem:s0+$0x7CC0];
	[tilespmem:s4+$0x9CD0] =	vst v25  }
0x364: {  	[tilespmem:s4+$0x9CC0] =	vst v26;
	v26 =	vld.idx.msk [tilespmem:v29+s23+$0x0], $0xffff  }
0x365: {  	v29 =	vld.idx.msk [tilespmem:v30+s23+$0x0], $0xffff;
	v30 =	vadd.s32 $0x60, v27  }
0x366: {  	v25 =	vld [tilespmem:s0+$0x7CD0]  }
0x367: {  	v31 =	vadd.s32 $0x60, v28;
	_ =	sdelay $0x1  }
0x368: {  	[tilespmem:s4+$0xACD0] =	vst v26  }
0x369: {  	v26 =	vld.idx.msk [tilespmem:v30+s23+$0x0], $0xffff  }
0x36a: {  	v34 =	vld.idx.msk [tilespmem:v32+s23+$0x0], $0xffff;
	[tilespmem:s4+$0xACC0] =	vst v29;
	v29 =	vadd.s32 $0x90, v27  }
0x36b: {  	v36 =	vadd.s32 $0x30, v32;
	v30 =	vld.idx.msk [tilespmem:v31+s23+$0x0], $0xffff  }
0x36c: {  	v31 =	vadd.s32 $0x90, v28  }
0x36d: {  	v33 =	vld.idx.msk [tilespmem:v25+s23+$0x0], $0xffff  }
0x36e: {  	v35 =	vadd.s32 $0x30, v25;
	[tilespmem:s4+$0xBCD0] =	vst v26  }
0x36f: {  	[tilespmem:s0+$0x9CC0] =	vst v34;
	v29 =	vld.idx.msk [tilespmem:v29+s23+$0x0], $0xffff  }
0x370: {  	v34 =	vld.idx.msk [tilespmem:v36+s23+$0x0], $0xffff;
	[tilespmem:s4+$0xBCC0] =	vst v30  }
0x371: {  	s5 =	simm.s32 $0x40;
	v30 =	vadd.s32 $0xC0, v27;
	v31 =	vld.idx.msk [tilespmem:v31+s23+$0x0], $0xffff  }
0x372: {  	v42 =	vadd.s32 $0xC0, v28;
	v26 =	vld [tilespmem:s5+$0x7CD0];
	[tilespmem:s0+$0x9CD0] =	vst v33  }
0x373: {  	v43 =	vadd.s32 $0x60, v32;
	v33 =	vld.idx.msk [tilespmem:v35+s23+$0x0], $0xffff  }
0x374: {  	v37 =	vld [tilespmem:s5+$0x7CC0];
	[tilespmem:s4+$0xCCD0] =	vst v29;
	v29 =	vadd.s32 $0x60, v25;
	_ =	sdelay $0x1  }
0x375: {  	[tilespmem:s4+$0xCCC0] =	vst v31;
	v30 =	vld.idx.msk [tilespmem:v30+s23+$0x0], $0xffff  }
0x376: {  	[tilespmem:s0+$0xACC0] =	vst v34;
	v31 =	vld.idx.msk [tilespmem:v42+s23+$0x0], $0xffff  }
0x377: {  	v38 =	vadd.s32 $0xF0, v27;
	v34 =	vld.idx.msk [tilespmem:v43+s23+$0x0], $0xffff;
	[tilespmem:s0+$0xACD0] =	vst v33  }
0x378: {  	s9 =	simm.s32 $0x60;
	v44 =	vadd.s32 $0xF0, v28;
	v29 =	vld.idx.msk [tilespmem:v29+s23+$0x0], $0xffff  }
0x379: {  	v39 =	vadd.s32 $0x120, v27;
	v53 =	vadd.s32 $0x150, v27;
	v45 =	vadd.s32 $0x90, v25;
	v27 =	vld [tilespmem:s9+$0x7CD0]  }
0x37a: {  	v47 =	vld.idx.msk [tilespmem:v26+s23+$0x0], $0xffff;
	[tilespmem:s4+$0xDCD0] =	vst v30;
	v30 =	vadd.s32 $0x90, v32  }
0x37b: {  	v40 =	vadd.s32 $0x30, v26;
	[tilespmem:s4+$0xDCC0] =	vst v31;
	v31 =	vld.idx.msk [tilespmem:v37+s23+$0x0], $0xffff  }
0x37c: {  	v41 =	vadd.s32 $0x30, v37;
	v46 =	vld.idx.msk [tilespmem:v38+s23+$0x0], $0xffff  }
0x37d: {  	[tilespmem:s0+$0xBCD0] =	vst v29;
	v29 =	vld.idx.msk [tilespmem:v44+s23+$0x0], $0xffff  }
0x37e: {  	[tilespmem:s0+$0xBCC0] =	vst v34;
	v48 =	vld.idx.msk [tilespmem:v45+s23+$0x0], $0xffff  }
0x37f: {  	[tilespmem:s5+$0x9CD0] =	vst v47;
	v30 =	vld.idx.msk [tilespmem:v30+s23+$0x0], $0xffff  }
0x380: {  	v49 =	vadd.s32 $0xC0, v25;
	[tilespmem:s5+$0x9CC0] =	vst v31;
	v31 =	vld.idx.msk [tilespmem:v40+s23+$0x0], $0xffff  }
0x381: {  	v51 =	vadd.s32 $0xC0, v32;
	v52 =	vld.idx.msk [tilespmem:v41+s23+$0x0], $0xffff  }
0x382: {  	v56 =	vadd.s32 $0x120, v28;
	[tilespmem:s4+$0xECD0] =	vst v46;
	v46 =	vld.idx.msk [tilespmem:v27+s23+$0x0], $0xffff  }
0x383: {  	v54 =	vadd.s32 $0x60, v26;
	v50 =	vld.idx.msk [tilespmem:v39+s23+$0x0], $0xffff;
	[tilespmem:s0+$0xCCD0] =	vst v48  }
0x384: {  	v55 =	vadd.s32 $0x60, v37;
	[tilespmem:s0+$0xCCC0] =	vst v30;
	v30 =	vld [tilespmem:s9+$0x7CC0]  }
0x385: {  	v34 =	vld.idx.msk [tilespmem:v49+s23+$0x0], $0xffff  }
0x386: {  	v42 =	vadd.s32 $0xF0, v25;
	[tilespmem:s4+$0xECC0] =	vst v29;
	v36 =	vld.idx.msk [tilespmem:v51+s23+$0x0], $0xffff  }
0x387: {  	v58 =	vadd.s32 $0xF0, v32;
	[tilespmem:s5+$0xACD0] =	vst v31;
	v60 =	vld.idx.msk [tilespmem:v56+s23+$0x0], $0xffff  }
0x388: {  	[tilespmem:s5+$0xACC0] =	vst v52;
	v57 =	vld.idx.msk [tilespmem:v54+s23+$0x0], $0xffff  }
0x389: {  	v59 =	vadd.s32 $0x90, v26;
	[tilespmem:s4+$0xFCD0] =	vst v50;
	v29 =	vld.idx.msk [tilespmem:v55+s23+$0x0], $0xffff  }
0x38a: {  	v63 =	vadd.s32 $0x150, v28;
	v31 =	vld.idx.msk [tilespmem:v53+s23+$0x0], $0xffff;
	[tilespmem:s0+$0xDCD0] =	vst v34  }
0x38b: {  	v61 =	vadd.s32 $0x90, v37;
	[tilespmem:s0+$0xDCC0] =	vst v36;
	v62 =	vld.idx.msk [tilespmem:v42+s23+$0x0], $0xffff  }
0x38c: {  	v48 =	vadd.s32 $0x120, v25;
	[tilespmem:s9+$0x9CD0] =	vst v46;
	v40 =	vld.idx.msk [tilespmem:v58+s23+$0x0], $0xffff  }
0x38d: {  	v49 =	vadd.s32 $0x30, v27;
	[tilespmem:s5+$0xBCD0] =	vst v57;
	v47 =	vld.idx.msk [tilespmem:v30+s23+$0x0], $0xffff  }
0x38e: {  	v28 =	vadd.s32 $0x150, v32;
	[tilespmem:s4+$0xFCC0] =	vst v60;
	v43 =	vadd.s32 $0x30, v30;
	v44 =	vld.idx.msk [tilespmem:v59+s23+$0x0], $0xffff  }
0x38f: {  	v33 =	vadd.s32 $0xF0, v37;
	v46 =	vadd.s32 $0xC0, v26;
	v38 =	vadd.s32 $0x60, v30;
	[tilespmem:s5+$0xBCC0] =	vst v29;
	v42 =	vld.idx.msk [tilespmem:v63+s23+$0x0], $0xffff  }
0x390: {  	v39 =	vadd.s32 $0xC0, v30;
	v35 =	vadd.s32 $0xF0, v30;
	v36 =	vadd.s32 $0xC0, v37;
	v45 =	vld.idx.msk [tilespmem:v61+s23+$0x0], $0xffff;
	[tilespmem:s0+$0xECD0] =	vst v62  }
0x391: {  	v34 =	vadd.s32 $0x120, v30;
	v29 =	vadd.s32 $0x150, v37;
	[tilespmem:s4+$0x10CD0] =	vst v31;
	v31 =	vadd.s32 $0x120, v32;
	v41 =	vld.idx.msk [tilespmem:v48+s23+$0x0], $0xffff  }
0x392: {  	s11 =	simm.s32 $0x6;
	s12 =	simm.s32 $0x200;
	v32 =	vadd.s32 $0x120, v37;
	v37 =	vadd.s32 $0x90, v30;
	v30 =	vadd.s32 $0x150, v30;
	[tilespmem:s9+$0x9CC0] =	vst v47;
	v47 =	vld.idx.msk [tilespmem:v49+s23+$0x0], $0xffff  }
.LBB2_14:
0x393: {  	s13 =	sshra.s32 s12, $0x2;
	v43 =	vld.idx.msk [tilespmem:v43+s23+$0x0], $0xffff;
	[tilespmem:s0+$0xECC0] =	vst v40;
	v40 =	vadd.s32 $0x150, v25;
	v25 =	vmov v26;
	v26 =	vmov v27  }
0x394: {  	s11 =	sadd.s32 $0x2, s11;
	v27 =	vld [tilespmem:s13+$0x7CD0];
	v48 =	vadd.s32 $0x60, v26;
	[tilespmem:s5+$0xCCD0] =	vst v44  }
0x395: {  	p0 =	slt.u32 s11, $0xFE;
	[tilespmem:s5+$0xCCC0] =	vst v45;
	v44 =	vld.idx.msk [tilespmem:v46+s23+$0x0], $0xffff  }
0x396: {  	v45 =	vld [tilespmem:s13+$0x7CC0];
	[tilespmem:s4+$0x10CC0] =	vst v42;
	s4 =	smov.u32 s0;
	s0 =	smov.u32 s5;
	s5 =	smov.u32 s9  }
0x397: {  	v46 =	vadd.s32 $0xF0, v25;
	s9 =	smov.u32 s13;
	v42 =	vld.idx.msk [tilespmem:v36+s23+$0x0], $0xffff;
	[tilespmem:s4+$0xFCD0] =	vst v41;
	v36 =	vmov v39  }
0x398: {  	[tilespmem:s5+$0xACD0] =	vst v47;
	v40 =	vld.idx.msk [tilespmem:v40+s23+$0x0], $0xffff  }
0x399: {  	[tilespmem:s5+$0xACC0] =	vst v43;
	v41 =	vld.idx.msk [tilespmem:v48+s23+$0x0], $0xffff  }
0x39a: {  	v47 =	vld.idx.msk [tilespmem:v38+s23+$0x0], $0xffff  }
0x39b: {  	v48 =	vadd.s32 $0x90, v26;
	v43 =	vadd.s32 $0x30, v45;
	v38 =	vadd.s32 $0x60, v45;
	[tilespmem:s0+$0xDCD0] =	vst v44;
	v49 =	vld.idx.msk [tilespmem:v31+s23+$0x0], $0xffff;
	v31 =	vmovc v32;
	v32 =	vmovc v34  }
0x39c: {  	v50 =	vadd.s32 $0x90, v45;
	v39 =	vadd.s32 $0xC0, v45;
	v44 =	vadd.s32 $0xF0, v45;
	v51 =	vld.idx.msk [tilespmem:v46+s23+$0x0], $0xffff  }
0x39d: {  	v34 =	vadd.s32 $0x120, v45;
	v52 =	vadd.s32 $0x150, v45;
	v53 =	vld.idx.msk [tilespmem:v27+s23+$0x0], $0xffff;
	[tilespmem:s0+$0xDCC0] =	vst v42  }
0x39e: {  	v55 =	vadd.s32 $0x120, v25;
	v54 =	vld.idx.msk [tilespmem:v45+s23+$0x0], $0xffff;
	[tilespmem:s4+$0x10CD0] =	vst v40  }
0x39f: {  	v56 =	vadd.s32 $0x30, v27;
	[tilespmem:s5+$0xBCD0] =	vst v41;
	v40 =	vld.idx.msk [tilespmem:v33+s23+$0x0], $0xffff;
	v33 =	vmov v35;
	v35 =	vmov v44  }
.Ltmp6:
0x3a0: {  	[tilespmem:s5+$0xBCC0] =	vst v47;
	v44 =	vld.idx.msk [tilespmem:v48+s23+$0x0], $0xffff;
	(pc) =	sbr.rel @p0 .LBB2_14-.Ltmp6, $4  }
0x3a1: {  	v45 =	vld.idx.msk [tilespmem:v37+s23+$0x0], $0xffff;
	[tilespmem:s4+$0xFCC0] =	vst v49;
	v37 =	vmov v50  }
0x3a2: {  	v46 =	vadd.s32 $0xC0, v26;
	[tilespmem:s0+$0xECD0] =	vst v51;
	v42 =	vld.idx.msk [tilespmem:v28+s23+$0x0], $0xffff;
	v28 =	vmovc v29;
	v29 =	vmov v30;
	v30 =	vmov v52  }
0x3a3: {  	[tilespmem:s9+$0x9CD0] =	vst v53;
	v41 =	vld.idx.msk [tilespmem:v55+s23+$0x0], $0xffff  }
0x3a4: {  	s12 =	sadd.s32 $0x80, s12;
	[tilespmem:s9+$0x9CC0] =	vst v54;
	v47 =	vld.idx.msk [tilespmem:v56+s23+$0x0], $0xffff  }
0x3a5: {  	_ =	sdelay $0x3  }
0x3a6: {  	v43 =	vld.idx.msk [tilespmem:v43+s23+$0x0], $0xffff;
	v48 =	vadd.s32 $0x60, v27;
	_ =	sdelay $0x3  }
0x3a7: {  	[tilespmem:s9+$0xACD0] =	vst v47  }
0x3a8: {  	[tilespmem:s9+$0xACC0] =	vst v43;
	v52 =	vld.idx.msk [tilespmem:v48+s23+$0x0], $0xffff  }
0x3a9: {  	v53 =	vadd.s32 $0x90, v27;
	v38 =	vld.idx.msk [tilespmem:v38+s23+$0x0], $0xffff;
	_ =	sdelay $0x3  }
0x3aa: {  	[tilespmem:s9+$0xBCD0] =	vst v52  }
0x3ab: {  	[tilespmem:s9+$0xBCC0] =	vst v38;
	v54 =	vld.idx.msk [tilespmem:v53+s23+$0x0], $0xffff  }
0x3ac: {  	v55 =	vadd.s32 $0xC0, v27;
	v37 =	vld.idx.msk [tilespmem:v37+s23+$0x0], $0xffff;
	_ =	sdelay $0x1  }
0x3ad: {  	[tilespmem:s5+$0xCCD0] =	vst v44  }
0x3ae: {  	[tilespmem:s5+$0xCCC0] =	vst v45;
	v44 =	vld.idx.msk [tilespmem:v46+s23+$0x0], $0xffff  }
0x3af: {  	v56 =	vadd.s32 $0xF0, v26;
	v36 =	vld.idx.msk [tilespmem:v36+s23+$0x0], $0xffff;
	[tilespmem:s9+$0xCCD0] =	vst v54  }
0x3b0: {  	[tilespmem:s9+$0xCCC0] =	vst v37;
	v57 =	vld.idx.msk [tilespmem:v55+s23+$0x0], $0xffff  }
0x3b1: {  	v59 =	vadd.s32 $0xF0, v27;
	v58 =	vld.idx.msk [tilespmem:v39+s23+$0x0], $0xffff;
	_ =	sdelay $0x1  }
0x3b2: {  	[tilespmem:s5+$0xDCD0] =	vst v44  }
0x3b3: {  	v60 =	vld.idx.msk [tilespmem:v56+s23+$0x0], $0xffff;
	[tilespmem:s5+$0xDCC0] =	vst v36  }
0x3b4: {  	v61 =	vadd.s32 $0x120, v26;
	v33 =	vld.idx.msk [tilespmem:v33+s23+$0x0], $0xffff;
	[tilespmem:s9+$0xDCD0] =	vst v57  }
0x3b5: {  	v37 =	vld.idx.msk [tilespmem:v59+s23+$0x0], $0xffff;
	[tilespmem:s9+$0xDCC0] =	vst v58  }
0x3b6: {  	[tilespmem:s0+$0xECC0] =	vst v40;
	v62 =	vadd.s32 $0x120, v27;
	v35 =	vld.idx.msk [tilespmem:v35+s23+$0x0], $0xffff  }
0x3b7: {  	[tilespmem:s4+$0x10CC0] =	vst v42  }
0x3b8: {  	v25 =	vadd.s32 $0x150, v25;
	v31 =	vld.idx.msk [tilespmem:v31+s23+$0x0], $0xffff;
	[tilespmem:s5+$0xECD0] =	vst v60  }
0x3b9: {  	v36 =	vld.idx.msk [tilespmem:v61+s23+$0x0], $0xffff;
	[tilespmem:s5+$0xECC0] =	vst v33  }
0x3ba: {  	v26 =	vadd.s32 $0x150, v26;
	v32 =	vld.idx.msk [tilespmem:v32+s23+$0x0], $0xffff;
	[tilespmem:s9+$0xECD0] =	vst v37  }
0x3bb: {  	v63 =	vld.idx.msk [tilespmem:v62+s23+$0x0], $0xffff;
	[tilespmem:s9+$0xECC0] =	vst v35  }
0x3bc: {  	v27 =	vadd.s32 $0x150, v27;
	[tilespmem:s0+$0xFCD0] =	vst v41;
	v34 =	vld.idx.msk [tilespmem:v34+s23+$0x0], $0xffff  }
0x3bd: {  	v25 =	vld.idx.msk [tilespmem:v25+s23+$0x0], $0xffff;
	[tilespmem:s0+$0xFCC0] =	vst v31  }
0x3be: {  	v28 =	vld.idx.msk [tilespmem:v28+s23+$0x0], $0xffff;
	[tilespmem:s5+$0xFCD0] =	vst v36  }
0x3bf: {  	v26 =	vld.idx.msk [tilespmem:v26+s23+$0x0], $0xffff;
	[tilespmem:s5+$0xFCC0] =	vst v32  }
0x3c0: {  	v29 =	vld.idx.msk [tilespmem:v29+s23+$0x0], $0xffff;
	[tilespmem:s9+$0xFCD0] =	vst v63  }
0x3c1: {  	v27 =	vld.idx.msk [tilespmem:v27+s23+$0x0], $0xffff;
	[tilespmem:s9+$0xFCC0] =	vst v34  }
0x3c2: {  	[tilespmem:s0+$0x10CD0] =	vst v25;
	v25 =	vld.idx.msk [tilespmem:v30+s23+$0x0], $0xffff  }
0x3c3: {  	[tilespmem:s0+$0x10CC0] =	vst v28  }
0x3c4: {  	[tilespmem:s5+$0x10CD0] =	vst v26  }
0x3c5: {  	[tilespmem:s5+$0x10CC0] =	vst v29  }
0x3c6: {  	[tilespmem:s9+$0x10CD0] =	vst v27  }
0x3c7: {  	s2 =	sadd.s32 $0x1, s2;
	[tilespmem:s9+$0x10CC0] =	vst v25  }
0x3c8: {  	[hbm4b:s10+s24] =	stream.strided.scatter [tilespmem:s26], [sflag:$0x1], $0x8000, s25, s24, $0x38;
	[tilespmem:$0x19CC0] =	vst v63  }
0x3c9: {  	p0 =	sne.s32 s2, s16;
	_ =	swait.ge [sflag:s30], $0x8000  }
.Ltmp7:
0x3ca: {  	[sflag:s30] =	ssyncset.done $0x0;
	(pc) =	sbr.rel @p0 .LBB2_1-.Ltmp7, $4  }
0x3cb: {  	[sflag:s30] =	ssyncadd.s32 $0xFFFF8000  }
0x3cc: {  	_ =	swait.ge [sflag:s31], $0x8000  }
0x3cd: {  	[sflag:s31] =	ssyncset.done $0x0  }
0x3ce: {  	s14 =	simm.s32 $0x8CC0;
	[sflag:s31] =	ssyncadd.s32 $0xFFFF8000  }
0x3cf: {  	_ =	sfence.sel $0x180000  }
0x3d0: {  	[bflag:$0x0] =	sbarrier.arrive $0xFFFF  }
0x3d1: {  	_ =	strace $0x90000047  }
0x3d2: {  	s0 =	stileid.u32;
	[bflag:$0x2] =	sbarrier.arrive $0xFFFF  }
0x3d3: {  	p0 =	sne.s32 s0, $0x0;
	s0 =	rddreg [dreg:$0x2]  }
0x3d4: {  	s0 =	sadd.s32 @!p0 $0x100000, s0  }
0x3d5: {  	[sflag:s0] =	ssyncadd.tile.s32 @!p0 $0x1;
	_ =	shalt  }
.Lfunc_end2:
_tile_overlayer_lowered:
.L_overlay_start_2:
0x3d6: {  	(tag) =	ssettag $0x2  }
0x3d7: {  	s0 =	rddreg [dreg:$0x0];
	s2 =	stileid.u32  }
0x3d8: {  	s1 =	rddreg [dreg:$0x1];
	p0 =	sne.s32 s2, $0x0  }
0x3d9: {  	s3 =	rddreg [dreg:$0x2];
	[bflag:$0x3] =	sbarrier.arrive $0xFFFF;
	s2 =	simm.s32 @!p0 $0x1C05  }
0x3da: {  	[timem:s3], [sflag:s2] =	dma.local @!p0 [hbm:s0], s1  }
0x3db: {  	s0 =	simm.s32 @!p0 $0x5  }
0x3dc: {  	_ =	swait.ge @!p0 [sflag:s0], s1  }
0x3dd: {  	s1 =	ssub.s32 @!p0 $0x0, s1;
	[sflag:s0] =	ssyncset.done @!p0 $0x0  }
0x3de: {  	[sflag:s0] =	ssyncadd.s32 @!p0 s1  }
0x3df: {  	[bflag:$0x3] =	sbarrier.arrive $0xFFFF  }
0x3e0: {  	_ =	shalt  }

</sc_bundles>
